<compile_context>
chip_gen: v7x
topology: tpu7x:2x2x1
jax: 0.10.2.dev20260603
libtpu: 0.0.44.dev20260713+nightly
codegen_flags: <defaults>
</compile_context>

<pallas_src>
import functools

import jax
import jax.numpy as jnp
import numpy as np
from jax import lax
from jax.experimental import pallas as pl
from jax.experimental.pallas import tpu as pltpu
from jax.experimental.pallas import tpu_sc as plsc

_N = 10000
_E = 320000
_D = 128
_NG = 64
_NQ = 8
_DIM = 256
_QL = 2
_NCLS = 10

_NC, _NS = 2, 16
_NW = _NC * _NS
_CHUNK = 128
_SUP = 8
_NSUP = 10
_CPT = _SUP * _NSUP
_EPAD = _NW * _CPT * _CHUNK
_CPT0, _CPT1 = 80, 80
_NSUP0, _NSUP1 = _CPT0 // _SUP, _CPT1 // _SUP
_NPAD = 10112
_RPT = _NPAD // _NS
_DEGW = 16


def _build_quantum_mats():
    X = np.zeros((_NQ, _DIM, _DIM), np.float32)
    M = np.zeros((_NQ, _DIM), np.float32)
    C = np.zeros((_NQ, _DIM, _DIM), np.float32)
    idx = np.arange(_DIM)
    for q in range(_NQ):
        bit = 1 << (_NQ - 1 - q)
        X[q, idx ^ bit, idx] = 1.0
        M[q] = np.where(idx & bit, 1.0, -1.0)
        ctrl_bit = (idx >> (_NQ - 1 - q)) & 1
        tgt = (q + 1) % _NQ
        perm = np.where(ctrl_bit == 1, idx ^ (1 << (_NQ - 1 - tgt)), idx)
        C[q, perm, idx] = 1.0
    CC = C[0]
    for q in range(1, _NQ):
        CC = CC @ C[q]
    S = np.zeros((_NQ, _DIM), np.float32)
    for q in range(_NQ):
        S[q] = 1.0 - 2.0 * ((idx >> (_NQ - 1 - q)) & 1)
    return X, M, np.ascontiguousarray(CC), np.ascontiguousarray(S.T)


_XM, _MM, _CCM, _SIGNS_T = _build_quantum_mats()


def _sc_degree(dst_pad):
    mesh = plsc.VectorSubcoreMesh(core_axis_name="c", subcore_axis_name="s")

    @functools.partial(
        pl.kernel,
        out_type=jax.ShapeDtypeStruct((_NW * _NPAD,), jnp.float32),
        mesh=mesh,
        scratch_types=[
            pltpu.VMEM((_SUP, _CHUNK), jnp.int32),
            pltpu.VMEM((_NPAD,), jnp.float32),
        ],
        compiler_params=pltpu.CompilerParams(needs_layout_passes=False),
    )
    def deg_kernel(dst_hbm, out_hbm, idx_v, hist):
        c = lax.axis_index("c")
        s = lax.axis_index("s")
        w = c * _NS + s

        def fill_zero(i, carry):
            hist[pl.ds(i * 16, 16)] = jnp.zeros((16,), jnp.float32)
            return carry

        lax.fori_loop(0, _NPAD // 16, fill_zero, 0)

        def sup(t, carry):
            row = w * _CPT + t * _SUP
            pltpu.sync_copy(dst_hbm.at[pl.ds(row, _SUP)], idx_v)
            for k in range(_SUP):
                for j in range(_CHUNK // 16):
                    iv = idx_v[k, pl.ds(j * 16, 16)]
                    cnt, last = plsc.scan_count(iv)
                    plsc.addupdate_scatter(hist, [iv],
                                           cnt.astype(jnp.float32), mask=last)
            return carry

        lax.fori_loop(0, _NSUP, sup, 0)

        pltpu.sync_copy(hist, out_hbm.at[pl.ds(w * _NPAD, _NPAD)])

    return deg_kernel(dst_pad)


def _sc_edge_scatter(hp, src_pad, dst_pad):
    mesh = plsc.VectorSubcoreMesh(core_axis_name="c", subcore_axis_name="s")

    @functools.partial(
        pl.kernel,
        out_type=jax.ShapeDtypeStruct((_NC * _NPAD, _D), jnp.float32),
        mesh=mesh,
        scratch_types=[
            pltpu.VMEM((_SUP, _CHUNK), jnp.int32),
            pltpu.VMEM((_SUP, _CHUNK), jnp.int32),
            pltpu.VMEM((_CHUNK, _D), jnp.float32),
            pltpu.VMEM((_CHUNK, _D), jnp.float32),
            pltpu.SemaphoreType.DMA,
            pltpu.SemaphoreType.DMA,
            pltpu.VMEM_SHARED((_NPAD, _D), jnp.float32),
        ],
    )
    def edge_kernel(hp_hbm, src_hbm, dst_hbm, out_hbm,
                    idx_v, didx_v, rows_a, rows_b,
                    sem_a, sem_b, acc_sh):
        c = lax.axis_index("c")
        s = lax.axis_index("s")
        nsup = jnp.where(c == 0, _NSUP0, _NSUP1)
        chunk_base = jnp.where(c == 0, s * _CPT0, _NS * _CPT0 + s * _CPT1)

        with jax.named_scope("acc_zero_init"):
            def fill_zero(i, carry):
                for k in range(_D // 16):
                    rows_a[i, pl.ds(k * 16, 16)] = jnp.zeros((16,),
                                                             jnp.float32)
                return carry

            lax.fori_loop(0, _CHUNK, fill_zero, 0)
            for k in range(_RPT // _CHUNK):
                pltpu.sync_copy(rows_a,
                                acc_sh.at[pl.ds(s * _RPT + k * _CHUNK,
                                                _CHUNK)])
            _REM = _RPT % _CHUNK
            pltpu.sync_copy(
                rows_a.at[pl.ds(0, _REM)],
                acc_sh.at[pl.ds(s * _RPT + (_RPT // _CHUNK) * _CHUNK, _REM)])
        plsc.subcore_barrier()

        rows = (rows_a, rows_b)
        sems = (sem_a, sem_b)

        def sup(t, carry):
            row = chunk_base + t * _SUP
            pltpu.sync_copy(src_hbm.at[pl.ds(row, _SUP)], idx_v)
            pltpu.sync_copy(dst_hbm.at[pl.ds(row, _SUP)], didx_v)
            cp = pltpu.async_copy(hp_hbm.at[idx_v.at[0]], rows[0], sems[0])
            for k in range(_SUP):
                nxt = None
                if k + 1 < _SUP:
                    nxt = pltpu.async_copy(hp_hbm.at[idx_v.at[k + 1]],
                                           rows[(k + 1) % 2],
                                           sems[(k + 1) % 2])
                cp.wait()
                pltpu.sync_copy(rows[k % 2], acc_sh.at[didx_v.at[k]],
                                add=True)
                cp = nxt
            return carry

        with jax.named_scope("edge_main"):
            lax.fori_loop(0, nsup, sup, 0)

        plsc.subcore_barrier()
        with jax.named_scope("acc_copy_out"):
            pltpu.sync_copy(
                acc_sh.at[pl.ds(s * _RPT, _RPT)],
                out_hbm.at[pl.ds(c * _NPAD + s * _RPT, _RPT)],
            )

    return edge_kernel(hp, src_pad, dst_pad)


def _tc_prescale(x, wt, deg_hists):
    def body(x_ref, wt_ref, dh_ref, hp_ref, dinv_ref):
        hists = dh_ref[...]
        ones_w = jnp.ones((_NW, 1), jnp.float32)
        deg = lax.dot_general(hists, ones_w, (((0,), (0,)), ((), ())),
                              preferred_element_type=jnp.float32,
                  precision=lax.Precision.HIGHEST) + 1.0
        dinv = lax.rsqrt(jnp.maximum(deg, 1e-12))
        dinv_ref[...] = jnp.broadcast_to(dinv, (_NPAD, _DEGW))
        h = jnp.dot(x_ref[...], wt_ref[...], preferred_element_type=jnp.float32,
                  precision=lax.Precision.HIGHEST)
        hp_ref[...] = h * dinv[:_N]

    return pl.pallas_call(
        body,
        out_shape=(
            jax.ShapeDtypeStruct((_N, _D), jnp.float32),
            jax.ShapeDtypeStruct((_NPAD, _DEGW), jnp.float32),
        ),
    )(x, wt, deg_hists)


def _tc_tail(accp, hp, dinv16, batch2, bg, wa_t, ba, qwf,
             xm, mm, cm, signs_t, wc1, wc2, bc):
    def body(accp_ref, hp_ref, dinv_ref, batch_ref, bg_ref, wa_ref, ba_ref,
             qwf_ref, xm_ref, mm_ref, cm_ref, st_ref, wc1_ref, wc2_ref,
             bc_ref, out_ref):
        av = accp_ref[...]
        a = av[:_N] + av[_NPAD:_NPAD + _N]
        dinv = dinv_ref[...][:_N, 0:1]
        g = dinv * (a + hp_ref[...]) + bg_ref[...]
        hr = jnp.maximum(g, 0.0)

        bv = batch_ref[...]
        gi = lax.broadcasted_iota(jnp.int32, (_NG, _N), 0)
        msk = (gi == bv).astype(jnp.float32)
        sums = jnp.dot(msk, hr, preferred_element_type=jnp.float32,
                  precision=lax.Precision.HIGHEST)
        counts = jnp.sum(msk, axis=1, keepdims=True)
        pooled = sums / jnp.maximum(counts, 1.0)

        thetas = (jnp.dot(pooled, wa_ref[...], preferred_element_type=jnp.float32,
                  precision=lax.Precision.HIGHEST)
                  + ba_ref[...] + qwf_ref[...])
        col = lax.broadcasted_iota(jnp.int32, (_NG, _DIM), 1)
        state = jnp.where(col == 0, 1.0, 0.0).astype(jnp.float32)
        mmv = mm_ref[...]
        for l in range(_QL):
            for q in range(_NQ):
                th = thetas[:, l * _NQ + q:l * _NQ + q + 1] * 0.5
                cth = jnp.cos(th)
                sth = jnp.sin(th)
                partner = jnp.dot(state, xm_ref[q],
                                  preferred_element_type=jnp.float32,
                  precision=lax.Precision.HIGHEST)
                state = cth * state + sth * (mmv[q:q + 1] * partner)
            state = jnp.dot(state, cm_ref[...],
                            preferred_element_type=jnp.float32,
                  precision=lax.Precision.HIGHEST)

        qout = jnp.dot(state * state, st_ref[...],
                       preferred_element_type=jnp.float32,
                  precision=lax.Precision.HIGHEST)
        out_ref[...] = (jnp.dot(pooled, wc1_ref[...],
                                preferred_element_type=jnp.float32,
                  precision=lax.Precision.HIGHEST)
                        + jnp.dot(qout, wc2_ref[...],
                                  preferred_element_type=jnp.float32,
                  precision=lax.Precision.HIGHEST)
                        + bc_ref[...])

    return pl.pallas_call(
        body,
        out_shape=jax.ShapeDtypeStruct((_NG, _NCLS), jnp.float32),
    )(accp, hp, dinv16, batch2, bg, wa_t, ba, qwf, xm, mm, cm, signs_t,
      wc1, wc2, bc)


def kernel(x, edge_index, batch, W_gcn, b_gcn, W_ang, b_ang, q_weights,
           W_cls, b_cls):
    src = edge_index[0].astype(jnp.int32)
    dst = edge_index[1].astype(jnp.int32)
    pad = _EPAD - _E
    pad_iota = jnp.arange(pad, dtype=jnp.int32)
    src_pad = jnp.concatenate(
        [src, pad_iota * 37 % _N]).reshape(_NW * _CPT, _CHUNK)
    pad_dst = _N + (pad_iota % (_NPAD - _N))
    dst_pad = jnp.concatenate([dst, pad_dst]).reshape(_NW * _CPT, _CHUNK)

    deg_hists = _sc_degree(dst_pad).reshape(_NW, _NPAD)
    hp, dinv16 = _tc_prescale(x, W_gcn.T, deg_hists)
    accp = _sc_edge_scatter(hp, src_pad, dst_pad)

    out = _tc_tail(
        accp, hp, dinv16,
        batch.astype(jnp.int32).reshape(1, _N),
        b_gcn.reshape(1, _D), W_ang.T, b_ang.reshape(1, -1),
        q_weights.reshape(1, -1),
        jnp.asarray(_XM), jnp.asarray(_MM), jnp.asarray(_CCM),
        jnp.asarray(_SIGNS_T),
        W_cls[:, :_D].T, W_cls[:, _D:].T, b_cls.reshape(1, -1),
    )
    return out

# --- scband reference (transcript-rebuilt; emitter-appended) ---
"""Pipeline reference for scband-hybrid-graph-qnn-65481071397700 (READ-ONLY COPY).

The authoritative reference and input builder live on the scoring server;
editing this copy changes nothing except your own understanding.
"""

import jax, jax.numpy as jnp
import numpy as np

N_NODES = 10000
N_EDGES = 320000
D_FEAT = 128
HIDDEN = 128
NUM_CLASSES = 10
Q_LAYERS = 2
Q_QUBITS = 8
NUM_GRAPHS = 64


def _cnot_perm(ctrl, tgt, nq):
    dim = 2 ** nq
    idx = np.arange(dim)
    ctrl_bit = (idx >> (nq - 1 - ctrl)) & 1
    flipped = idx ^ (1 << (nq - 1 - tgt))
    return np.where(ctrl_bit == 1, flipped, idx)


def _z_signs(nq):
    dim = 2 ** nq
    idx = np.arange(dim)
    signs = np.zeros((nq, dim), dtype=np.float32)
    for q in range(nq):
        bits = (idx >> (nq - 1 - q)) & 1
        signs[q] = 1.0 - 2.0 * bits
    return signs


def _apply_ry(state, theta, q, nq):
    B = state.shape[0]
    left = 2 ** q
    right = 2 ** (nq - q - 1)
    s = state.reshape(B, left, 2, right)
    c = jnp.cos(theta / 2.0)[:, None, None]
    sn = jnp.sin(theta / 2.0)[:, None, None]
    a0 = s[:, :, 0, :]
    a1 = s[:, :, 1, :]
    n0 = c * a0 - sn * a1
    n1 = sn * a0 + c * a1
    return jnp.stack([n0, n1], axis=2).reshape(B, 2 ** nq)


def _quantum(angles, q_weights):
    B = angles.shape[0]
    dim = 2 ** Q_QUBITS
    state = jnp.zeros((B, dim), dtype=angles.dtype).at[:, 0].set(1.0)
    perms = [jnp.asarray(_cnot_perm(q, (q + 1) % Q_QUBITS, Q_QUBITS)) for q in range(Q_QUBITS)]
    for l in range(Q_LAYERS):
        for q in range(Q_QUBITS):
            theta = angles[:, l, q] + q_weights[l, q]
            state = _apply_ry(state, theta, q, Q_QUBITS)
        for q in range(Q_QUBITS):
            state = state[:, perms[q]]
    signs = jnp.asarray(_z_signs(Q_QUBITS))
    probs = state * state
    return probs @ signs.T


def _gcn_conv(x, edge_index, W, b):
    loops = jnp.arange(N_NODES, dtype=edge_index.dtype)
    src = jnp.concatenate([edge_index[0], loops])
    dst = jnp.concatenate([edge_index[1], loops])
    h = x @ W.T
    ones = jnp.ones(src.shape[0], dtype=h.dtype)
    deg = jax.ops.segment_sum(ones, dst, num_segments=N_NODES)
    dinv = jax.lax.rsqrt(jnp.maximum(deg, 1e-12))
    norm = dinv[src] * dinv[dst]
    msgs = h[src] * norm[:, None]
    out = jax.ops.segment_sum(msgs, dst, num_segments=N_NODES)
    return out + b


def setup_inputs(seed: int = 0):
    key = jax.random.key(seed)
    ks = jax.random.split(key, 10)
    x = jax.random.normal(ks[0], (N_NODES, D_FEAT), dtype=jnp.float32)
    edge_index = jax.random.randint(ks[1], (2, N_EDGES), 0, N_NODES)
    batch = jnp.sort(jax.random.randint(ks[2], (N_NODES,), 0, NUM_GRAPHS))
    W_gcn = jax.random.normal(ks[3], (HIDDEN, D_FEAT), dtype=jnp.float32) / np.sqrt(D_FEAT)
    b_gcn = jnp.zeros((HIDDEN,), dtype=jnp.float32)
    W_ang = jax.random.normal(ks[4], (Q_LAYERS * Q_QUBITS, HIDDEN), dtype=jnp.float32) / np.sqrt(HIDDEN)
    b_ang = jnp.zeros((Q_LAYERS * Q_QUBITS,), dtype=jnp.float32)
    q_weights = jax.random.normal(ks[5], (Q_LAYERS, Q_QUBITS), dtype=jnp.float32) * 0.1
    W_cls = jax.random.normal(ks[6], (NUM_CLASSES, HIDDEN + Q_QUBITS), dtype=jnp.float32) / np.sqrt(HIDDEN + Q_QUBITS)
    b_cls = jnp.zeros((NUM_CLASSES,), dtype=jnp.float32)
    return {"x": x, "edge_index": edge_index, "batch": batch, "W_gcn": W_gcn, "b_gcn": b_gcn, "W_ang": W_ang, "b_ang": b_ang, "q_weights": q_weights, "W_cls": W_cls, "b_cls": b_cls}


def reference(x, edge_index, batch, W_gcn, b_gcn, W_ang, b_ang, q_weights, W_cls, b_cls):
    h = _gcn_conv(x, edge_index, W_gcn, b_gcn)
    h = jax.nn.relu(h)
    sums = jax.ops.segment_sum(h, batch, num_segments=NUM_GRAPHS)
    counts = jax.ops.segment_sum(jnp.ones((N_NODES,), dtype=h.dtype), batch, num_segments=NUM_GRAPHS)
    pooled = sums / jnp.maximum(counts, 1.0)[:, None]
    angles = pooled @ W_ang.T + b_ang
    angles = angles.reshape(-1, Q_LAYERS, Q_QUBITS)
    q_out = _quantum(angles, q_weights)
    combined = jnp.concatenate([pooled, q_out], axis=-1)
    return combined @ W_cls.T + b_cls

if __name__ == "__main__":
    import jax
    _d = setup_inputs()
    print(jax.jit(kernel)(*tuple(_d.values())))

</pallas_src>

<mosaic_0001>
#map = affine_map<(d0, d1) -> (0, 0)>
#map1 = affine_map<(d0, d1) -> (0)>
module attributes {stable_mosaic.version = 14 : i64} {
  func.func @deg_kernel(%arg0: i32, %arg1: i32, %arg2: memref<2560x128xi32, #tpu.memory_space<hbm>>, %arg3: memref<323584xf32, #tpu.memory_space<hbm>>, %arg4: memref<8x128xi32, #tpu.memory_space<vmem>>, %arg5: memref<10112xf32, #tpu.memory_space<vmem>>) attributes {dimension_semantics = [#tpu.dimension_semantics<core_parallel>, #tpu.dimension_semantics<subcore_parallel>], iteration_bounds = array<i64: 2, 16>, scalar_prefetch = 0 : i64, scratch_operands = 2 : i64, tpu.core_type = #tpu.core_type<sc_vector_subcore>, window_params = [{transform_indices = #map}, {transform_indices = #map1}]} {
    %mul3A = arith.constant 16 : i32
    %mul3A_0 = arith.muli %arg0, %mul3A : i32
    %add3A = arith.addi %mul3A_0, %arg1 : i32
    %scan3A = arith.constant 0 : i32
    %scan3A_1 = arith.constant 0 : i32
    %scan3A_2 = arith.constant 632 : i32
    %scan3A_3 = arith.addi %scan3A_1, %scan3A_2 : i32
    %scan3A_4 = arith.constant 1 : i32
    scf.for %scan3A_14 = %scan3A_1 to %scan3A_3 step %scan3A_4  : i32 {
      %broadcast_in_dim3A = arith.constant 0.000000e+00 : f32
      %broadcast_in_dim3A_15 = vector.broadcast %broadcast_in_dim3A : f32 to vector<16xf32>
      %mul3A_16 = arith.constant 16 : i32
      %mul3A_17 = arith.muli %scan3A_14, %mul3A_16 : i32
      %swap3A = arith.index_cast %mul3A_17 : i32 to index
      %swap3A_18 = tpu.vector_load %arg5[%swap3A] {strides = array<i32>} : memref<10112xf32, #tpu.memory_space<vmem>>, vector<16xf32>,
      tpu.vector_store %arg5[%swap3A], %broadcast_in_dim3A_15 {strides = array<i32>} : memref<10112xf32, #tpu.memory_space<vmem>>, vector<16xf32>,
    }
    %scan3A_5 = arith.constant 632 : i32
    %scan3A_6 = arith.constant 0 : i32
    %scan3A_7 = arith.constant 0 : i32
    %scan3A_8 = arith.constant 10 : i32
    %scan3A_9 = arith.addi %scan3A_7, %scan3A_8 : i32
    %scan3A_10 = arith.constant 1 : i32
    scf.for %scan3A_14 = %scan3A_7 to %scan3A_9 step %scan3A_10  : i32 {
      %mul3A_15 = arith.constant 80 : i32
      %mul3A_16 = arith.muli %add3A, %mul3A_15 : i32
      %mul3A_17 = arith.constant 8 : i32
      %mul3A_18 = arith.muli %scan3A_14, %mul3A_17 : i32
      %add3A_19 = arith.addi %mul3A_16, %mul3A_18 : i32
      "tpu.region"() ({
        %run_scoped3A = tpu.sem_alloc : memref<!tpu.dma_semaphore, #tpu.memory_space<semaphore_mem>>
        %dma_start3A = arith.constant 0 : i32
        %dma_start3A_592 = tpu.memref_slice %arg2[%add3A_19, %dma_start3A] : memref<2560x128xi32, #tpu.memory_space<hbm>> -> memref<8x128xi32, #tpu.memory_space<hbm>>
        %dma_start3A_593 = arith.constant 0 : i32
        %dma_start3A_594 = tpu.memref_slice %arg2[%add3A_19, %dma_start3A_593] : memref<2560x128xi32, #tpu.memory_space<hbm>> -> memref<8x128xi32, #tpu.memory_space<hbm>>
        tpu.enqueue_dma source(%dma_start3A_594 : memref<8x128xi32, #tpu.memory_space<hbm>>) target(%arg4 : memref<8x128xi32, #tpu.memory_space<vmem>>) target_semaphore(%run_scoped3A : memref<!tpu.dma_semaphore, #tpu.memory_space<semaphore_mem>>)
        %dma_wait3A = arith.constant 0 : i32
        %dma_wait3A_595 = tpu.memref_slice %arg2[%add3A_19, %dma_wait3A] : memref<2560x128xi32, #tpu.memory_space<hbm>> -> memref<8x128xi32, #tpu.memory_space<hbm>>
        %dma_wait3A_596 = arith.constant 0 : i32
        %dma_wait3A_597 = tpu.memref_slice %arg2[%add3A_19, %dma_wait3A_596] : memref<2560x128xi32, #tpu.memory_space<hbm>> -> memref<8x128xi32, #tpu.memory_space<hbm>>
        tpu.wait_dma2 semaphore(%run_scoped3A : memref<!tpu.dma_semaphore, #tpu.memory_space<semaphore_mem>>) src(%dma_wait3A_597 : memref<8x128xi32, #tpu.memory_space<hbm>>) dst(%arg4 : memref<8x128xi32, #tpu.memory_space<vmem>>)
        tpu.yield
      }) : () -> ()
      %get3A = arith.constant 0 : i32
      %get3A_20 = arith.index_cast %get3A : i32 to index
      %get3A_21 = arith.constant 0 : index
      %get3A_22 = tpu.vector_load %arg4[%get3A_20, %get3A_21] {strides = array<i32>} : memref<8x128xi32, #tpu.memory_space<vmem>>, vector<16xi32>,
      %broadcast_in_dim3A = arith.constant true
      %broadcast_in_dim3A_23 = vector.broadcast %broadcast_in_dim3A : i1 to vector<16xi1>
      %unique3A, %unique3A_24 = tpu.scan_count mask(%broadcast_in_dim3A_23 : vector<16xi1>) value(%get3A_22 : vector<16xi32>) : vector<16xi1>, vector<16xi32>
      %convert_element_type3A = arith.sitofp %unique3A_24 : vector<16xi32> to vector<16xf32>
      tpu.vector_store_idx %arg5[%get3A_22], %convert_element_type3A masked %unique3A {add = true} : memref<10112xf32, #tpu.memory_space<vmem>>[vector<16xi32>], vector<16xf32>, vector<16xi1>
      %get3A_25 = arith.constant 0 : i32
      %get3A_26 = arith.index_cast %get3A_25 : i32 to index
      %get3A_27 = arith.constant 16 : index
      %get3A_28 = tpu.vector_load %arg4[%get3A_26, %get3A_27] {strides = array<i32>} : memref<8x128xi32, #tpu.memory_space<vmem>>, vector<16xi32>,
      %broadcast_in_dim3A_29 = arith.constant true
      %broadcast_in_dim3A_30 = vector.broadcast %broadcast_in_dim3A_29 : i1 to vector<16xi1>
      %unique3A_31, %unique3A_32 = tpu.scan_count mask(%broadcast_in_dim3A_30 : vector<16xi1>) value(%get3A_28 : vector<16xi32>) : vector<16xi1>, vector<16xi32>
      %convert_element_type3A_33 = arith.sitofp %unique3A_32 : vector<16xi32> to vector<16xf32>
      tpu.vector_store_idx %arg5[%get3A_28], %convert_element_type3A_33 masked %unique3A_31 {add = true} : memref<10112xf32, #tpu.memory_space<vmem>>[vector<16xi32>], vector<16xf32>, vector<16xi1>
      %get3A_34 = arith.constant 0 : i32
      %get3A_35 = arith.index_cast %get3A_34 : i32 to index
      %get3A_36 = arith.constant 32 : index
      %get3A_37 = tpu.vector_load %arg4[%get3A_35, %get3A_36] {strides = array<i32>} : memref<8x128xi32, #tpu.memory_space<vmem>>, vector<16xi32>,
      %broadcast_in_dim3A_38 = arith.constant true
      %broadcast_in_dim3A_39 = vector.broadcast %broadcast_in_dim3A_38 : i1 to vector<16xi1>
      %unique3A_40, %unique3A_41 = tpu.scan_count mask(%broadcast_in_dim3A_39 : vector<16xi1>) value(%get3A_37 : vector<16xi32>) : vector<16xi1>, vector<16xi32>
      %convert_element_type3A_42 = arith.sitofp %unique3A_41 : vector<16xi32> to vector<16xf32>
      tpu.vector_store_idx %arg5[%get3A_37], %convert_element_type3A_42 masked %unique3A_40 {add = true} : memref<10112xf32, #tpu.memory_space<vmem>>[vector<16xi32>], vector<16xf32>, vector<16xi1>
      %get3A_43 = arith.constant 0 : i32
      %get3A_44 = arith.index_cast %get3A_43 : i32 to index
      %get3A_45 = arith.constant 48 : index
      %get3A_46 = tpu.vector_load %arg4[%get3A_44, %get3A_45] {strides = array<i32>} : memref<8x128xi32, #tpu.memory_space<vmem>>, vector<16xi32>,
      %broadcast_in_dim3A_47 = arith.constant true
      %broadcast_in_dim3A_48 = vector.broadcast %broadcast_in_dim3A_47 : i1 to vector<16xi1>
      %unique3A_49, %unique3A_50 = tpu.scan_count mask(%broadcast_in_dim3A_48 : vector<16xi1>) value(%get3A_46 : vector<16xi32>) : vector<16xi1>, vector<16xi32>
      %convert_element_type3A_51 = arith.sitofp %unique3A_50 : vector<16xi32> to vector<16xf32>
      tpu.vector_store_idx %arg5[%get3A_46], %convert_element_type3A_51 masked %unique3A_49 {add = true} : memref<10112xf32, #tpu.memory_space<vmem>>[vector<16xi32>], vector<16xf32>, vector<16xi1>
      %get3A_52 = arith.constant 0 : i32
      %get3A_53 = arith.index_cast %get3A_52 : i32 to index
      %get3A_54 = arith.constant 64 : index
      %get3A_55 = tpu.vector_load %arg4[%get3A_53, %get3A_54] {strides = array<i32>} : memref<8x128xi32, #tpu.memory_space<vmem>>, vector<16xi32>,
      %broadcast_in_dim3A_56 = arith.constant true
      %broadcast_in_dim3A_57 = vector.broadcast %broadcast_in_dim3A_56 : i1 to vector<16xi1>
      %unique3A_58, %unique3A_59 = tpu.scan_count mask(%broadcast_in_dim3A_57 : vector<16xi1>) value(%get3A_55 : vector<16xi32>) : vector<16xi1>, vector<16xi32>
      %convert_element_type3A_60 = arith.sitofp %unique3A_59 : vector<16xi32> to vector<16xf32>
      tpu.vector_store_idx %arg5[%get3A_55], %convert_element_type3A_60 masked %unique3A_58 {add = true} : memref<10112xf32, #tpu.memory_space<vmem>>[vector<16xi32>], vector<16xf32>, vector<16xi1>
      %get3A_61 = arith.constant 0 : i32
      %get3A_62 = arith.index_cast %get3A_61 : i32 to index
      %get3A_63 = arith.constant 80 : index
      %get3A_64 = tpu.vector_load %arg4[%get3A_62, %get3A_63] {strides = array<i32>} : memref<8x128xi32, #tpu.memory_space<vmem>>, vector<16xi32>,
      %broadcast_in_dim3A_65 = arith.constant true
      %broadcast_in_dim3A_66 = vector.broadcast %broadcast_in_dim3A_65 : i1 to vector<16xi1>
      %unique3A_67, %unique3A_68 = tpu.scan_count mask(%broadcast_in_dim3A_66 : vector<16xi1>) value(%get3A_64 : vector<16xi32>) : vector<16xi1>, vector<16xi32>
      %convert_element_type3A_69 = arith.sitofp %unique3A_68 : vector<16xi32> to vector<16xf32>
      tpu.vector_store_idx %arg5[%get3A_64], %convert_element_type3A_69 masked %unique3A_67 {add = true} : memref<10112xf32, #tpu.memory_space<vmem>>[vector<16xi32>], vector<16xf32>, vector<16xi1>
      %get3A_70 = arith.constant 0 : i32
      %get3A_71 = arith.index_cast %get3A_70 : i32 to index
      %get3A_72 = arith.constant 96 : index
      %get3A_73 = tpu.vector_load %arg4[%get3A_71, %get3A_72] {strides = array<i32>} : memref<8x128xi32, #tpu.memory_space<vmem>>, vector<16xi32>,
      %broadcast_in_dim3A_74 = arith.constant true
      %broadcast_in_dim3A_75 = vector.broadcast %broadcast_in_dim3A_74 : i1 to vector<16xi1>
      %unique3A_76, %unique3A_77 = tpu.scan_count mask(%broadcast_in_dim3A_75 : vector<16xi1>) value(%get3A_73 : vector<16xi32>) : vector<16xi1>, vector<16xi32>
      %convert_element_type3A_78 = arith.sitofp %unique3A_77 : vector<16xi32> to vector<16xf32>
      tpu.vector_store_idx %arg5[%get3A_73], %convert_element_type3A_78 masked %unique3A_76 {add = true} : memref<10112xf32, #tpu.memory_space<vmem>>[vector<16xi32>], vector<16xf32>, vector<16xi1>
      %get3A_79 = arith.constant 0 : i32
      %get3A_80 = arith.index_cast %get3A_79 : i32 to index
      %get3A_81 = arith.constant 112 : index
      %get3A_82 = tpu.vector_load %arg4[%get3A_80, %get3A_81] {strides = array<i32>} : memref<8x128xi32, #tpu.memory_space<vmem>>, vector<16xi32>,
      %broadcast_in_dim3A_83 = arith.constant true
      %broadcast_in_dim3A_84 = vector.broadcast %broadcast_in_dim3A_83 : i1 to vector<16xi1>
      %unique3A_85, %unique3A_86 = tpu.scan_count mask(%broadcast_in_dim3A_84 : vector<16xi1>) value(%get3A_82 : vector<16xi32>) : vector<16xi1>, vector<16xi32>
      %convert_element_type3A_87 = arith.sitofp %unique3A_86 : vector<16xi32> to vector<16xf32>
      tpu.vector_store_idx %arg5[%get3A_82], %convert_element_type3A_87 masked %unique3A_85 {add = true} : memref<10112xf32, #tpu.memory_space<vmem>>[vector<16xi32>], vector<16xf32>, vector<16xi1>
      %get3A_88 = arith.constant 1 : i32
      %get3A_89 = arith.index_cast %get3A_88 : i32 to index
      %get3A_90 = arith.constant 0 : index
      %get3A_91 = tpu.vector_load %arg4[%get3A_89, %get3A_90] {strides = array<i32>} : memref<8x128xi32, #tpu.memory_space<vmem>>, vector<16xi32>,
      %broadcast_in_dim3A_92 = arith.constant true
      %broadcast_in_dim3A_93 = vector.broadcast %broadcast_in_dim3A_92 : i1 to vector<16xi1>
      %unique3A_94, %unique3A_95 = tpu.scan_count mask(%broadcast_in_dim3A_93 : vector<16xi1>) value(%get3A_91 : vector<16xi32>) : vector<16xi1>, vector<16xi32>
      %convert_element_type3A_96 = arith.sitofp %unique3A_95 : vector<16xi32> to vector<16xf32>
      tpu.vector_store_idx %arg5[%get3A_91], %convert_element_type3A_96 masked %unique3A_94 {add = true} : memref<10112xf32, #tpu.memory_space<vmem>>[vector<16xi32>], vector<16xf32>, vector<16xi1>
      %get3A_97 = arith.constant 1 : i32
      %get3A_98 = arith.index_cast %get3A_97 : i32 to index
      %get3A_99 = arith.constant 16 : index
      %get3A_100 = tpu.vector_load %arg4[%get3A_98, %get3A_99] {strides = array<i32>} : memref<8x128xi32, #tpu.memory_space<vmem>>, vector<16xi32>,
      %broadcast_in_dim3A_101 = arith.constant true
      %broadcast_in_dim3A_102 = vector.broadcast %broadcast_in_dim3A_101 : i1 to vector<16xi1>
      %unique3A_103, %unique3A_104 = tpu.scan_count mask(%broadcast_in_dim3A_102 : vector<16xi1>) value(%get3A_100 : vector<16xi32>) : vector<16xi1>, vector<16xi32>
      %convert_element_type3A_105 = arith.sitofp %unique3A_104 : vector<16xi32> to vector<16xf32>
      tpu.vector_store_idx %arg5[%get3A_100], %convert_element_type3A_105 masked %unique3A_103 {add = true} : memref<10112xf32, #tpu.memory_space<vmem>>[vector<16xi32>], vector<16xf32>, vector<16xi1>
      %get3A_106 = arith.constant 1 : i32
      %get3A_107 = arith.index_cast %get3A_106 : i32 to index
      %get3A_108 = arith.constant 32 : index
      %get3A_109 = tpu.vector_load %arg4[%get3A_107, %get3A_108] {strides = array<i32>} : memref<8x128xi32, #tpu.memory_space<vmem>>, vector<16xi32>,
      %broadcast_in_dim3A_110 = arith.constant true
      %broadcast_in_dim3A_111 = vector.broadcast %broadcast_in_dim3A_110 : i1 to vector<16xi1>
      %unique3A_112, %unique3A_113 = tpu.scan_count mask(%broadcast_in_dim3A_111 : vector<16xi1>) value(%get3A_109 : vector<16xi32>) : vector<16xi1>, vector<16xi32>
      %convert_element_type3A_114 = arith.sitofp %unique3A_113 : vector<16xi32> to vector<16xf32>
      tpu.vector_store_idx %arg5[%get3A_109], %convert_element_type3A_114 masked %unique3A_112 {add = true} : memref<10112xf32, #tpu.memory_space<vmem>>[vector<16xi32>], vector<16xf32>, vector<16xi1>
      %get3A_115 = arith.constant 1 : i32
      %get3A_116 = arith.index_cast %get3A_115 : i32 to index
      %get3A_117 = arith.constant 48 : index
      %get3A_118 = tpu.vector_load %arg4[%get3A_116, %get3A_117] {strides = array<i32>} : memref<8x128xi32, #tpu.memory_space<vmem>>, vector<16xi32>,
      %broadcast_in_dim3A_119 = arith.constant true
      %broadcast_in_dim3A_120 = vector.broadcast %broadcast_in_dim3A_119 : i1 to vector<16xi1>
      %unique3A_121, %unique3A_122 = tpu.scan_count mask(%broadcast_in_dim3A_120 : vector<16xi1>) value(%get3A_118 : vector<16xi32>) : vector<16xi1>, vector<16xi32>
      %convert_element_type3A_123 = arith.sitofp %unique3A_122 : vector<16xi32> to vector<16xf32>
      tpu.vector_store_idx %arg5[%get3A_118], %convert_element_type3A_123 masked %unique3A_121 {add = true} : memref<10112xf32, #tpu.memory_space<vmem>>[vector<16xi32>], vector<16xf32>, vector<16xi1>
      %get3A_124 = arith.constant 1 : i32
      %get3A_125 = arith.index_cast %get3A_124 : i32 to index
      %get3A_126 = arith.constant 64 : index
      %get3A_127 = tpu.vector_load %arg4[%get3A_125, %get3A_126] {strides = array<i32>} : memref<8x128xi32, #tpu.memory_space<vmem>>, vector<16xi32>,
      %broadcast_in_dim3A_128 = arith.constant true
      %broadcast_in_dim3A_129 = vector.broadcast %broadcast_in_dim3A_128 : i1 to vector<16xi1>
      %unique3A_130, %unique3A_131 = tpu.scan_count mask(%broadcast_in_dim3A_129 : vector<16xi1>) value(%get3A_127 : vector<16xi32>) : vector<16xi1>, vector<16xi32>
      %convert_element_type3A_132 = arith.sitofp %unique3A_131 : vector<16xi32> to vector<16xf32>
      tpu.vector_store_idx %arg5[%get3A_127], %convert_element_type3A_132 masked %unique3A_130 {add = true} : memref<10112xf32, #tpu.memory_space<vmem>>[vector<16xi32>], vector<16xf32>, vector<16xi1>
      %get3A_133 = arith.constant 1 : i32
      %get3A_134 = arith.index_cast %get3A_133 : i32 to index
      %get3A_135 = arith.constant 80 : index
      %get3A_136 = tpu.vector_load %arg4[%get3A_134, %get3A_135] {strides = array<i32>} : memref<8x128xi32, #tpu.memory_space<vmem>>, vector<16xi32>,
      %broadcast_in_dim3A_137 = arith.constant true
      %broadcast_in_dim3A_138 = vector.broadcast %broadcast_in_dim3A_137 : i1 to vector<16xi1>
      %unique3A_139, %unique3A_140 = tpu.scan_count mask(%broadcast_in_dim3A_138 : vector<16xi1>) value(%get3A_136 : vector<16xi32>) : vector<16xi1>, vector<16xi32>
      %convert_element_type3A_141 = arith.sitofp %unique3A_140 : vector<16xi32> to vector<16xf32>
      tpu.vector_store_idx %arg5[%get3A_136], %convert_element_type3A_141 masked %unique3A_139 {add = true} : memref<10112xf32, #tpu.memory_space<vmem>>[vector<16xi32>], vector<16xf32>, vector<16xi1>
      %get3A_142 = arith.constant 1 : i32
      %get3A_143 = arith.index_cast %get3A_142 : i32 to index
      %get3A_144 = arith.constant 96 : index
      %get3A_145 = tpu.vector_load %arg4[%get3A_143, %get3A_144] {strides = array<i32>} : memref<8x128xi32, #tpu.memory_space<vmem>>, vector<16xi32>,
      %broadcast_in_dim3A_146 = arith.constant true
      %broadcast_in_dim3A_147 = vector.broadcast %broadcast_in_dim3A_146 : i1 to vector<16xi1>
      %unique3A_148, %unique3A_149 = tpu.scan_count mask(%broadcast_in_dim3A_147 : vector<16xi1>) value(%get3A_145 : vector<16xi32>) : vector<16xi1>, vector<16xi32>
      %convert_element_type3A_150 = arith.sitofp %unique3A_149 : vector<16xi32> to vector<16xf32>
      tpu.vector_store_idx %arg5[%get3A_145], %convert_element_type3A_150 masked %unique3A_148 {add = true} : memref<10112xf32, #tpu.memory_space<vmem>>[vector<16xi32>], vector<16xf32>, vector<16xi1>
      %get3A_151 = arith.constant 1 : i32
      %get3A_152 = arith.index_cast %get3A_151 : i32 to index
      %get3A_153 = arith.constant 112 : index
      %get3A_154 = tpu.vector_load %arg4[%get3A_152, %get3A_153] {strides = array<i32>} : memref<8x128xi32, #tpu.memory_space<vmem>>, vector<16xi32>,
      %broadcast_in_dim3A_155 = arith.constant true
      %broadcast_in_dim3A_156 = vector.broadcast %broadcast_in_dim3A_155 : i1 to vector<16xi1>
      %unique3A_157, %unique3A_158 = tpu.scan_count mask(%broadcast_in_dim3A_156 : vector<16xi1>) value(%get3A_154 : vector<16xi32>) : vector<16xi1>, vector<16xi32>
      %convert_element_type3A_159 = arith.sitofp %unique3A_158 : vector<16xi32> to vector<16xf32>
      tpu.vector_store_idx %arg5[%get3A_154], %convert_element_type3A_159 masked %unique3A_157 {add = true} : memref<10112xf32, #tpu.memory_space<vmem>>[vector<16xi32>], vector<16xf32>, vector<16xi1>
      %get3A_160 = arith.constant 2 : i32
      %get3A_161 = arith.index_cast %get3A_160 : i32 to index
      %get3A_162 = arith.constant 0 : index
      %get3A_163 = tpu.vector_load %arg4[%get3A_161, %get3A_162] {strides = array<i32>} : memref<8x128xi32, #tpu.memory_space<vmem>>, vector<16xi32>,
      %broadcast_in_dim3A_164 = arith.constant true
      %broadcast_in_dim3A_165 = vector.broadcast %broadcast_in_dim3A_164 : i1 to vector<16xi1>
      %unique3A_166, %unique3A_167 = tpu.scan_count mask(%broadcast_in_dim3A_165 : vector<16xi1>) value(%get3A_163 : vector<16xi32>) : vector<16xi1>, vector<16xi32>
      %convert_element_type3A_168 = arith.sitofp %unique3A_167 : vector<16xi32> to vector<16xf32>
      tpu.vector_store_idx %arg5[%get3A_163], %convert_element_type3A_168 masked %unique3A_166 {add = true} : memref<10112xf32, #tpu.memory_space<vmem>>[vector<16xi32>], vector<16xf32>, vector<16xi1>
      %get3A_169 = arith.constant 2 : i32
      %get3A_170 = arith.index_cast %get3A_169 : i32 to index
      %get3A_171 = arith.constant 16 : index
      %get3A_172 = tpu.vector_load %arg4[%get3A_170, %get3A_171] {strides = array<i32>} : memref<8x128xi32, #tpu.memory_space<vmem>>, vector<16xi32>,
      %broadcast_in_dim3A_173 = arith.constant true
      %broadcast_in_dim3A_174 = vector.broadcast %broadcast_in_dim3A_173 : i1 to vector<16xi1>
      %unique3A_175, %unique3A_176 = tpu.scan_count mask(%broadcast_in_dim3A_174 : vector<16xi1>) value(%get3A_172 : vector<16xi32>) : vector<16xi1>, vector<16xi32>
      %convert_element_type3A_177 = arith.sitofp %unique3A_176 : vector<16xi32> to vector<16xf32>
      tpu.vector_store_idx %arg5[%get3A_172], %convert_element_type3A_177 masked %unique3A_175 {add = true} : memref<10112xf32, #tpu.memory_space<vmem>>[vector<16xi32>], vector<16xf32>, vector<16xi1>
      %get3A_178 = arith.constant 2 : i32
      %get3A_179 = arith.index_cast %get3A_178 : i32 to index
      %get3A_180 = arith.constant 32 : index
      %get3A_181 = tpu.vector_load %arg4[%get3A_179, %get3A_180] {strides = array<i32>} : memref<8x128xi32, #tpu.memory_space<vmem>>, vector<16xi32>,
      %broadcast_in_dim3A_182 = arith.constant true
      %broadcast_in_dim3A_183 = vector.broadcast %broadcast_in_dim3A_182 : i1 to vector<16xi1>
      %unique3A_184, %unique3A_185 = tpu.scan_count mask(%broadcast_in_dim3A_183 : vector<16xi1>) value(%get3A_181 : vector<16xi32>) : vector<16xi1>, vector<16xi32>
      %convert_element_type3A_186 = arith.sitofp %unique3A_185 : vector<16xi32> to vector<16xf32>
      tpu.vector_store_idx %arg5[%get3A_181], %convert_element_type3A_186 masked %unique3A_184 {add = true} : memref<10112xf32, #tpu.memory_space<vmem>>[vector<16xi32>], vector<16xf32>, vector<16xi1>
      %get3A_187 = arith.constant 2 : i32
      %get3A_188 = arith.index_cast %get3A_187 : i32 to index
      %get3A_189 = arith.constant 48 : index
      %get3A_190 = tpu.vector_load %arg4[%get3A_188, %get3A_189] {strides = array<i32>} : memref<8x128xi32, #tpu.memory_space<vmem>>, vector<16xi32>,
      %broadcast_in_dim3A_191 = arith.constant true
      %broadcast_in_dim3A_192 = vector.broadcast %broadcast_in_dim3A_191 : i1 to vector<16xi1>
      %unique3A_193, %unique3A_194 = tpu.scan_count mask(%broadcast_in_dim3A_192 : vector<16xi1>) value(%get3A_190 : vector<16xi32>) : vector<16xi1>, vector<16xi32>
      %convert_element_type3A_195 = arith.sitofp %unique3A_194 : vector<16xi32> to vector<16xf32>
      tpu.vector_store_idx %arg5[%get3A_190], %convert_element_type3A_195 masked %unique3A_193 {add = true} : memref<10112xf32, #tpu.memory_space<vmem>>[vector<16xi32>], vector<16xf32>, vector<16xi1>
      %get3A_196 = arith.constant 2 : i32
      %get3A_197 = arith.index_cast %get3A_196 : i32 to index
      %get3A_198 = arith.constant 64 : index
      %get3A_199 = tpu.vector_load %arg4[%get3A_197, %get3A_198] {strides = array<i32>} : memref<8x128xi32, #tpu.memory_space<vmem>>, vector<16xi32>,
      %broadcast_in_dim3A_200 = arith.constant true
      %broadcast_in_dim3A_201 = vector.broadcast %broadcast_in_dim3A_200 : i1 to vector<16xi1>
      %unique3A_202, %unique3A_203 = tpu.scan_count mask(%broadcast_in_dim3A_201 : vector<16xi1>) value(%get3A_199 : vector<16xi32>) : vector<16xi1>, vector<16xi32>
      %convert_element_type3A_204 = arith.sitofp %unique3A_203 : vector<16xi32> to vector<16xf32>
      tpu.vector_store_idx %arg5[%get3A_199], %convert_element_type3A_204 masked %unique3A_202 {add = true} : memref<10112xf32, #tpu.memory_space<vmem>>[vector<16xi32>], vector<16xf32>, vector<16xi1>
      %get3A_205 = arith.constant 2 : i32
      %get3A_206 = arith.index_cast %get3A_205 : i32 to index
      %get3A_207 = arith.constant 80 : index
      %get3A_208 = tpu.vector_load %arg4[%get3A_206, %get3A_207] {strides = array<i32>} : memref<8x128xi32, #tpu.memory_space<vmem>>, vector<16xi32>,
      %broadcast_in_dim3A_209 = arith.constant true
      %broadcast_in_dim3A_210 = vector.broadcast %broadcast_in_dim3A_209 : i1 to vector<16xi1>
      %unique3A_211, %unique3A_212 = tpu.scan_count mask(%broadcast_in_dim3A_210 : vector<16xi1>) value(%get3A_208 : vector<16xi32>) : vector<16xi1>, vector<16xi32>
      %convert_element_type3A_213 = arith.sitofp %unique3A_212 : vector<16xi32> to vector<16xf32>
      tpu.vector_store_idx %arg5[%get3A_208], %convert_element_type3A_213 masked %unique3A_211 {add = true} : memref<10112xf32, #tpu.memory_space<vmem>>[vector<16xi32>], vector<16xf32>, vector<16xi1>
      %get3A_214 = arith.constant 2 : i32
      %get3A_215 = arith.index_cast %get3A_214 : i32 to index
      %get3A_216 = arith.constant 96 : index
      %get3A_217 = tpu.vector_load %arg4[%get3A_215, %get3A_216] {strides = array<i32>} : memref<8x128xi32, #tpu.memory_space<vmem>>, vector<16xi32>,
      %broadcast_in_dim3A_218 = arith.constant true
      %broadcast_in_dim3A_219 = vector.broadcast %broadcast_in_dim3A_218 : i1 to vector<16xi1>
      %unique3A_220, %unique3A_221 = tpu.scan_count mask(%broadcast_in_dim3A_219 : vector<16xi1>) value(%get3A_217 : vector<16xi32>) : vector<16xi1>, vector<16xi32>
      %convert_element_type3A_222 = arith.sitofp %unique3A_221 : vector<16xi32> to vector<16xf32>
      tpu.vector_store_idx %arg5[%get3A_217], %convert_element_type3A_222 masked %unique3A_220 {add = true} : memref<10112xf32, #tpu.memory_space<vmem>>[vector<16xi32>], vector<16xf32>, vector<16xi1>
      %get3A_223 = arith.constant 2 : i32
      %get3A_224 = arith.index_cast %get3A_223 : i32 to index
      %get3A_225 = arith.constant 112 : index
      %get3A_226 = tpu.vector_load %arg4[%get3A_224, %get3A_225] {strides = array<i32>} : memref<8x128xi32, #tpu.memory_space<vmem>>, vector<16xi32>,
      %broadcast_in_dim3A_227 = arith.constant true
      %broadcast_in_dim3A_228 = vector.broadcast %broadcast_in_dim3A_227 : i1 to vector<16xi1>
      %unique3A_229, %unique3A_230 = tpu.scan_count mask(%broadcast_in_dim3A_228 : vector<16xi1>) value(%get3A_226 : vector<16xi32>) : vector<16xi1>, vector<16xi32>
      %convert_element_type3A_231 = arith.sitofp %unique3A_230 : vector<16xi32> to vector<16xf32>
      tpu.vector_store_idx %arg5[%get3A_226], %convert_element_type3A_231 masked %unique3A_229 {add = true} : memref<10112xf32, #tpu.memory_space<vmem>>[vector<16xi32>], vector<16xf32>, vector<16xi1>
      %get3A_232 = arith.constant 3 : i32
      %get3A_233 = arith.index_cast %get3A_232 : i32 to index
      %get3A_234 = arith.constant 0 : index
      %get3A_235 = tpu.vector_load %arg4[%get3A_233, %get3A_234] {strides = array<i32>} : memref<8x128xi32, #tpu.memory_space<vmem>>, vector<16xi32>,
      %broadcast_in_dim3A_236 = arith.constant true
      %broadcast_in_dim3A_237 = vector.broadcast %broadcast_in_dim3A_236 : i1 to vector<16xi1>
      %unique3A_238, %unique3A_239 = tpu.scan_count mask(%broadcast_in_dim3A_237 : vector<16xi1>) value(%get3A_235 : vector<16xi32>) : vector<16xi1>, vector<16xi32>
      %convert_element_type3A_240 = arith.sitofp %unique3A_239 : vector<16xi32> to vector<16xf32>
      tpu.vector_store_idx %arg5[%get3A_235], %convert_element_type3A_240 masked %unique3A_238 {add = true} : memref<10112xf32, #tpu.memory_space<vmem>>[vector<16xi32>], vector<16xf32>, vector<16xi1>
      %get3A_241 = arith.constant 3 : i32
      %get3A_242 = arith.index_cast %get3A_241 : i32 to index
      %get3A_243 = arith.constant 16 : index
      %get3A_244 = tpu.vector_load %arg4[%get3A_242, %get3A_243] {strides = array<i32>} : memref<8x128xi32, #tpu.memory_space<vmem>>, vector<16xi32>,
      %broadcast_in_dim3A_245 = arith.constant true
      %broadcast_in_dim3A_246 = vector.broadcast %broadcast_in_dim3A_245 : i1 to vector<16xi1>
      %unique3A_247, %unique3A_248 = tpu.scan_count mask(%broadcast_in_dim3A_246 : vector<16xi1>) value(%get3A_244 : vector<16xi32>) : vector<16xi1>, vector<16xi32>
      %convert_element_type3A_249 = arith.sitofp %unique3A_248 : vector<16xi32> to vector<16xf32>
      tpu.vector_store_idx %arg5[%get3A_244], %convert_element_type3A_249 masked %unique3A_247 {add = true} : memref<10112xf32, #tpu.memory_space<vmem>>[vector<16xi32>], vector<16xf32>, vector<16xi1>
      %get3A_250 = arith.constant 3 : i32
      %get3A_251 = arith.index_cast %get3A_250 : i32 to index
      %get3A_252 = arith.constant 32 : index
      %get3A_253 = tpu.vector_load %arg4[%get3A_251, %get3A_252] {strides = array<i32>} : memref<8x128xi32, #tpu.memory_space<vmem>>, vector<16xi32>,
      %broadcast_in_dim3A_254 = arith.constant true
      %broadcast_in_dim3A_255 = vector.broadcast %broadcast_in_dim3A_254 : i1 to vector<16xi1>
      %unique3A_256, %unique3A_257 = tpu.scan_count mask(%broadcast_in_dim3A_255 : vector<16xi1>) value(%get3A_253 : vector<16xi32>) : vector<16xi1>, vector<16xi32>
      %convert_element_type3A_258 = arith.sitofp %unique3A_257 : vector<16xi32> to vector<16xf32>
      tpu.vector_store_idx %arg5[%get3A_253], %convert_element_type3A_258 masked %unique3A_256 {add = true} : memref<10112xf32, #tpu.memory_space<vmem>>[vector<16xi32>], vector<16xf32>, vector<16xi1>
      %get3A_259 = arith.constant 3 : i32
      %get3A_260 = arith.index_cast %get3A_259 : i32 to index
      %get3A_261 = arith.constant 48 : index
      %get3A_262 = tpu.vector_load %arg4[%get3A_260, %get3A_261] {strides = array<i32>} : memref<8x128xi32, #tpu.memory_space<vmem>>, vector<16xi32>,
      %broadcast_in_dim3A_263 = arith.constant true
      %broadcast_in_dim3A_264 = vector.broadcast %broadcast_in_dim3A_263 : i1 to vector<16xi1>
      %unique3A_265, %unique3A_266 = tpu.scan_count mask(%broadcast_in_dim3A_264 : vector<16xi1>) value(%get3A_262 : vector<16xi32>) : vector<16xi1>, vector<16xi32>
      %convert_element_type3A_267 = arith.sitofp %unique3A_266 : vector<16xi32> to vector<16xf32>
      tpu.vector_store_idx %arg5[%get3A_262], %convert_element_type3A_267 masked %unique3A_265 {add = true} : memref<10112xf32, #tpu.memory_space<vmem>>[vector<16xi32>], vector<16xf32>, vector<16xi1>
      %get3A_268 = arith.constant 3 : i32
      %get3A_269 = arith.index_cast %get3A_268 : i32 to index
      %get3A_270 = arith.constant 64 : index
      %get3A_271 = tpu.vector_load %arg4[%get3A_269, %get3A_270] {strides = array<i32>} : memref<8x128xi32, #tpu.memory_space<vmem>>, vector<16xi32>,
      %broadcast_in_dim3A_272 = arith.constant true
      %broadcast_in_dim3A_273 = vector.broadcast %broadcast_in_dim3A_272 : i1 to vector<16xi1>
      %unique3A_274, %unique3A_275 = tpu.scan_count mask(%broadcast_in_dim3A_273 : vector<16xi1>) value(%get3A_271 : vector<16xi32>) : vector<16xi1>, vector<16xi32>
      %convert_element_type3A_276 = arith.sitofp %unique3A_275 : vector<16xi32> to vector<16xf32>
      tpu.vector_store_idx %arg5[%get3A_271], %convert_element_type3A_276 masked %unique3A_274 {add = true} : memref<10112xf32, #tpu.memory_space<vmem>>[vector<16xi32>], vector<16xf32>, vector<16xi1>
      %get3A_277 = arith.constant 3 : i32
      %get3A_278 = arith.index_cast %get3A_277 : i32 to index
      %get3A_279 = arith.constant 80 : index
      %get3A_280 = tpu.vector_load %arg4[%get3A_278, %get3A_279] {strides = array<i32>} : memref<8x128xi32, #tpu.memory_space<vmem>>, vector<16xi32>,
      %broadcast_in_dim3A_281 = arith.constant true
      %broadcast_in_dim3A_282 = vector.broadcast %broadcast_in_dim3A_281 : i1 to vector<16xi1>
      %unique3A_283, %unique3A_284 = tpu.scan_count mask(%broadcast_in_dim3A_282 : vector<16xi1>) value(%get3A_280 : vector<16xi32>) : vector<16xi1>, vector<16xi32>
      %convert_element_type3A_285 = arith.sitofp %unique3A_284 : vector<16xi32> to vector<16xf32>
      tpu.vector_store_idx %arg5[%get3A_280], %convert_element_type3A_285 masked %unique3A_283 {add = true} : memref<10112xf32, #tpu.memory_space<vmem>>[vector<16xi32>], vector<16xf32>, vector<16xi1>
      %get3A_286 = arith.constant 3 : i32
      %get3A_287 = arith.index_cast %get3A_286 : i32 to index
      %get3A_288 = arith.constant 96 : index
      %get3A_289 = tpu.vector_load %arg4[%get3A_287, %get3A_288] {strides = array<i32>} : memref<8x128xi32, #tpu.memory_space<vmem>>, vector<16xi32>,
      %broadcast_in_dim3A_290 = arith.constant true
      %broadcast_in_dim3A_291 = vector.broadcast %broadcast_in_dim3A_290 : i1 to vector<16xi1>
      %unique3A_292, %unique3A_293 = tpu.scan_count mask(%broadcast_in_dim3A_291 : vector<16xi1>) value(%get3A_289 : vector<16xi32>) : vector<16xi1>, vector<16xi32>
      %convert_element_type3A_294 = arith.sitofp %unique3A_293 : vector<16xi32> to vector<16xf32>
      tpu.vector_store_idx %arg5[%get3A_289], %convert_element_type3A_294 masked %unique3A_292 {add = true} : memref<10112xf32, #tpu.memory_space<vmem>>[vector<16xi32>], vector<16xf32>, vector<16xi1>
      %get3A_295 = arith.constant 3 : i32
      %get3A_296 = arith.index_cast %get3A_295 : i32 to index
      %get3A_297 = arith.constant 112 : index
      %get3A_298 = tpu.vector_load %arg4[%get3A_296, %get3A_297] {strides = array<i32>} : memref<8x128xi32, #tpu.memory_space<vmem>>, vector<16xi32>,
      %broadcast_in_dim3A_299 = arith.constant true
      %broadcast_in_dim3A_300 = vector.broadcast %broadcast_in_dim3A_299 : i1 to vector<16xi1>
      %unique3A_301, %unique3A_302 = tpu.scan_count mask(%broadcast_in_dim3A_300 : vector<16xi1>) value(%get3A_298 : vector<16xi32>) : vector<16xi1>, vector<16xi32>
      %convert_element_type3A_303 = arith.sitofp %unique3A_302 : vector<16xi32> to vector<16xf32>
      tpu.vector_store_idx %arg5[%get3A_298], %convert_element_type3A_303 masked %unique3A_301 {add = true} : memref<10112xf32, #tpu.memory_space<vmem>>[vector<16xi32>], vector<16xf32>, vector<16xi1>
      %get3A_304 = arith.constant 4 : i32
      %get3A_305 = arith.index_cast %get3A_304 : i32 to index
      %get3A_306 = arith.constant 0 : index
      %get3A_307 = tpu.vector_load %arg4[%get3A_305, %get3A_306] {strides = array<i32>} : memref<8x128xi32, #tpu.memory_space<vmem>>, vector<16xi32>,
      %broadcast_in_dim3A_308 = arith.constant true
      %broadcast_in_dim3A_309 = vector.broadcast %broadcast_in_dim3A_308 : i1 to vector<16xi1>
      %unique3A_310, %unique3A_311 = tpu.scan_count mask(%broadcast_in_dim3A_309 : vector<16xi1>) value(%get3A_307 : vector<16xi32>) : vector<16xi1>, vector<16xi32>
      %convert_element_type3A_312 = arith.sitofp %unique3A_311 : vector<16xi32> to vector<16xf32>
      tpu.vector_store_idx %arg5[%get3A_307], %convert_element_type3A_312 masked %unique3A_310 {add = true} : memref<10112xf32, #tpu.memory_space<vmem>>[vector<16xi32>], vector<16xf32>, vector<16xi1>
      %get3A_313 = arith.constant 4 : i32
      %get3A_314 = arith.index_cast %get3A_313 : i32 to index
      %get3A_315 = arith.constant 16 : index
      %get3A_316 = tpu.vector_load %arg4[%get3A_314, %get3A_315] {strides = array<i32>} : memref<8x128xi32, #tpu.memory_space<vmem>>, vector<16xi32>,
      %broadcast_in_dim3A_317 = arith.constant true
      %broadcast_in_dim3A_318 = vector.broadcast %broadcast_in_dim3A_317 : i1 to vector<16xi1>
      %unique3A_319, %unique3A_320 = tpu.scan_count mask(%broadcast_in_dim3A_318 : vector<16xi1>) value(%get3A_316 : vector<16xi32>) : vector<16xi1>, vector<16xi32>
      %convert_element_type3A_321 = arith.sitofp %unique3A_320 : vector<16xi32> to vector<16xf32>
      tpu.vector_store_idx %arg5[%get3A_316], %convert_element_type3A_321 masked %unique3A_319 {add = true} : memref<10112xf32, #tpu.memory_space<vmem>>[vector<16xi32>], vector<16xf32>, vector<16xi1>
      %get3A_322 = arith.constant 4 : i32
      %get3A_323 = arith.index_cast %get3A_322 : i32 to index
      %get3A_324 = arith.constant 32 : index
      %get3A_325 = tpu.vector_load %arg4[%get3A_323, %get3A_324] {strides = array<i32>} : memref<8x128xi32, #tpu.memory_space<vmem>>, vector<16xi32>,
      %broadcast_in_dim3A_326 = arith.constant true
      %broadcast_in_dim3A_327 = vector.broadcast %broadcast_in_dim3A_326 : i1 to vector<16xi1>
      %unique3A_328, %unique3A_329 = tpu.scan_count mask(%broadcast_in_dim3A_327 : vector<16xi1>) value(%get3A_325 : vector<16xi32>) : vector<16xi1>, vector<16xi32>
      %convert_element_type3A_330 = arith.sitofp %unique3A_329 : vector<16xi32> to vector<16xf32>
      tpu.vector_store_idx %arg5[%get3A_325], %convert_element_type3A_330 masked %unique3A_328 {add = true} : memref<10112xf32, #tpu.memory_space<vmem>>[vector<16xi32>], vector<16xf32>, vector<16xi1>
      %get3A_331 = arith.constant 4 : i32
      %get3A_332 = arith.index_cast %get3A_331 : i32 to index
      %get3A_333 = arith.constant 48 : index
      %get3A_334 = tpu.vector_load %arg4[%get3A_332, %get3A_333] {strides = array<i32>} : memref<8x128xi32, #tpu.memory_space<vmem>>, vector<16xi32>,
      %broadcast_in_dim3A_335 = arith.constant true
      %broadcast_in_dim3A_336 = vector.broadcast %broadcast_in_dim3A_335 : i1 to vector<16xi1>
      %unique3A_337, %unique3A_338 = tpu.scan_count mask(%broadcast_in_dim3A_336 : vector<16xi1>) value(%get3A_334 : vector<16xi32>) : vector<16xi1>, vector<16xi32>
      %convert_element_type3A_339 = arith.sitofp %unique3A_338 : vector<16xi32> to vector<16xf32>
      tpu.vector_store_idx %arg5[%get3A_334], %convert_element_type3A_339 masked %unique3A_337 {add = true} : memref<10112xf32, #tpu.memory_space<vmem>>[vector<16xi32>], vector<16xf32>, vector<16xi1>
      %get3A_340 = arith.constant 4 : i32
      %get3A_341 = arith.index_cast %get3A_340 : i32 to index
      %get3A_342 = arith.constant 64 : index
      %get3A_343 = tpu.vector_load %arg4[%get3A_341, %get3A_342] {strides = array<i32>} : memref<8x128xi32, #tpu.memory_space<vmem>>, vector<16xi32>,
      %broadcast_in_dim3A_344 = arith.constant true
      %broadcast_in_dim3A_345 = vector.broadcast %broadcast_in_dim3A_344 : i1 to vector<16xi1>
      %unique3A_346, %unique3A_347 = tpu.scan_count mask(%broadcast_in_dim3A_345 : vector<16xi1>) value(%get3A_343 : vector<16xi32>) : vector<16xi1>, vector<16xi32>
      %convert_element_type3A_348 = arith.sitofp %unique3A_347 : vector<16xi32> to vector<16xf32>
      tpu.vector_store_idx %arg5[%get3A_343], %convert_element_type3A_348 masked %unique3A_346 {add = true} : memref<10112xf32, #tpu.memory_space<vmem>>[vector<16xi32>], vector<16xf32>, vector<16xi1>
      %get3A_349 = arith.constant 4 : i32
      %get3A_350 = arith.index_cast %get3A_349 : i32 to index
      %get3A_351 = arith.constant 80 : index
      %get3A_352 = tpu.vector_load %arg4[%get3A_350, %get3A_351] {strides = array<i32>} : memref<8x128xi32, #tpu.memory_space<vmem>>, vector<16xi32>,
      %broadcast_in_dim3A_353 = arith.constant true
      %broadcast_in_dim3A_354 = vector.broadcast %broadcast_in_dim3A_353 : i1 to vector<16xi1>
      %unique3A_355, %unique3A_356 = tpu.scan_count mask(%broadcast_in_dim3A_354 : vector<16xi1>) value(%get3A_352 : vector<16xi32>) : vector<16xi1>, vector<16xi32>
      %convert_element_type3A_357 = arith.sitofp %unique3A_356 : vector<16xi32> to vector<16xf32>
      tpu.vector_store_idx %arg5[%get3A_352], %convert_element_type3A_357 masked %unique3A_355 {add = true} : memref<10112xf32, #tpu.memory_space<vmem>>[vector<16xi32>], vector<16xf32>, vector<16xi1>
      %get3A_358 = arith.constant 4 : i32
      %get3A_359 = arith.index_cast %get3A_358 : i32 to index
      %get3A_360 = arith.constant 96 : index
      %get3A_361 = tpu.vector_load %arg4[%get3A_359, %get3A_360] {strides = array<i32>} : memref<8x128xi32, #tpu.memory_space<vmem>>, vector<16xi32>,
      %broadcast_in_dim3A_362 = arith.constant true
      %broadcast_in_dim3A_363 = vector.broadcast %broadcast_in_dim3A_362 : i1 to vector<16xi1>
      %unique3A_364, %unique3A_365 = tpu.scan_count mask(%broadcast_in_dim3A_363 : vector<16xi1>) value(%get3A_361 : vector<16xi32>) : vector<16xi1>, vector<16xi32>
      %convert_element_type3A_366 = arith.sitofp %unique3A_365 : vector<16xi32> to vector<16xf32>
      tpu.vector_store_idx %arg5[%get3A_361], %convert_element_type3A_366 masked %unique3A_364 {add = true} : memref<10112xf32, #tpu.memory_space<vmem>>[vector<16xi32>], vector<16xf32>, vector<16xi1>
      %get3A_367 = arith.constant 4 : i32
      %get3A_368 = arith.index_cast %get3A_367 : i32 to index
      %get3A_369 = arith.constant 112 : index
      %get3A_370 = tpu.vector_load %arg4[%get3A_368, %get3A_369] {strides = array<i32>} : memref<8x128xi32, #tpu.memory_space<vmem>>, vector<16xi32>,
      %broadcast_in_dim3A_371 = arith.constant true
      %broadcast_in_dim3A_372 = vector.broadcast %broadcast_in_dim3A_371 : i1 to vector<16xi1>
      %unique3A_373, %unique3A_374 = tpu.scan_count mask(%broadcast_in_dim3A_372 : vector<16xi1>) value(%get3A_370 : vector<16xi32>) : vector<16xi1>, vector<16xi32>
      %convert_element_type3A_375 = arith.sitofp %unique3A_374 : vector<16xi32> to vector<16xf32>
      tpu.vector_store_idx %arg5[%get3A_370], %convert_element_type3A_375 masked %unique3A_373 {add = true} : memref<10112xf32, #tpu.memory_space<vmem>>[vector<16xi32>], vector<16xf32>, vector<16xi1>
      %get3A_376 = arith.constant 5 : i32
      %get3A_377 = arith.index_cast %get3A_376 : i32 to index
      %get3A_378 = arith.constant 0 : index
      %get3A_379 = tpu.vector_load %arg4[%get3A_377, %get3A_378] {strides = array<i32>} : memref<8x128xi32, #tpu.memory_space<vmem>>, vector<16xi32>,
      %broadcast_in_dim3A_380 = arith.constant true
      %broadcast_in_dim3A_381 = vector.broadcast %broadcast_in_dim3A_380 : i1 to vector<16xi1>
      %unique3A_382, %unique3A_383 = tpu.scan_count mask(%broadcast_in_dim3A_381 : vector<16xi1>) value(%get3A_379 : vector<16xi32>) : vector<16xi1>, vector<16xi32>
      %convert_element_type3A_384 = arith.sitofp %unique3A_383 : vector<16xi32> to vector<16xf32>
      tpu.vector_store_idx %arg5[%get3A_379], %convert_element_type3A_384 masked %unique3A_382 {add = true} : memref<10112xf32, #tpu.memory_space<vmem>>[vector<16xi32>], vector<16xf32>, vector<16xi1>
      %get3A_385 = arith.constant 5 : i32
      %get3A_386 = arith.index_cast %get3A_385 : i32 to index
      %get3A_387 = arith.constant 16 : index
      %get3A_388 = tpu.vector_load %arg4[%get3A_386, %get3A_387] {strides = array<i32>} : memref<8x128xi32, #tpu.memory_space<vmem>>, vector<16xi32>,
      %broadcast_in_dim3A_389 = arith.constant true
      %broadcast_in_dim3A_390 = vector.broadcast %broadcast_in_dim3A_389 : i1 to vector<16xi1>
      %unique3A_391, %unique3A_392 = tpu.scan_count mask(%broadcast_in_dim3A_390 : vector<16xi1>) value(%get3A_388 : vector<16xi32>) : vector<16xi1>, vector<16xi32>
      %convert_element_type3A_393 = arith.sitofp %unique3A_392 : vector<16xi32> to vector<16xf32>
      tpu.vector_store_idx %arg5[%get3A_388], %convert_element_type3A_393 masked %unique3A_391 {add = true} : memref<10112xf32, #tpu.memory_space<vmem>>[vector<16xi32>], vector<16xf32>, vector<16xi1>
      %get3A_394 = arith.constant 5 : i32
      %get3A_395 = arith.index_cast %get3A_394 : i32 to index
      %get3A_396 = arith.constant 32 : index
      %get3A_397 = tpu.vector_load %arg4[%get3A_395, %get3A_396] {strides = array<i32>} : memref<8x128xi32, #tpu.memory_space<vmem>>, vector<16xi32>,
      %broadcast_in_dim3A_398 = arith.constant true
      %broadcast_in_dim3A_399 = vector.broadcast %broadcast_in_dim3A_398 : i1 to vector<16xi1>
      %unique3A_400, %unique3A_401 = tpu.scan_count mask(%broadcast_in_dim3A_399 : vector<16xi1>) value(%get3A_397 : vector<16xi32>) : vector<16xi1>, vector<16xi32>
      %convert_element_type3A_402 = arith.sitofp %unique3A_401 : vector<16xi32> to vector<16xf32>
      tpu.vector_store_idx %arg5[%get3A_397], %convert_element_type3A_402 masked %unique3A_400 {add = true} : memref<10112xf32, #tpu.memory_space<vmem>>[vector<16xi32>], vector<16xf32>, vector<16xi1>
      %get3A_403 = arith.constant 5 : i32
      %get3A_404 = arith.index_cast %get3A_403 : i32 to index
      %get3A_405 = arith.constant 48 : index
      %get3A_406 = tpu.vector_load %arg4[%get3A_404, %get3A_405] {strides = array<i32>} : memref<8x128xi32, #tpu.memory_space<vmem>>, vector<16xi32>,
      %broadcast_in_dim3A_407 = arith.constant true
      %broadcast_in_dim3A_408 = vector.broadcast %broadcast_in_dim3A_407 : i1 to vector<16xi1>
      %unique3A_409, %unique3A_410 = tpu.scan_count mask(%broadcast_in_dim3A_408 : vector<16xi1>) value(%get3A_406 : vector<16xi32>) : vector<16xi1>, vector<16xi32>
      %convert_element_type3A_411 = arith.sitofp %unique3A_410 : vector<16xi32> to vector<16xf32>
      tpu.vector_store_idx %arg5[%get3A_406], %convert_element_type3A_411 masked %unique3A_409 {add = true} : memref<10112xf32, #tpu.memory_space<vmem>>[vector<16xi32>], vector<16xf32>, vector<16xi1>
      %get3A_412 = arith.constant 5 : i32
      %get3A_413 = arith.index_cast %get3A_412 : i32 to index
      %get3A_414 = arith.constant 64 : index
      %get3A_415 = tpu.vector_load %arg4[%get3A_413, %get3A_414] {strides = array<i32>} : memref<8x128xi32, #tpu.memory_space<vmem>>, vector<16xi32>,
      %broadcast_in_dim3A_416 = arith.constant true
      %broadcast_in_dim3A_417 = vector.broadcast %broadcast_in_dim3A_416 : i1 to vector<16xi1>
      %unique3A_418, %unique3A_419 = tpu.scan_count mask(%broadcast_in_dim3A_417 : vector<16xi1>) value(%get3A_415 : vector<16xi32>) : vector<16xi1>, vector<16xi32>
      %convert_element_type3A_420 = arith.sitofp %unique3A_419 : vector<16xi32> to vector<16xf32>
      tpu.vector_store_idx %arg5[%get3A_415], %convert_element_type3A_420 masked %unique3A_418 {add = true} : memref<10112xf32, #tpu.memory_space<vmem>>[vector<16xi32>], vector<16xf32>, vector<16xi1>
      %get3A_421 = arith.constant 5 : i32
      %get3A_422 = arith.index_cast %get3A_421 : i32 to index
      %get3A_423 = arith.constant 80 : index
      %get3A_424 = tpu.vector_load %arg4[%get3A_422, %get3A_423] {strides = array<i32>} : memref<8x128xi32, #tpu.memory_space<vmem>>, vector<16xi32>,
      %broadcast_in_dim3A_425 = arith.constant true
      %broadcast_in_dim3A_426 = vector.broadcast %broadcast_in_dim3A_425 : i1 to vector<16xi1>
      %unique3A_427, %unique3A_428 = tpu.scan_count mask(%broadcast_in_dim3A_426 : vector<16xi1>) value(%get3A_424 : vector<16xi32>) : vector<16xi1>, vector<16xi32>
      %convert_element_type3A_429 = arith.sitofp %unique3A_428 : vector<16xi32> to vector<16xf32>
      tpu.vector_store_idx %arg5[%get3A_424], %convert_element_type3A_429 masked %unique3A_427 {add = true} : memref<10112xf32, #tpu.memory_space<vmem>>[vector<16xi32>], vector<16xf32>, vector<16xi1>
      %get3A_430 = arith.constant 5 : i32
      %get3A_431 = arith.index_cast %get3A_430 : i32 to index
      %get3A_432 = arith.constant 96 : index
      %get3A_433 = tpu.vector_load %arg4[%get3A_431, %get3A_432] {strides = array<i32>} : memref<8x128xi32, #tpu.memory_space<vmem>>, vector<16xi32>,
      %broadcast_in_dim3A_434 = arith.constant true
      %broadcast_in_dim3A_435 = vector.broadcast %broadcast_in_dim3A_434 : i1 to vector<16xi1>
      %unique3A_436, %unique3A_437 = tpu.scan_count mask(%broadcast_in_dim3A_435 : vector<16xi1>) value(%get3A_433 : vector<16xi32>) : vector<16xi1>, vector<16xi32>
      %convert_element_type3A_438 = arith.sitofp %unique3A_437 : vector<16xi32> to vector<16xf32>
      tpu.vector_store_idx %arg5[%get3A_433], %convert_element_type3A_438 masked %unique3A_436 {add = true} : memref<10112xf32, #tpu.memory_space<vmem>>[vector<16xi32>], vector<16xf32>, vector<16xi1>
      %get3A_439 = arith.constant 5 : i32
      %get3A_440 = arith.index_cast %get3A_439 : i32 to index
      %get3A_441 = arith.constant 112 : index
      %get3A_442 = tpu.vector_load %arg4[%get3A_440, %get3A_441] {strides = array<i32>} : memref<8x128xi32, #tpu.memory_space<vmem>>, vector<16xi32>,
      %broadcast_in_dim3A_443 = arith.constant true
      %broadcast_in_dim3A_444 = vector.broadcast %broadcast_in_dim3A_443 : i1 to vector<16xi1>
      %unique3A_445, %unique3A_446 = tpu.scan_count mask(%broadcast_in_dim3A_444 : vector<16xi1>) value(%get3A_442 : vector<16xi32>) : vector<16xi1>, vector<16xi32>
      %convert_element_type3A_447 = arith.sitofp %unique3A_446 : vector<16xi32> to vector<16xf32>
      tpu.vector_store_idx %arg5[%get3A_442], %convert_element_type3A_447 masked %unique3A_445 {add = true} : memref<10112xf32, #tpu.memory_space<vmem>>[vector<16xi32>], vector<16xf32>, vector<16xi1>
      %get3A_448 = arith.constant 6 : i32
      %get3A_449 = arith.index_cast %get3A_448 : i32 to index
      %get3A_450 = arith.constant 0 : index
      %get3A_451 = tpu.vector_load %arg4[%get3A_449, %get3A_450] {strides = array<i32>} : memref<8x128xi32, #tpu.memory_space<vmem>>, vector<16xi32>,
      %broadcast_in_dim3A_452 = arith.constant true
      %broadcast_in_dim3A_453 = vector.broadcast %broadcast_in_dim3A_452 : i1 to vector<16xi1>
      %unique3A_454, %unique3A_455 = tpu.scan_count mask(%broadcast_in_dim3A_453 : vector<16xi1>) value(%get3A_451 : vector<16xi32>) : vector<16xi1>, vector<16xi32>
      %convert_element_type3A_456 = arith.sitofp %unique3A_455 : vector<16xi32> to vector<16xf32>
      tpu.vector_store_idx %arg5[%get3A_451], %convert_element_type3A_456 masked %unique3A_454 {add = true} : memref<10112xf32, #tpu.memory_space<vmem>>[vector<16xi32>], vector<16xf32>, vector<16xi1>
      %get3A_457 = arith.constant 6 : i32
      %get3A_458 = arith.index_cast %get3A_457 : i32 to index
      %get3A_459 = arith.constant 16 : index
      %get3A_460 = tpu.vector_load %arg4[%get3A_458, %get3A_459] {strides = array<i32>} : memref<8x128xi32, #tpu.memory_space<vmem>>, vector<16xi32>,
      %broadcast_in_dim3A_461 = arith.constant true
      %broadcast_in_dim3A_462 = vector.broadcast %broadcast_in_dim3A_461 : i1 to vector<16xi1>
      %unique3A_463, %unique3A_464 = tpu.scan_count mask(%broadcast_in_dim3A_462 : vector<16xi1>) value(%get3A_460 : vector<16xi32>) : vector<16xi1>, vector<16xi32>
      %convert_element_type3A_465 = arith.sitofp %unique3A_464 : vector<16xi32> to vector<16xf32>
      tpu.vector_store_idx %arg5[%get3A_460], %convert_element_type3A_465 masked %unique3A_463 {add = true} : memref<10112xf32, #tpu.memory_space<vmem>>[vector<16xi32>], vector<16xf32>, vector<16xi1>
      %get3A_466 = arith.constant 6 : i32
      %get3A_467 = arith.index_cast %get3A_466 : i32 to index
      %get3A_468 = arith.constant 32 : index
      %get3A_469 = tpu.vector_load %arg4[%get3A_467, %get3A_468] {strides = array<i32>} : memref<8x128xi32, #tpu.memory_space<vmem>>, vector<16xi32>,
      %broadcast_in_dim3A_470 = arith.constant true
      %broadcast_in_dim3A_471 = vector.broadcast %broadcast_in_dim3A_470 : i1 to vector<16xi1>
      %unique3A_472, %unique3A_473 = tpu.scan_count mask(%broadcast_in_dim3A_471 : vector<16xi1>) value(%get3A_469 : vector<16xi32>) : vector<16xi1>, vector<16xi32>
      %convert_element_type3A_474 = arith.sitofp %unique3A_473 : vector<16xi32> to vector<16xf32>
      tpu.vector_store_idx %arg5[%get3A_469], %convert_element_type3A_474 masked %unique3A_472 {add = true} : memref<10112xf32, #tpu.memory_space<vmem>>[vector<16xi32>], vector<16xf32>, vector<16xi1>
      %get3A_475 = arith.constant 6 : i32
      %get3A_476 = arith.index_cast %get3A_475 : i32 to index
      %get3A_477 = arith.constant 48 : index
      %get3A_478 = tpu.vector_load %arg4[%get3A_476, %get3A_477] {strides = array<i32>} : memref<8x128xi32, #tpu.memory_space<vmem>>, vector<16xi32>,
      %broadcast_in_dim3A_479 = arith.constant true
      %broadcast_in_dim3A_480 = vector.broadcast %broadcast_in_dim3A_479 : i1 to vector<16xi1>
      %unique3A_481, %unique3A_482 = tpu.scan_count mask(%broadcast_in_dim3A_480 : vector<16xi1>) value(%get3A_478 : vector<16xi32>) : vector<16xi1>, vector<16xi32>
      %convert_element_type3A_483 = arith.sitofp %unique3A_482 : vector<16xi32> to vector<16xf32>
      tpu.vector_store_idx %arg5[%get3A_478], %convert_element_type3A_483 masked %unique3A_481 {add = true} : memref<10112xf32, #tpu.memory_space<vmem>>[vector<16xi32>], vector<16xf32>, vector<16xi1>
      %get3A_484 = arith.constant 6 : i32
      %get3A_485 = arith.index_cast %get3A_484 : i32 to index
      %get3A_486 = arith.constant 64 : index
      %get3A_487 = tpu.vector_load %arg4[%get3A_485, %get3A_486] {strides = array<i32>} : memref<8x128xi32, #tpu.memory_space<vmem>>, vector<16xi32>,
      %broadcast_in_dim3A_488 = arith.constant true
      %broadcast_in_dim3A_489 = vector.broadcast %broadcast_in_dim3A_488 : i1 to vector<16xi1>
      %unique3A_490, %unique3A_491 = tpu.scan_count mask(%broadcast_in_dim3A_489 : vector<16xi1>) value(%get3A_487 : vector<16xi32>) : vector<16xi1>, vector<16xi32>
      %convert_element_type3A_492 = arith.sitofp %unique3A_491 : vector<16xi32> to vector<16xf32>
      tpu.vector_store_idx %arg5[%get3A_487], %convert_element_type3A_492 masked %unique3A_490 {add = true} : memref<10112xf32, #tpu.memory_space<vmem>>[vector<16xi32>], vector<16xf32>, vector<16xi1>
      %get3A_493 = arith.constant 6 : i32
      %get3A_494 = arith.index_cast %get3A_493 : i32 to index
      %get3A_495 = arith.constant 80 : index
      %get3A_496 = tpu.vector_load %arg4[%get3A_494, %get3A_495] {strides = array<i32>} : memref<8x128xi32, #tpu.memory_space<vmem>>, vector<16xi32>,
      %broadcast_in_dim3A_497 = arith.constant true
      %broadcast_in_dim3A_498 = vector.broadcast %broadcast_in_dim3A_497 : i1 to vector<16xi1>
      %unique3A_499, %unique3A_500 = tpu.scan_count mask(%broadcast_in_dim3A_498 : vector<16xi1>) value(%get3A_496 : vector<16xi32>) : vector<16xi1>, vector<16xi32>
      %convert_element_type3A_501 = arith.sitofp %unique3A_500 : vector<16xi32> to vector<16xf32>
      tpu.vector_store_idx %arg5[%get3A_496], %convert_element_type3A_501 masked %unique3A_499 {add = true} : memref<10112xf32, #tpu.memory_space<vmem>>[vector<16xi32>], vector<16xf32>, vector<16xi1>
      %get3A_502 = arith.constant 6 : i32
      %get3A_503 = arith.index_cast %get3A_502 : i32 to index
      %get3A_504 = arith.constant 96 : index
      %get3A_505 = tpu.vector_load %arg4[%get3A_503, %get3A_504] {strides = array<i32>} : memref<8x128xi32, #tpu.memory_space<vmem>>, vector<16xi32>,
      %broadcast_in_dim3A_506 = arith.constant true
      %broadcast_in_dim3A_507 = vector.broadcast %broadcast_in_dim3A_506 : i1 to vector<16xi1>
      %unique3A_508, %unique3A_509 = tpu.scan_count mask(%broadcast_in_dim3A_507 : vector<16xi1>) value(%get3A_505 : vector<16xi32>) : vector<16xi1>, vector<16xi32>
      %convert_element_type3A_510 = arith.sitofp %unique3A_509 : vector<16xi32> to vector<16xf32>
      tpu.vector_store_idx %arg5[%get3A_505], %convert_element_type3A_510 masked %unique3A_508 {add = true} : memref<10112xf32, #tpu.memory_space<vmem>>[vector<16xi32>], vector<16xf32>, vector<16xi1>
      %get3A_511 = arith.constant 6 : i32
      %get3A_512 = arith.index_cast %get3A_511 : i32 to index
      %get3A_513 = arith.constant 112 : index
      %get3A_514 = tpu.vector_load %arg4[%get3A_512, %get3A_513] {strides = array<i32>} : memref<8x128xi32, #tpu.memory_space<vmem>>, vector<16xi32>,
      %broadcast_in_dim3A_515 = arith.constant true
      %broadcast_in_dim3A_516 = vector.broadcast %broadcast_in_dim3A_515 : i1 to vector<16xi1>
      %unique3A_517, %unique3A_518 = tpu.scan_count mask(%broadcast_in_dim3A_516 : vector<16xi1>) value(%get3A_514 : vector<16xi32>) : vector<16xi1>, vector<16xi32>
      %convert_element_type3A_519 = arith.sitofp %unique3A_518 : vector<16xi32> to vector<16xf32>
      tpu.vector_store_idx %arg5[%get3A_514], %convert_element_type3A_519 masked %unique3A_517 {add = true} : memref<10112xf32, #tpu.memory_space<vmem>>[vector<16xi32>], vector<16xf32>, vector<16xi1>
      %get3A_520 = arith.constant 7 : i32
      %get3A_521 = arith.index_cast %get3A_520 : i32 to index
      %get3A_522 = arith.constant 0 : index
      %get3A_523 = tpu.vector_load %arg4[%get3A_521, %get3A_522] {strides = array<i32>} : memref<8x128xi32, #tpu.memory_space<vmem>>, vector<16xi32>,
      %broadcast_in_dim3A_524 = arith.constant true
      %broadcast_in_dim3A_525 = vector.broadcast %broadcast_in_dim3A_524 : i1 to vector<16xi1>
      %unique3A_526, %unique3A_527 = tpu.scan_count mask(%broadcast_in_dim3A_525 : vector<16xi1>) value(%get3A_523 : vector<16xi32>) : vector<16xi1>, vector<16xi32>
      %convert_element_type3A_528 = arith.sitofp %unique3A_527 : vector<16xi32> to vector<16xf32>
      tpu.vector_store_idx %arg5[%get3A_523], %convert_element_type3A_528 masked %unique3A_526 {add = true} : memref<10112xf32, #tpu.memory_space<vmem>>[vector<16xi32>], vector<16xf32>, vector<16xi1>
      %get3A_529 = arith.constant 7 : i32
      %get3A_530 = arith.index_cast %get3A_529 : i32 to index
      %get3A_531 = arith.constant 16 : index
      %get3A_532 = tpu.vector_load %arg4[%get3A_530, %get3A_531] {strides = array<i32>} : memref<8x128xi32, #tpu.memory_space<vmem>>, vector<16xi32>,
      %broadcast_in_dim3A_533 = arith.constant true
      %broadcast_in_dim3A_534 = vector.broadcast %broadcast_in_dim3A_533 : i1 to vector<16xi1>
      %unique3A_535, %unique3A_536 = tpu.scan_count mask(%broadcast_in_dim3A_534 : vector<16xi1>) value(%get3A_532 : vector<16xi32>) : vector<16xi1>, vector<16xi32>
      %convert_element_type3A_537 = arith.sitofp %unique3A_536 : vector<16xi32> to vector<16xf32>
      tpu.vector_store_idx %arg5[%get3A_532], %convert_element_type3A_537 masked %unique3A_535 {add = true} : memref<10112xf32, #tpu.memory_space<vmem>>[vector<16xi32>], vector<16xf32>, vector<16xi1>
      %get3A_538 = arith.constant 7 : i32
      %get3A_539 = arith.index_cast %get3A_538 : i32 to index
      %get3A_540 = arith.constant 32 : index
      %get3A_541 = tpu.vector_load %arg4[%get3A_539, %get3A_540] {strides = array<i32>} : memref<8x128xi32, #tpu.memory_space<vmem>>, vector<16xi32>,
      %broadcast_in_dim3A_542 = arith.constant true
      %broadcast_in_dim3A_543 = vector.broadcast %broadcast_in_dim3A_542 : i1 to vector<16xi1>
      %unique3A_544, %unique3A_545 = tpu.scan_count mask(%broadcast_in_dim3A_543 : vector<16xi1>) value(%get3A_541 : vector<16xi32>) : vector<16xi1>, vector<16xi32>
      %convert_element_type3A_546 = arith.sitofp %unique3A_545 : vector<16xi32> to vector<16xf32>
      tpu.vector_store_idx %arg5[%get3A_541], %convert_element_type3A_546 masked %unique3A_544 {add = true} : memref<10112xf32, #tpu.memory_space<vmem>>[vector<16xi32>], vector<16xf32>, vector<16xi1>
      %get3A_547 = arith.constant 7 : i32
      %get3A_548 = arith.index_cast %get3A_547 : i32 to index
      %get3A_549 = arith.constant 48 : index
      %get3A_550 = tpu.vector_load %arg4[%get3A_548, %get3A_549] {strides = array<i32>} : memref<8x128xi32, #tpu.memory_space<vmem>>, vector<16xi32>,
      %broadcast_in_dim3A_551 = arith.constant true
      %broadcast_in_dim3A_552 = vector.broadcast %broadcast_in_dim3A_551 : i1 to vector<16xi1>
      %unique3A_553, %unique3A_554 = tpu.scan_count mask(%broadcast_in_dim3A_552 : vector<16xi1>) value(%get3A_550 : vector<16xi32>) : vector<16xi1>, vector<16xi32>
      %convert_element_type3A_555 = arith.sitofp %unique3A_554 : vector<16xi32> to vector<16xf32>
      tpu.vector_store_idx %arg5[%get3A_550], %convert_element_type3A_555 masked %unique3A_553 {add = true} : memref<10112xf32, #tpu.memory_space<vmem>>[vector<16xi32>], vector<16xf32>, vector<16xi1>
      %get3A_556 = arith.constant 7 : i32
      %get3A_557 = arith.index_cast %get3A_556 : i32 to index
      %get3A_558 = arith.constant 64 : index
      %get3A_559 = tpu.vector_load %arg4[%get3A_557, %get3A_558] {strides = array<i32>} : memref<8x128xi32, #tpu.memory_space<vmem>>, vector<16xi32>,
      %broadcast_in_dim3A_560 = arith.constant true
      %broadcast_in_dim3A_561 = vector.broadcast %broadcast_in_dim3A_560 : i1 to vector<16xi1>
      %unique3A_562, %unique3A_563 = tpu.scan_count mask(%broadcast_in_dim3A_561 : vector<16xi1>) value(%get3A_559 : vector<16xi32>) : vector<16xi1>, vector<16xi32>
      %convert_element_type3A_564 = arith.sitofp %unique3A_563 : vector<16xi32> to vector<16xf32>
      tpu.vector_store_idx %arg5[%get3A_559], %convert_element_type3A_564 masked %unique3A_562 {add = true} : memref<10112xf32, #tpu.memory_space<vmem>>[vector<16xi32>], vector<16xf32>, vector<16xi1>
      %get3A_565 = arith.constant 7 : i32
      %get3A_566 = arith.index_cast %get3A_565 : i32 to index
      %get3A_567 = arith.constant 80 : index
      %get3A_568 = tpu.vector_load %arg4[%get3A_566, %get3A_567] {strides = array<i32>} : memref<8x128xi32, #tpu.memory_space<vmem>>, vector<16xi32>,
      %broadcast_in_dim3A_569 = arith.constant true
      %broadcast_in_dim3A_570 = vector.broadcast %broadcast_in_dim3A_569 : i1 to vector<16xi1>
      %unique3A_571, %unique3A_572 = tpu.scan_count mask(%broadcast_in_dim3A_570 : vector<16xi1>) value(%get3A_568 : vector<16xi32>) : vector<16xi1>, vector<16xi32>
      %convert_element_type3A_573 = arith.sitofp %unique3A_572 : vector<16xi32> to vector<16xf32>
      tpu.vector_store_idx %arg5[%get3A_568], %convert_element_type3A_573 masked %unique3A_571 {add = true} : memref<10112xf32, #tpu.memory_space<vmem>>[vector<16xi32>], vector<16xf32>, vector<16xi1>
      %get3A_574 = arith.constant 7 : i32
      %get3A_575 = arith.index_cast %get3A_574 : i32 to index
      %get3A_576 = arith.constant 96 : index
      %get3A_577 = tpu.vector_load %arg4[%get3A_575, %get3A_576] {strides = array<i32>} : memref<8x128xi32, #tpu.memory_space<vmem>>, vector<16xi32>,
      %broadcast_in_dim3A_578 = arith.constant true
      %broadcast_in_dim3A_579 = vector.broadcast %broadcast_in_dim3A_578 : i1 to vector<16xi1>
      %unique3A_580, %unique3A_581 = tpu.scan_count mask(%broadcast_in_dim3A_579 : vector<16xi1>) value(%get3A_577 : vector<16xi32>) : vector<16xi1>, vector<16xi32>
      %convert_element_type3A_582 = arith.sitofp %unique3A_581 : vector<16xi32> to vector<16xf32>
      tpu.vector_store_idx %arg5[%get3A_577], %convert_element_type3A_582 masked %unique3A_580 {add = true} : memref<10112xf32, #tpu.memory_space<vmem>>[vector<16xi32>], vector<16xf32>, vector<16xi1>
      %get3A_583 = arith.constant 7 : i32
      %get3A_584 = arith.index_cast %get3A_583 : i32 to index
      %get3A_585 = arith.constant 112 : index
      %get3A_586 = tpu.vector_load %arg4[%get3A_584, %get3A_585] {strides = array<i32>} : memref<8x128xi32, #tpu.memory_space<vmem>>, vector<16xi32>,
      %broadcast_in_dim3A_587 = arith.constant true
      %broadcast_in_dim3A_588 = vector.broadcast %broadcast_in_dim3A_587 : i1 to vector<16xi1>
      %unique3A_589, %unique3A_590 = tpu.scan_count mask(%broadcast_in_dim3A_588 : vector<16xi1>) value(%get3A_586 : vector<16xi32>) : vector<16xi1>, vector<16xi32>
      %convert_element_type3A_591 = arith.sitofp %unique3A_590 : vector<16xi32> to vector<16xf32>
      tpu.vector_store_idx %arg5[%get3A_586], %convert_element_type3A_591 masked %unique3A_589 {add = true} : memref<10112xf32, #tpu.memory_space<vmem>>[vector<16xi32>], vector<16xf32>, vector<16xi1>
    }
    %scan3A_11 = arith.constant 10 : i32
    %mul3A_12 = arith.constant 10112 : i32
    %mul3A_13 = arith.muli %add3A, %mul3A_12 : i32
    "tpu.region"() ({
      %run_scoped3A = tpu.sem_alloc : memref<!tpu.dma_semaphore, #tpu.memory_space<semaphore_mem>>
      %dma_start3A = tpu.memref_slice %arg3[%mul3A_13] : memref<323584xf32, #tpu.memory_space<hbm>> -> memref<10112xf32, #tpu.memory_space<hbm>>
      %dma_start3A_14 = tpu.memref_slice %arg3[%mul3A_13] : memref<323584xf32, #tpu.memory_space<hbm>> -> memref<10112xf32, #tpu.memory_space<hbm>>
      tpu.enqueue_dma source(%arg5 : memref<10112xf32, #tpu.memory_space<vmem>>) target(%dma_start3A_14 : memref<10112xf32, #tpu.memory_space<hbm>>) target_semaphore(%run_scoped3A : memref<!tpu.dma_semaphore, #tpu.memory_space<semaphore_mem>>)
      %dma_wait3A = tpu.memref_slice %arg3[%mul3A_13] : memref<323584xf32, #tpu.memory_space<hbm>> -> memref<10112xf32, #tpu.memory_space<hbm>>
      %dma_wait3A_15 = tpu.memref_slice %arg3[%mul3A_13] : memref<323584xf32, #tpu.memory_space<hbm>> -> memref<10112xf32, #tpu.memory_space<hbm>>
      tpu.wait_dma2 semaphore(%run_scoped3A : memref<!tpu.dma_semaphore, #tpu.memory_space<semaphore_mem>>) src(%arg5 : memref<10112xf32, #tpu.memory_space<vmem>>) dst(%dma_wait3A_15 : memref<10112xf32, #tpu.memory_space<hbm>>)
      tpu.yield
    }) : () -> ()
    return
  }
}

#map = affine_map<(d0, d1) -> (0, 0)>
module attributes {stable_mosaic.version = 14 : i64} {
  func.func @edge_kernel(%arg0: i32, %arg1: i32, %arg2: memref<10000x128xf32, #tpu.memory_space<hbm>>, %arg3: memref<2560x128xi32, #tpu.memory_space<hbm>>, %arg4: memref<2560x128xi32, #tpu.memory_space<hbm>>, %arg5: memref<20224x128xf32, #tpu.memory_space<hbm>>, %arg6: memref<8x128xi32, #tpu.memory_space<vmem>>, %arg7: memref<8x128xi32, #tpu.memory_space<vmem>>, %arg8: memref<128x128xf32, #tpu.memory_space<vmem>>, %arg9: memref<128x128xf32, #tpu.memory_space<vmem>>, %arg10: memref<!tpu.dma_semaphore, #tpu.memory_space<semaphore_mem>>, %arg11: memref<!tpu.dma_semaphore, #tpu.memory_space<semaphore_mem>>, %arg12: memref<10112x128xf32, #tpu.memory_space<vmem_shared>>) attributes {dimension_semantics = [#tpu.dimension_semantics<core_parallel>, #tpu.dimension_semantics<subcore_parallel>], iteration_bounds = array<i64: 2, 16>, scalar_prefetch = 0 : i64, scratch_operands = 7 : i64, tpu.core_type = #tpu.core_type<sc_vector_subcore>, window_params = [{transform_indices = #map}, {transform_indices = #map}, {transform_indices = #map}, {transform_indices = #map}]} {
    %eq3A = arith.constant 0 : i32
    %eq3A_0 = arith.cmpi eq, %arg0, %eq3A : i32
    %jit3A = arith.constant 10 : i32
    %jit3A_1 = arith.constant 10 : i32
    %select_n3A = arith.select %eq3A_0, %jit3A, %jit3A_1 : i32
    %eq3A_2 = arith.constant 0 : i32
    %eq3A_3 = arith.cmpi eq, %arg0, %eq3A_2 : i32
    %mul3A = arith.constant 80 : i32
    %mul3A_4 = arith.muli %arg1, %mul3A : i32
    %mul3A_5 = arith.constant 80 : i32
    %mul3A_6 = arith.muli %arg1, %mul3A_5 : i32
    %add3A = arith.constant 1280 : i32
    %add3A_7 = arith.addi %add3A, %mul3A_6 : i32
    %select_n3A_8 = arith.select %eq3A_3, %mul3A_4, %add3A_7 : i32
    "tpu.trace_start"() <{level = 10 : i32, message = "acc_zero_init"}> : () -> ()
    %scan3A = arith.constant 0 : i32
    %scan3A_9 = arith.constant 0 : i32
    %scan3A_10 = arith.constant 128 : i32
    %scan3A_11 = arith.addi %scan3A_9, %scan3A_10 : i32
    %scan3A_12 = arith.constant 1 : i32
    scf.for %scan3A_51 = %scan3A_9 to %scan3A_11 step %scan3A_12  : i32 {
      %broadcast_in_dim3A = arith.constant 0.000000e+00 : f32
      %broadcast_in_dim3A_52 = vector.broadcast %broadcast_in_dim3A : f32 to vector<16xf32>
      %swap3A = arith.index_cast %scan3A_51 : i32 to index
      %swap3A_53 = arith.constant 0 : index
      %swap3A_54 = tpu.vector_load %arg8[%swap3A, %swap3A_53] {strides = array<i32>} : memref<128x128xf32, #tpu.memory_space<vmem>>, vector<1x16xf32>,
      %swap3A_55 = vector.shape_cast %swap3A_54 : vector<1x16xf32> to vector<16xf32>
      %swap3A_56 = vector.shape_cast %broadcast_in_dim3A_52 : vector<16xf32> to vector<1x16xf32>
      tpu.vector_store %arg8[%swap3A, %swap3A_53], %swap3A_56 {strides = array<i32>} : memref<128x128xf32, #tpu.memory_space<vmem>>, vector<1x16xf32>,
      %broadcast_in_dim3A_57 = arith.constant 0.000000e+00 : f32
      %broadcast_in_dim3A_58 = vector.broadcast %broadcast_in_dim3A_57 : f32 to vector<16xf32>
      %swap3A_59 = arith.index_cast %scan3A_51 : i32 to index
      %swap3A_60 = arith.constant 16 : index
      %swap3A_61 = tpu.vector_load %arg8[%swap3A_59, %swap3A_60] {strides = array<i32>} : memref<128x128xf32, #tpu.memory_space<vmem>>, vector<1x16xf32>,
      %swap3A_62 = vector.shape_cast %swap3A_61 : vector<1x16xf32> to vector<16xf32>
      %swap3A_63 = vector.shape_cast %broadcast_in_dim3A_58 : vector<16xf32> to vector<1x16xf32>
      tpu.vector_store %arg8[%swap3A_59, %swap3A_60], %swap3A_63 {strides = array<i32>} : memref<128x128xf32, #tpu.memory_space<vmem>>, vector<1x16xf32>,
      %broadcast_in_dim3A_64 = arith.constant 0.000000e+00 : f32
      %broadcast_in_dim3A_65 = vector.broadcast %broadcast_in_dim3A_64 : f32 to vector<16xf32>
      %swap3A_66 = arith.index_cast %scan3A_51 : i32 to index
      %swap3A_67 = arith.constant 32 : index
      %swap3A_68 = tpu.vector_load %arg8[%swap3A_66, %swap3A_67] {strides = array<i32>} : memref<128x128xf32, #tpu.memory_space<vmem>>, vector<1x16xf32>,
      %swap3A_69 = vector.shape_cast %swap3A_68 : vector<1x16xf32> to vector<16xf32>
      %swap3A_70 = vector.shape_cast %broadcast_in_dim3A_65 : vector<16xf32> to vector<1x16xf32>
      tpu.vector_store %arg8[%swap3A_66, %swap3A_67], %swap3A_70 {strides = array<i32>} : memref<128x128xf32, #tpu.memory_space<vmem>>, vector<1x16xf32>,
      %broadcast_in_dim3A_71 = arith.constant 0.000000e+00 : f32
      %broadcast_in_dim3A_72 = vector.broadcast %broadcast_in_dim3A_71 : f32 to vector<16xf32>
      %swap3A_73 = arith.index_cast %scan3A_51 : i32 to index
      %swap3A_74 = arith.constant 48 : index
      %swap3A_75 = tpu.vector_load %arg8[%swap3A_73, %swap3A_74] {strides = array<i32>} : memref<128x128xf32, #tpu.memory_space<vmem>>, vector<1x16xf32>,
      %swap3A_76 = vector.shape_cast %swap3A_75 : vector<1x16xf32> to vector<16xf32>
      %swap3A_77 = vector.shape_cast %broadcast_in_dim3A_72 : vector<16xf32> to vector<1x16xf32>
      tpu.vector_store %arg8[%swap3A_73, %swap3A_74], %swap3A_77 {strides = array<i32>} : memref<128x128xf32, #tpu.memory_space<vmem>>, vector<1x16xf32>,
      %broadcast_in_dim3A_78 = arith.constant 0.000000e+00 : f32
      %broadcast_in_dim3A_79 = vector.broadcast %broadcast_in_dim3A_78 : f32 to vector<16xf32>
      %swap3A_80 = arith.index_cast %scan3A_51 : i32 to index
      %swap3A_81 = arith.constant 64 : index
      %swap3A_82 = tpu.vector_load %arg8[%swap3A_80, %swap3A_81] {strides = array<i32>} : memref<128x128xf32, #tpu.memory_space<vmem>>, vector<1x16xf32>,
      %swap3A_83 = vector.shape_cast %swap3A_82 : vector<1x16xf32> to vector<16xf32>
      %swap3A_84 = vector.shape_cast %broadcast_in_dim3A_79 : vector<16xf32> to vector<1x16xf32>
      tpu.vector_store %arg8[%swap3A_80, %swap3A_81], %swap3A_84 {strides = array<i32>} : memref<128x128xf32, #tpu.memory_space<vmem>>, vector<1x16xf32>,
      %broadcast_in_dim3A_85 = arith.constant 0.000000e+00 : f32
      %broadcast_in_dim3A_86 = vector.broadcast %broadcast_in_dim3A_85 : f32 to vector<16xf32>
      %swap3A_87 = arith.index_cast %scan3A_51 : i32 to index
      %swap3A_88 = arith.constant 80 : index
      %swap3A_89 = tpu.vector_load %arg8[%swap3A_87, %swap3A_88] {strides = array<i32>} : memref<128x128xf32, #tpu.memory_space<vmem>>, vector<1x16xf32>,
      %swap3A_90 = vector.shape_cast %swap3A_89 : vector<1x16xf32> to vector<16xf32>
      %swap3A_91 = vector.shape_cast %broadcast_in_dim3A_86 : vector<16xf32> to vector<1x16xf32>
      tpu.vector_store %arg8[%swap3A_87, %swap3A_88], %swap3A_91 {strides = array<i32>} : memref<128x128xf32, #tpu.memory_space<vmem>>, vector<1x16xf32>,
      %broadcast_in_dim3A_92 = arith.constant 0.000000e+00 : f32
      %broadcast_in_dim3A_93 = vector.broadcast %broadcast_in_dim3A_92 : f32 to vector<16xf32>
      %swap3A_94 = arith.index_cast %scan3A_51 : i32 to index
      %swap3A_95 = arith.constant 96 : index
      %swap3A_96 = tpu.vector_load %arg8[%swap3A_94, %swap3A_95] {strides = array<i32>} : memref<128x128xf32, #tpu.memory_space<vmem>>, vector<1x16xf32>,
      %swap3A_97 = vector.shape_cast %swap3A_96 : vector<1x16xf32> to vector<16xf32>
      %swap3A_98 = vector.shape_cast %broadcast_in_dim3A_93 : vector<16xf32> to vector<1x16xf32>
      tpu.vector_store %arg8[%swap3A_94, %swap3A_95], %swap3A_98 {strides = array<i32>} : memref<128x128xf32, #tpu.memory_space<vmem>>, vector<1x16xf32>,
      %broadcast_in_dim3A_99 = arith.constant 0.000000e+00 : f32
      %broadcast_in_dim3A_100 = vector.broadcast %broadcast_in_dim3A_99 : f32 to vector<16xf32>
      %swap3A_101 = arith.index_cast %scan3A_51 : i32 to index
      %swap3A_102 = arith.constant 112 : index
      %swap3A_103 = tpu.vector_load %arg8[%swap3A_101, %swap3A_102] {strides = array<i32>} : memref<128x128xf32, #tpu.memory_space<vmem>>, vector<1x16xf32>,
      %swap3A_104 = vector.shape_cast %swap3A_103 : vector<1x16xf32> to vector<16xf32>
      %swap3A_105 = vector.shape_cast %broadcast_in_dim3A_100 : vector<16xf32> to vector<1x16xf32>
      tpu.vector_store %arg8[%swap3A_101, %swap3A_102], %swap3A_105 {strides = array<i32>} : memref<128x128xf32, #tpu.memory_space<vmem>>, vector<1x16xf32>,
    }
    %scan3A_13 = arith.constant 128 : i32
    %mul3A_14 = arith.constant 632 : i32
    %mul3A_15 = arith.muli %arg1, %mul3A_14 : i32
    %add3A_16 = arith.constant 0 : i32
    %add3A_17 = arith.addi %mul3A_15, %add3A_16 : i32
    "tpu.region"() ({
      %run_scoped3A = tpu.sem_alloc : memref<!tpu.dma_semaphore, #tpu.memory_space<semaphore_mem>>
      %dma_start3A = arith.constant 0 : i32
      %dma_start3A_51 = tpu.memref_slice %arg12[%add3A_17, %dma_start3A] : memref<10112x128xf32, #tpu.memory_space<vmem_shared>> -> memref<128x128xf32, #tpu.memory_space<vmem_shared>>
      %dma_start3A_52 = arith.constant 0 : i32
      %dma_start3A_53 = tpu.memref_slice %arg12[%add3A_17, %dma_start3A_52] : memref<10112x128xf32, #tpu.memory_space<vmem_shared>> -> memref<128x128xf32, #tpu.memory_space<vmem_shared>>
      tpu.enqueue_dma source(%arg8 : memref<128x128xf32, #tpu.memory_space<vmem>>) target(%dma_start3A_53 : memref<128x128xf32, #tpu.memory_space<vmem_shared>>) target_semaphore(%run_scoped3A : memref<!tpu.dma_semaphore, #tpu.memory_space<semaphore_mem>>)
      %dma_wait3A = arith.constant 0 : i32
      %dma_wait3A_54 = tpu.memref_slice %arg12[%add3A_17, %dma_wait3A] : memref<10112x128xf32, #tpu.memory_space<vmem_shared>> -> memref<128x128xf32, #tpu.memory_space<vmem_shared>>
      %dma_wait3A_55 = arith.constant 0 : i32
      %dma_wait3A_56 = tpu.memref_slice %arg12[%add3A_17, %dma_wait3A_55] : memref<10112x128xf32, #tpu.memory_space<vmem_shared>> -> memref<128x128xf32, #tpu.memory_space<vmem_shared>>
      tpu.wait_dma2 semaphore(%run_scoped3A : memref<!tpu.dma_semaphore, #tpu.memory_space<semaphore_mem>>) src(%arg8 : memref<128x128xf32, #tpu.memory_space<vmem>>) dst(%dma_wait3A_56 : memref<128x128xf32, #tpu.memory_space<vmem_shared>>)
      tpu.yield
    }) : () -> ()
    %mul3A_18 = arith.constant 632 : i32
    %mul3A_19 = arith.muli %arg1, %mul3A_18 : i32
    %add3A_20 = arith.constant 128 : i32
    %add3A_21 = arith.addi %mul3A_19, %add3A_20 : i32
    "tpu.region"() ({
      %run_scoped3A = tpu.sem_alloc : memref<!tpu.dma_semaphore, #tpu.memory_space<semaphore_mem>>
      %dma_start3A = arith.constant 0 : i32
      %dma_start3A_51 = tpu.memref_slice %arg12[%add3A_21, %dma_start3A] : memref<10112x128xf32, #tpu.memory_space<vmem_shared>> -> memref<128x128xf32, #tpu.memory_space<vmem_shared>>
      %dma_start3A_52 = arith.constant 0 : i32
      %dma_start3A_53 = tpu.memref_slice %arg12[%add3A_21, %dma_start3A_52] : memref<10112x128xf32, #tpu.memory_space<vmem_shared>> -> memref<128x128xf32, #tpu.memory_space<vmem_shared>>
      tpu.enqueue_dma source(%arg8 : memref<128x128xf32, #tpu.memory_space<vmem>>) target(%dma_start3A_53 : memref<128x128xf32, #tpu.memory_space<vmem_shared>>) target_semaphore(%run_scoped3A : memref<!tpu.dma_semaphore, #tpu.memory_space<semaphore_mem>>)
      %dma_wait3A = arith.constant 0 : i32
      %dma_wait3A_54 = tpu.memref_slice %arg12[%add3A_21, %dma_wait3A] : memref<10112x128xf32, #tpu.memory_space<vmem_shared>> -> memref<128x128xf32, #tpu.memory_space<vmem_shared>>
      %dma_wait3A_55 = arith.constant 0 : i32
      %dma_wait3A_56 = tpu.memref_slice %arg12[%add3A_21, %dma_wait3A_55] : memref<10112x128xf32, #tpu.memory_space<vmem_shared>> -> memref<128x128xf32, #tpu.memory_space<vmem_shared>>
      tpu.wait_dma2 semaphore(%run_scoped3A : memref<!tpu.dma_semaphore, #tpu.memory_space<semaphore_mem>>) src(%arg8 : memref<128x128xf32, #tpu.memory_space<vmem>>) dst(%dma_wait3A_56 : memref<128x128xf32, #tpu.memory_space<vmem_shared>>)
      tpu.yield
    }) : () -> ()
    %mul3A_22 = arith.constant 632 : i32
    %mul3A_23 = arith.muli %arg1, %mul3A_22 : i32
    %add3A_24 = arith.constant 256 : i32
    %add3A_25 = arith.addi %mul3A_23, %add3A_24 : i32
    "tpu.region"() ({
      %run_scoped3A = tpu.sem_alloc : memref<!tpu.dma_semaphore, #tpu.memory_space<semaphore_mem>>
      %dma_start3A = arith.constant 0 : i32
      %dma_start3A_51 = tpu.memref_slice %arg12[%add3A_25, %dma_start3A] : memref<10112x128xf32, #tpu.memory_space<vmem_shared>> -> memref<128x128xf32, #tpu.memory_space<vmem_shared>>
      %dma_start3A_52 = arith.constant 0 : i32
      %dma_start3A_53 = tpu.memref_slice %arg12[%add3A_25, %dma_start3A_52] : memref<10112x128xf32, #tpu.memory_space<vmem_shared>> -> memref<128x128xf32, #tpu.memory_space<vmem_shared>>
      tpu.enqueue_dma source(%arg8 : memref<128x128xf32, #tpu.memory_space<vmem>>) target(%dma_start3A_53 : memref<128x128xf32, #tpu.memory_space<vmem_shared>>) target_semaphore(%run_scoped3A : memref<!tpu.dma_semaphore, #tpu.memory_space<semaphore_mem>>)
      %dma_wait3A = arith.constant 0 : i32
      %dma_wait3A_54 = tpu.memref_slice %arg12[%add3A_25, %dma_wait3A] : memref<10112x128xf32, #tpu.memory_space<vmem_shared>> -> memref<128x128xf32, #tpu.memory_space<vmem_shared>>
      %dma_wait3A_55 = arith.constant 0 : i32
      %dma_wait3A_56 = tpu.memref_slice %arg12[%add3A_25, %dma_wait3A_55] : memref<10112x128xf32, #tpu.memory_space<vmem_shared>> -> memref<128x128xf32, #tpu.memory_space<vmem_shared>>
      tpu.wait_dma2 semaphore(%run_scoped3A : memref<!tpu.dma_semaphore, #tpu.memory_space<semaphore_mem>>) src(%arg8 : memref<128x128xf32, #tpu.memory_space<vmem>>) dst(%dma_wait3A_56 : memref<128x128xf32, #tpu.memory_space<vmem_shared>>)
      tpu.yield
    }) : () -> ()
    %mul3A_26 = arith.constant 632 : i32
    %mul3A_27 = arith.muli %arg1, %mul3A_26 : i32
    %add3A_28 = arith.constant 384 : i32
    %add3A_29 = arith.addi %mul3A_27, %add3A_28 : i32
    "tpu.region"() ({
      %run_scoped3A = tpu.sem_alloc : memref<!tpu.dma_semaphore, #tpu.memory_space<semaphore_mem>>
      %dma_start3A = arith.constant 0 : i32
      %dma_start3A_51 = tpu.memref_slice %arg12[%add3A_29, %dma_start3A] : memref<10112x128xf32, #tpu.memory_space<vmem_shared>> -> memref<128x128xf32, #tpu.memory_space<vmem_shared>>
      %dma_start3A_52 = arith.constant 0 : i32
      %dma_start3A_53 = tpu.memref_slice %arg12[%add3A_29, %dma_start3A_52] : memref<10112x128xf32, #tpu.memory_space<vmem_shared>> -> memref<128x128xf32, #tpu.memory_space<vmem_shared>>
      tpu.enqueue_dma source(%arg8 : memref<128x128xf32, #tpu.memory_space<vmem>>) target(%dma_start3A_53 : memref<128x128xf32, #tpu.memory_space<vmem_shared>>) target_semaphore(%run_scoped3A : memref<!tpu.dma_semaphore, #tpu.memory_space<semaphore_mem>>)
      %dma_wait3A = arith.constant 0 : i32
      %dma_wait3A_54 = tpu.memref_slice %arg12[%add3A_29, %dma_wait3A] : memref<10112x128xf32, #tpu.memory_space<vmem_shared>> -> memref<128x128xf32, #tpu.memory_space<vmem_shared>>
      %dma_wait3A_55 = arith.constant 0 : i32
      %dma_wait3A_56 = tpu.memref_slice %arg12[%add3A_29, %dma_wait3A_55] : memref<10112x128xf32, #tpu.memory_space<vmem_shared>> -> memref<128x128xf32, #tpu.memory_space<vmem_shared>>
      tpu.wait_dma2 semaphore(%run_scoped3A : memref<!tpu.dma_semaphore, #tpu.memory_space<semaphore_mem>>) src(%arg8 : memref<128x128xf32, #tpu.memory_space<vmem>>) dst(%dma_wait3A_56 : memref<128x128xf32, #tpu.memory_space<vmem_shared>>)
      tpu.yield
    }) : () -> ()
    %mul3A_30 = arith.constant 632 : i32
    %mul3A_31 = arith.muli %arg1, %mul3A_30 : i32
    %add3A_32 = arith.constant 512 : i32
    %add3A_33 = arith.addi %mul3A_31, %add3A_32 : i32
    "tpu.region"() ({
      %run_scoped3A = tpu.sem_alloc : memref<!tpu.dma_semaphore, #tpu.memory_space<semaphore_mem>>
      %dma_start3A = arith.constant 0 : i32
      %dma_start3A_51 = arith.constant 0 : i32
      %dma_start3A_52 = tpu.memref_slice %arg8[%dma_start3A, %dma_start3A_51] : memref<128x128xf32, #tpu.memory_space<vmem>> -> memref<120x128xf32, #tpu.memory_space<vmem>>
      %dma_start3A_53 = arith.constant 0 : i32
      %dma_start3A_54 = tpu.memref_slice %arg12[%add3A_33, %dma_start3A_53] : memref<10112x128xf32, #tpu.memory_space<vmem_shared>> -> memref<120x128xf32, #tpu.memory_space<vmem_shared>>
      %dma_start3A_55 = arith.constant 0 : i32
      %dma_start3A_56 = tpu.memref_slice %arg12[%add3A_33, %dma_start3A_55] : memref<10112x128xf32, #tpu.memory_space<vmem_shared>> -> memref<120x128xf32, #tpu.memory_space<vmem_shared>>
      %dma_start3A_57 = arith.constant 0 : i32
      %dma_start3A_58 = arith.constant 0 : i32
      %dma_start3A_59 = tpu.memref_slice %arg8[%dma_start3A_57, %dma_start3A_58] : memref<128x128xf32, #tpu.memory_space<vmem>> -> memref<120x128xf32, #tpu.memory_space<vmem>>
      tpu.enqueue_dma source(%dma_start3A_59 : memref<120x128xf32, #tpu.memory_space<vmem>>) target(%dma_start3A_56 : memref<120x128xf32, #tpu.memory_space<vmem_shared>>) target_semaphore(%run_scoped3A : memref<!tpu.dma_semaphore, #tpu.memory_space<semaphore_mem>>)
      %dma_wait3A = arith.constant 0 : i32
      %dma_wait3A_60 = arith.constant 0 : i32
      %dma_wait3A_61 = tpu.memref_slice %arg8[%dma_wait3A, %dma_wait3A_60] : memref<128x128xf32, #tpu.memory_space<vmem>> -> memref<120x128xf32, #tpu.memory_space<vmem>>
      %dma_wait3A_62 = arith.constant 0 : i32
      %dma_wait3A_63 = tpu.memref_slice %arg12[%add3A_33, %dma_wait3A_62] : memref<10112x128xf32, #tpu.memory_space<vmem_shared>> -> memref<120x128xf32, #tpu.memory_space<vmem_shared>>
      %dma_wait3A_64 = arith.constant 0 : i32
      %dma_wait3A_65 = tpu.memref_slice %arg12[%add3A_33, %dma_wait3A_64] : memref<10112x128xf32, #tpu.memory_space<vmem_shared>> -> memref<120x128xf32, #tpu.memory_space<vmem_shared>>
      %dma_wait3A_66 = arith.constant 0 : i32
      %dma_wait3A_67 = arith.constant 0 : i32
      %dma_wait3A_68 = tpu.memref_slice %arg8[%dma_wait3A_66, %dma_wait3A_67] : memref<128x128xf32, #tpu.memory_space<vmem>> -> memref<120x128xf32, #tpu.memory_space<vmem>>
      tpu.wait_dma2 semaphore(%run_scoped3A : memref<!tpu.dma_semaphore, #tpu.memory_space<semaphore_mem>>) src(%dma_wait3A_68 : memref<120x128xf32, #tpu.memory_space<vmem>>) dst(%dma_wait3A_65 : memref<120x128xf32, #tpu.memory_space<vmem_shared>>)
      tpu.yield
    }) : () -> ()
    "tpu.trace_stop"() : () -> ()
    %barrier3A = arith.constant 0 : index
    tpu.barrier barrier_id(%barrier3A)
    %while3A = arith.constant 0 : i32
    %while3A_34 = arith.constant 0 : i32
    "tpu.trace_start"() <{level = 10 : i32, message = "edge_main"}> : () -> ()
    %while3A_35 = arith.subi %select_n3A, %while3A_34 : i32
    %while3A_36 = arith.addi %while3A_34, %while3A_35 : i32
    %while3A_37 = arith.constant 1 : i32
    %while3A_38 = arith.divsi %while3A_35, %while3A_37 : i32
    %while3A_39 = arith.muli %while3A_38, %while3A_37 : i32
    %while3A_40 = arith.addi %while3A_34, %while3A_39 : i32
    %while3A_41 = arith.constant 1 : i32
    scf.for %while3A_51 = %while3A_34 to %while3A_40 step %while3A_41  : i32 {
      %mul3A_52 = arith.constant 8 : i32
      %mul3A_53 = arith.muli %while3A_51, %mul3A_52 : i32
      %add3A_54 = arith.addi %select_n3A_8, %mul3A_53 : i32
      "tpu.region"() ({
        %run_scoped3A_172 = tpu.sem_alloc : memref<!tpu.dma_semaphore, #tpu.memory_space<semaphore_mem>>
        %dma_start3A_173 = arith.constant 0 : i32
        %dma_start3A_174 = tpu.memref_slice %arg3[%add3A_54, %dma_start3A_173] : memref<2560x128xi32, #tpu.memory_space<hbm>> -> memref<8x128xi32, #tpu.memory_space<hbm>>
        %dma_start3A_175 = arith.constant 0 : i32
        %dma_start3A_176 = tpu.memref_slice %arg3[%add3A_54, %dma_start3A_175] : memref<2560x128xi32, #tpu.memory_space<hbm>> -> memref<8x128xi32, #tpu.memory_space<hbm>>
        tpu.enqueue_dma source(%dma_start3A_176 : memref<8x128xi32, #tpu.memory_space<hbm>>) target(%arg6 : memref<8x128xi32, #tpu.memory_space<vmem>>) target_semaphore(%run_scoped3A_172 : memref<!tpu.dma_semaphore, #tpu.memory_space<semaphore_mem>>)
        %dma_wait3A_177 = arith.constant 0 : i32
        %dma_wait3A_178 = tpu.memref_slice %arg3[%add3A_54, %dma_wait3A_177] : memref<2560x128xi32, #tpu.memory_space<hbm>> -> memref<8x128xi32, #tpu.memory_space<hbm>>
        %dma_wait3A_179 = arith.constant 0 : i32
        %dma_wait3A_180 = tpu.memref_slice %arg3[%add3A_54, %dma_wait3A_179] : memref<2560x128xi32, #tpu.memory_space<hbm>> -> memref<8x128xi32, #tpu.memory_space<hbm>>
        tpu.wait_dma2 semaphore(%run_scoped3A_172 : memref<!tpu.dma_semaphore, #tpu.memory_space<semaphore_mem>>) src(%dma_wait3A_180 : memref<8x128xi32, #tpu.memory_space<hbm>>) dst(%arg6 : memref<8x128xi32, #tpu.memory_space<vmem>>)
        tpu.yield
      }) : () -> ()
      "tpu.region"() ({
        %run_scoped3A_172 = tpu.sem_alloc : memref<!tpu.dma_semaphore, #tpu.memory_space<semaphore_mem>>
        %dma_start3A_173 = arith.constant 0 : i32
        %dma_start3A_174 = tpu.memref_slice %arg4[%add3A_54, %dma_start3A_173] : memref<2560x128xi32, #tpu.memory_space<hbm>> -> memref<8x128xi32, #tpu.memory_space<hbm>>
        %dma_start3A_175 = arith.constant 0 : i32
        %dma_start3A_176 = tpu.memref_slice %arg4[%add3A_54, %dma_start3A_175] : memref<2560x128xi32, #tpu.memory_space<hbm>> -> memref<8x128xi32, #tpu.memory_space<hbm>>
        tpu.enqueue_dma source(%dma_start3A_176 : memref<8x128xi32, #tpu.memory_space<hbm>>) target(%arg7 : memref<8x128xi32, #tpu.memory_space<vmem>>) target_semaphore(%run_scoped3A_172 : memref<!tpu.dma_semaphore, #tpu.memory_space<semaphore_mem>>)
        %dma_wait3A_177 = arith.constant 0 : i32
        %dma_wait3A_178 = tpu.memref_slice %arg4[%add3A_54, %dma_wait3A_177] : memref<2560x128xi32, #tpu.memory_space<hbm>> -> memref<8x128xi32, #tpu.memory_space<hbm>>
        %dma_wait3A_179 = arith.constant 0 : i32
        %dma_wait3A_180 = tpu.memref_slice %arg4[%add3A_54, %dma_wait3A_179] : memref<2560x128xi32, #tpu.memory_space<hbm>> -> memref<8x128xi32, #tpu.memory_space<hbm>>
        tpu.wait_dma2 semaphore(%run_scoped3A_172 : memref<!tpu.dma_semaphore, #tpu.memory_space<semaphore_mem>>) src(%dma_wait3A_180 : memref<8x128xi32, #tpu.memory_space<hbm>>) dst(%arg7 : memref<8x128xi32, #tpu.memory_space<vmem>>)
        tpu.yield
      }) : () -> ()
      %dma_start3A = arith.constant 0 : i32
      %dma_start3A_55 = arith.constant 0 : i32
      %dma_start3A_56 = tpu.memref_slice %arg6[%dma_start3A, %dma_start3A_55] : memref<8x128xi32, #tpu.memory_space<vmem>> -> memref<1x128xi32, #tpu.memory_space<vmem>>
      %dma_start3A_57 = tpu.memref_squeeze %dma_start3A_56 : memref<1x128xi32, #tpu.memory_space<vmem>> -> memref<128xi32, #tpu.memory_space<vmem>>
      %dma_start3A_58 = arith.constant 0 : i32
      %dma_start3A_59 = arith.constant 0 : i32
      %dma_start3A_60 = tpu.memref_slice %arg2[%dma_start3A_58, %dma_start3A_59] : memref<10000x128xf32, #tpu.memory_space<hbm>> -> memref<10000x128xf32, #tpu.memory_space<hbm>>
      tpu.enqueue_indirect_dma source(%dma_start3A_60 : memref<10000x128xf32, #tpu.memory_space<hbm>>) target(%arg8 : memref<128x128xf32, #tpu.memory_space<vmem>>) offsets(%dma_start3A_57 : memref<128xi32, #tpu.memory_space<vmem>>) semaphore(%arg10 : memref<!tpu.dma_semaphore, #tpu.memory_space<semaphore_mem>>)
      %dma_start3A_61 = arith.constant 1 : i32
      %dma_start3A_62 = arith.constant 0 : i32
      %dma_start3A_63 = tpu.memref_slice %arg6[%dma_start3A_61, %dma_start3A_62] : memref<8x128xi32, #tpu.memory_space<vmem>> -> memref<1x128xi32, #tpu.memory_space<vmem>>
      %dma_start3A_64 = tpu.memref_squeeze %dma_start3A_63 : memref<1x128xi32, #tpu.memory_space<vmem>> -> memref<128xi32, #tpu.memory_space<vmem>>
      %dma_start3A_65 = arith.constant 0 : i32
      %dma_start3A_66 = arith.constant 0 : i32
      %dma_start3A_67 = tpu.memref_slice %arg2[%dma_start3A_65, %dma_start3A_66] : memref<10000x128xf32, #tpu.memory_space<hbm>> -> memref<10000x128xf32, #tpu.memory_space<hbm>>
      tpu.enqueue_indirect_dma source(%dma_start3A_67 : memref<10000x128xf32, #tpu.memory_space<hbm>>) target(%arg9 : memref<128x128xf32, #tpu.memory_space<vmem>>) offsets(%dma_start3A_64 : memref<128xi32, #tpu.memory_space<vmem>>) semaphore(%arg11 : memref<!tpu.dma_semaphore, #tpu.memory_space<semaphore_mem>>)
      %dma_wait3A = arith.constant 0 : i32
      %dma_wait3A_68 = arith.constant 0 : i32
      %dma_wait3A_69 = tpu.memref_slice %arg6[%dma_wait3A, %dma_wait3A_68] : memref<8x128xi32, #tpu.memory_space<vmem>> -> memref<1x128xi32, #tpu.memory_space<vmem>>
      %dma_wait3A_70 = tpu.memref_squeeze %dma_wait3A_69 : memref<1x128xi32, #tpu.memory_space<vmem>> -> memref<128xi32, #tpu.memory_space<vmem>>
      %dma_wait3A_71 = arith.constant 0 : i32
      %dma_wait3A_72 = arith.constant 0 : i32
      %dma_wait3A_73 = tpu.memref_slice %arg2[%dma_wait3A_71, %dma_wait3A_72] : memref<10000x128xf32, #tpu.memory_space<hbm>> -> memref<10000x128xf32, #tpu.memory_space<hbm>>
      tpu.wait_indirect_dma semaphore(%arg10 : memref<!tpu.dma_semaphore, #tpu.memory_space<semaphore_mem>>) src(%dma_wait3A_73 : memref<10000x128xf32, #tpu.memory_space<hbm>>) dst(%arg8 : memref<128x128xf32, #tpu.memory_space<vmem>>)
      %run_scoped3A = arith.constant 0 : i32
      "tpu.region"() ({
        %run_scoped3A_172 = tpu.sem_alloc : memref<!tpu.dma_semaphore, #tpu.memory_space<semaphore_mem>>
        %dma_start3A_173 = arith.constant 0 : i32
        %dma_start3A_174 = tpu.memref_slice %arg7[%run_scoped3A, %dma_start3A_173] : memref<8x128xi32, #tpu.memory_space<vmem>> -> memref<1x128xi32, #tpu.memory_space<vmem>>
        %dma_start3A_175 = tpu.memref_squeeze %dma_start3A_174 : memref<1x128xi32, #tpu.memory_space<vmem>> -> memref<128xi32, #tpu.memory_space<vmem>>
        %dma_start3A_176 = arith.constant 0 : i32
        %dma_start3A_177 = arith.constant 0 : i32
        %dma_start3A_178 = tpu.memref_slice %arg12[%dma_start3A_176, %dma_start3A_177] : memref<10112x128xf32, #tpu.memory_space<vmem_shared>> -> memref<10112x128xf32, #tpu.memory_space<vmem_shared>>
        tpu.enqueue_indirect_dma source(%arg8 : memref<128x128xf32, #tpu.memory_space<vmem>>) target(%dma_start3A_178 : memref<10112x128xf32, #tpu.memory_space<vmem_shared>>) offsets(%dma_start3A_175 : memref<128xi32, #tpu.memory_space<vmem>>) semaphore(%run_scoped3A_172 : memref<!tpu.dma_semaphore, #tpu.memory_space<semaphore_mem>>) {add = true}
        %dma_wait3A_179 = arith.constant 0 : i32
        %dma_wait3A_180 = tpu.memref_slice %arg7[%run_scoped3A, %dma_wait3A_179] : memref<8x128xi32, #tpu.memory_space<vmem>> -> memref<1x128xi32, #tpu.memory_space<vmem>>
        %dma_wait3A_181 = tpu.memref_squeeze %dma_wait3A_180 : memref<1x128xi32, #tpu.memory_space<vmem>> -> memref<128xi32, #tpu.memory_space<vmem>>
        %dma_wait3A_182 = arith.constant 0 : i32
        %dma_wait3A_183 = arith.constant 0 : i32
        %dma_wait3A_184 = tpu.memref_slice %arg12[%dma_wait3A_182, %dma_wait3A_183] : memref<10112x128xf32, #tpu.memory_space<vmem_shared>> -> memref<10112x128xf32, #tpu.memory_space<vmem_shared>>
        tpu.wait_indirect_dma semaphore(%run_scoped3A_172 : memref<!tpu.dma_semaphore, #tpu.memory_space<semaphore_mem>>) src(%arg8 : memref<128x128xf32, #tpu.memory_space<vmem>>) dst(%dma_wait3A_184 : memref<10112x128xf32, #tpu.memory_space<vmem_shared>>)
        tpu.yield
      }) : () -> ()
      %dma_start3A_74 = arith.constant 2 : i32
      %dma_start3A_75 = arith.constant 0 : i32
      %dma_start3A_76 = tpu.memref_slice %arg6[%dma_start3A_74, %dma_start3A_75] : memref<8x128xi32, #tpu.memory_space<vmem>> -> memref<1x128xi32, #tpu.memory_space<vmem>>
      %dma_start3A_77 = tpu.memref_squeeze %dma_start3A_76 : memref<1x128xi32, #tpu.memory_space<vmem>> -> memref<128xi32, #tpu.memory_space<vmem>>
      %dma_start3A_78 = arith.constant 0 : i32
      %dma_start3A_79 = arith.constant 0 : i32
      %dma_start3A_80 = tpu.memref_slice %arg2[%dma_start3A_78, %dma_start3A_79] : memref<10000x128xf32, #tpu.memory_space<hbm>> -> memref<10000x128xf32, #tpu.memory_space<hbm>>
      tpu.enqueue_indirect_dma source(%dma_start3A_80 : memref<10000x128xf32, #tpu.memory_space<hbm>>) target(%arg8 : memref<128x128xf32, #tpu.memory_space<vmem>>) offsets(%dma_start3A_77 : memref<128xi32, #tpu.memory_space<vmem>>) semaphore(%arg10 : memref<!tpu.dma_semaphore, #tpu.memory_space<semaphore_mem>>)
      %dma_wait3A_81 = arith.constant 1 : i32
      %dma_wait3A_82 = arith.constant 0 : i32
      %dma_wait3A_83 = tpu.memref_slice %arg6[%dma_wait3A_81, %dma_wait3A_82] : memref<8x128xi32, #tpu.memory_space<vmem>> -> memref<1x128xi32, #tpu.memory_space<vmem>>
      %dma_wait3A_84 = tpu.memref_squeeze %dma_wait3A_83 : memref<1x128xi32, #tpu.memory_space<vmem>> -> memref<128xi32, #tpu.memory_space<vmem>>
      %dma_wait3A_85 = arith.constant 0 : i32
      %dma_wait3A_86 = arith.constant 0 : i32
      %dma_wait3A_87 = tpu.memref_slice %arg2[%dma_wait3A_85, %dma_wait3A_86] : memref<10000x128xf32, #tpu.memory_space<hbm>> -> memref<10000x128xf32, #tpu.memory_space<hbm>>
      tpu.wait_indirect_dma semaphore(%arg11 : memref<!tpu.dma_semaphore, #tpu.memory_space<semaphore_mem>>) src(%dma_wait3A_87 : memref<10000x128xf32, #tpu.memory_space<hbm>>) dst(%arg9 : memref<128x128xf32, #tpu.memory_space<vmem>>)
      %run_scoped3A_88 = arith.constant 1 : i32
      "tpu.region"() ({
        %run_scoped3A_172 = tpu.sem_alloc : memref<!tpu.dma_semaphore, #tpu.memory_space<semaphore_mem>>
        %dma_start3A_173 = arith.constant 0 : i32
        %dma_start3A_174 = tpu.memref_slice %arg7[%run_scoped3A_88, %dma_start3A_173] : memref<8x128xi32, #tpu.memory_space<vmem>> -> memref<1x128xi32, #tpu.memory_space<vmem>>
        %dma_start3A_175 = tpu.memref_squeeze %dma_start3A_174 : memref<1x128xi32, #tpu.memory_space<vmem>> -> memref<128xi32, #tpu.memory_space<vmem>>
        %dma_start3A_176 = arith.constant 0 : i32
        %dma_start3A_177 = arith.constant 0 : i32
        %dma_start3A_178 = tpu.memref_slice %arg12[%dma_start3A_176, %dma_start3A_177] : memref<10112x128xf32, #tpu.memory_space<vmem_shared>> -> memref<10112x128xf32, #tpu.memory_space<vmem_shared>>
        tpu.enqueue_indirect_dma source(%arg9 : memref<128x128xf32, #tpu.memory_space<vmem>>) target(%dma_start3A_178 : memref<10112x128xf32, #tpu.memory_space<vmem_shared>>) offsets(%dma_start3A_175 : memref<128xi32, #tpu.memory_space<vmem>>) semaphore(%run_scoped3A_172 : memref<!tpu.dma_semaphore, #tpu.memory_space<semaphore_mem>>) {add = true}
        %dma_wait3A_179 = arith.constant 0 : i32
        %dma_wait3A_180 = tpu.memref_slice %arg7[%run_scoped3A_88, %dma_wait3A_179] : memref<8x128xi32, #tpu.memory_space<vmem>> -> memref<1x128xi32, #tpu.memory_space<vmem>>
        %dma_wait3A_181 = tpu.memref_squeeze %dma_wait3A_180 : memref<1x128xi32, #tpu.memory_space<vmem>> -> memref<128xi32, #tpu.memory_space<vmem>>
        %dma_wait3A_182 = arith.constant 0 : i32
        %dma_wait3A_183 = arith.constant 0 : i32
        %dma_wait3A_184 = tpu.memref_slice %arg12[%dma_wait3A_182, %dma_wait3A_183] : memref<10112x128xf32, #tpu.memory_space<vmem_shared>> -> memref<10112x128xf32, #tpu.memory_space<vmem_shared>>
        tpu.wait_indirect_dma semaphore(%run_scoped3A_172 : memref<!tpu.dma_semaphore, #tpu.memory_space<semaphore_mem>>) src(%arg9 : memref<128x128xf32, #tpu.memory_space<vmem>>) dst(%dma_wait3A_184 : memref<10112x128xf32, #tpu.memory_space<vmem_shared>>)
        tpu.yield
      }) : () -> ()
      %dma_start3A_89 = arith.constant 3 : i32
      %dma_start3A_90 = arith.constant 0 : i32
      %dma_start3A_91 = tpu.memref_slice %arg6[%dma_start3A_89, %dma_start3A_90] : memref<8x128xi32, #tpu.memory_space<vmem>> -> memref<1x128xi32, #tpu.memory_space<vmem>>
      %dma_start3A_92 = tpu.memref_squeeze %dma_start3A_91 : memref<1x128xi32, #tpu.memory_space<vmem>> -> memref<128xi32, #tpu.memory_space<vmem>>
      %dma_start3A_93 = arith.constant 0 : i32
      %dma_start3A_94 = arith.constant 0 : i32
      %dma_start3A_95 = tpu.memref_slice %arg2[%dma_start3A_93, %dma_start3A_94] : memref<10000x128xf32, #tpu.memory_space<hbm>> -> memref<10000x128xf32, #tpu.memory_space<hbm>>
      tpu.enqueue_indirect_dma source(%dma_start3A_95 : memref<10000x128xf32, #tpu.memory_space<hbm>>) target(%arg9 : memref<128x128xf32, #tpu.memory_space<vmem>>) offsets(%dma_start3A_92 : memref<128xi32, #tpu.memory_space<vmem>>) semaphore(%arg11 : memref<!tpu.dma_semaphore, #tpu.memory_space<semaphore_mem>>)
      %dma_wait3A_96 = arith.constant 2 : i32
      %dma_wait3A_97 = arith.constant 0 : i32
      %dma_wait3A_98 = tpu.memref_slice %arg6[%dma_wait3A_96, %dma_wait3A_97] : memref<8x128xi32, #tpu.memory_space<vmem>> -> memref<1x128xi32, #tpu.memory_space<vmem>>
      %dma_wait3A_99 = tpu.memref_squeeze %dma_wait3A_98 : memref<1x128xi32, #tpu.memory_space<vmem>> -> memref<128xi32, #tpu.memory_space<vmem>>
      %dma_wait3A_100 = arith.constant 0 : i32
      %dma_wait3A_101 = arith.constant 0 : i32
      %dma_wait3A_102 = tpu.memref_slice %arg2[%dma_wait3A_100, %dma_wait3A_101] : memref<10000x128xf32, #tpu.memory_space<hbm>> -> memref<10000x128xf32, #tpu.memory_space<hbm>>
      tpu.wait_indirect_dma semaphore(%arg10 : memref<!tpu.dma_semaphore, #tpu.memory_space<semaphore_mem>>) src(%dma_wait3A_102 : memref<10000x128xf32, #tpu.memory_space<hbm>>) dst(%arg8 : memref<128x128xf32, #tpu.memory_space<vmem>>)
      %run_scoped3A_103 = arith.constant 2 : i32
      "tpu.region"() ({
        %run_scoped3A_172 = tpu.sem_alloc : memref<!tpu.dma_semaphore, #tpu.memory_space<semaphore_mem>>
        %dma_start3A_173 = arith.constant 0 : i32
        %dma_start3A_174 = tpu.memref_slice %arg7[%run_scoped3A_103, %dma_start3A_173] : memref<8x128xi32, #tpu.memory_space<vmem>> -> memref<1x128xi32, #tpu.memory_space<vmem>>
        %dma_start3A_175 = tpu.memref_squeeze %dma_start3A_174 : memref<1x128xi32, #tpu.memory_space<vmem>> -> memref<128xi32, #tpu.memory_space<vmem>>
        %dma_start3A_176 = arith.constant 0 : i32
        %dma_start3A_177 = arith.constant 0 : i32
        %dma_start3A_178 = tpu.memref_slice %arg12[%dma_start3A_176, %dma_start3A_177] : memref<10112x128xf32, #tpu.memory_space<vmem_shared>> -> memref<10112x128xf32, #tpu.memory_space<vmem_shared>>
        tpu.enqueue_indirect_dma source(%arg8 : memref<128x128xf32, #tpu.memory_space<vmem>>) target(%dma_start3A_178 : memref<10112x128xf32, #tpu.memory_space<vmem_shared>>) offsets(%dma_start3A_175 : memref<128xi32, #tpu.memory_space<vmem>>) semaphore(%run_scoped3A_172 : memref<!tpu.dma_semaphore, #tpu.memory_space<semaphore_mem>>) {add = true}
        %dma_wait3A_179 = arith.constant 0 : i32
        %dma_wait3A_180 = tpu.memref_slice %arg7[%run_scoped3A_103, %dma_wait3A_179] : memref<8x128xi32, #tpu.memory_space<vmem>> -> memref<1x128xi32, #tpu.memory_space<vmem>>
        %dma_wait3A_181 = tpu.memref_squeeze %dma_wait3A_180 : memref<1x128xi32, #tpu.memory_space<vmem>> -> memref<128xi32, #tpu.memory_space<vmem>>
        %dma_wait3A_182 = arith.constant 0 : i32
        %dma_wait3A_183 = arith.constant 0 : i32
        %dma_wait3A_184 = tpu.memref_slice %arg12[%dma_wait3A_182, %dma_wait3A_183] : memref<10112x128xf32, #tpu.memory_space<vmem_shared>> -> memref<10112x128xf32, #tpu.memory_space<vmem_shared>>
        tpu.wait_indirect_dma semaphore(%run_scoped3A_172 : memref<!tpu.dma_semaphore, #tpu.memory_space<semaphore_mem>>) src(%arg8 : memref<128x128xf32, #tpu.memory_space<vmem>>) dst(%dma_wait3A_184 : memref<10112x128xf32, #tpu.memory_space<vmem_shared>>)
        tpu.yield
      }) : () -> ()
      %dma_start3A_104 = arith.constant 4 : i32
      %dma_start3A_105 = arith.constant 0 : i32
      %dma_start3A_106 = tpu.memref_slice %arg6[%dma_start3A_104, %dma_start3A_105] : memref<8x128xi32, #tpu.memory_space<vmem>> -> memref<1x128xi32, #tpu.memory_space<vmem>>
      %dma_start3A_107 = tpu.memref_squeeze %dma_start3A_106 : memref<1x128xi32, #tpu.memory_space<vmem>> -> memref<128xi32, #tpu.memory_space<vmem>>
      %dma_start3A_108 = arith.constant 0 : i32
      %dma_start3A_109 = arith.constant 0 : i32
      %dma_start3A_110 = tpu.memref_slice %arg2[%dma_start3A_108, %dma_start3A_109] : memref<10000x128xf32, #tpu.memory_space<hbm>> -> memref<10000x128xf32, #tpu.memory_space<hbm>>
      tpu.enqueue_indirect_dma source(%dma_start3A_110 : memref<10000x128xf32, #tpu.memory_space<hbm>>) target(%arg8 : memref<128x128xf32, #tpu.memory_space<vmem>>) offsets(%dma_start3A_107 : memref<128xi32, #tpu.memory_space<vmem>>) semaphore(%arg10 : memref<!tpu.dma_semaphore, #tpu.memory_space<semaphore_mem>>)
      %dma_wait3A_111 = arith.constant 3 : i32
      %dma_wait3A_112 = arith.constant 0 : i32
      %dma_wait3A_113 = tpu.memref_slice %arg6[%dma_wait3A_111, %dma_wait3A_112] : memref<8x128xi32, #tpu.memory_space<vmem>> -> memref<1x128xi32, #tpu.memory_space<vmem>>
      %dma_wait3A_114 = tpu.memref_squeeze %dma_wait3A_113 : memref<1x128xi32, #tpu.memory_space<vmem>> -> memref<128xi32, #tpu.memory_space<vmem>>
      %dma_wait3A_115 = arith.constant 0 : i32
      %dma_wait3A_116 = arith.constant 0 : i32
      %dma_wait3A_117 = tpu.memref_slice %arg2[%dma_wait3A_115, %dma_wait3A_116] : memref<10000x128xf32, #tpu.memory_space<hbm>> -> memref<10000x128xf32, #tpu.memory_space<hbm>>
      tpu.wait_indirect_dma semaphore(%arg11 : memref<!tpu.dma_semaphore, #tpu.memory_space<semaphore_mem>>) src(%dma_wait3A_117 : memref<10000x128xf32, #tpu.memory_space<hbm>>) dst(%arg9 : memref<128x128xf32, #tpu.memory_space<vmem>>)
      %run_scoped3A_118 = arith.constant 3 : i32
      "tpu.region"() ({
        %run_scoped3A_172 = tpu.sem_alloc : memref<!tpu.dma_semaphore, #tpu.memory_space<semaphore_mem>>
        %dma_start3A_173 = arith.constant 0 : i32
        %dma_start3A_174 = tpu.memref_slice %arg7[%run_scoped3A_118, %dma_start3A_173] : memref<8x128xi32, #tpu.memory_space<vmem>> -> memref<1x128xi32, #tpu.memory_space<vmem>>
        %dma_start3A_175 = tpu.memref_squeeze %dma_start3A_174 : memref<1x128xi32, #tpu.memory_space<vmem>> -> memref<128xi32, #tpu.memory_space<vmem>>
        %dma_start3A_176 = arith.constant 0 : i32
        %dma_start3A_177 = arith.constant 0 : i32
        %dma_start3A_178 = tpu.memref_slice %arg12[%dma_start3A_176, %dma_start3A_177] : memref<10112x128xf32, #tpu.memory_space<vmem_shared>> -> memref<10112x128xf32, #tpu.memory_space<vmem_shared>>
        tpu.enqueue_indirect_dma source(%arg9 : memref<128x128xf32, #tpu.memory_space<vmem>>) target(%dma_start3A_178 : memref<10112x128xf32, #tpu.memory_space<vmem_shared>>) offsets(%dma_start3A_175 : memref<128xi32, #tpu.memory_space<vmem>>) semaphore(%run_scoped3A_172 : memref<!tpu.dma_semaphore, #tpu.memory_space<semaphore_mem>>) {add = true}
        %dma_wait3A_179 = arith.constant 0 : i32
        %dma_wait3A_180 = tpu.memref_slice %arg7[%run_scoped3A_118, %dma_wait3A_179] : memref<8x128xi32, #tpu.memory_space<vmem>> -> memref<1x128xi32, #tpu.memory_space<vmem>>
        %dma_wait3A_181 = tpu.memref_squeeze %dma_wait3A_180 : memref<1x128xi32, #tpu.memory_space<vmem>> -> memref<128xi32, #tpu.memory_space<vmem>>
        %dma_wait3A_182 = arith.constant 0 : i32
        %dma_wait3A_183 = arith.constant 0 : i32
        %dma_wait3A_184 = tpu.memref_slice %arg12[%dma_wait3A_182, %dma_wait3A_183] : memref<10112x128xf32, #tpu.memory_space<vmem_shared>> -> memref<10112x128xf32, #tpu.memory_space<vmem_shared>>
        tpu.wait_indirect_dma semaphore(%run_scoped3A_172 : memref<!tpu.dma_semaphore, #tpu.memory_space<semaphore_mem>>) src(%arg9 : memref<128x128xf32, #tpu.memory_space<vmem>>) dst(%dma_wait3A_184 : memref<10112x128xf32, #tpu.memory_space<vmem_shared>>)
        tpu.yield
      }) : () -> ()
      %dma_start3A_119 = arith.constant 5 : i32
      %dma_start3A_120 = arith.constant 0 : i32
      %dma_start3A_121 = tpu.memref_slice %arg6[%dma_start3A_119, %dma_start3A_120] : memref<8x128xi32, #tpu.memory_space<vmem>> -> memref<1x128xi32, #tpu.memory_space<vmem>>
      %dma_start3A_122 = tpu.memref_squeeze %dma_start3A_121 : memref<1x128xi32, #tpu.memory_space<vmem>> -> memref<128xi32, #tpu.memory_space<vmem>>
      %dma_start3A_123 = arith.constant 0 : i32
      %dma_start3A_124 = arith.constant 0 : i32
      %dma_start3A_125 = tpu.memref_slice %arg2[%dma_start3A_123, %dma_start3A_124] : memref<10000x128xf32, #tpu.memory_space<hbm>> -> memref<10000x128xf32, #tpu.memory_space<hbm>>
      tpu.enqueue_indirect_dma source(%dma_start3A_125 : memref<10000x128xf32, #tpu.memory_space<hbm>>) target(%arg9 : memref<128x128xf32, #tpu.memory_space<vmem>>) offsets(%dma_start3A_122 : memref<128xi32, #tpu.memory_space<vmem>>) semaphore(%arg11 : memref<!tpu.dma_semaphore, #tpu.memory_space<semaphore_mem>>)
      %dma_wait3A_126 = arith.constant 4 : i32
      %dma_wait3A_127 = arith.constant 0 : i32
      %dma_wait3A_128 = tpu.memref_slice %arg6[%dma_wait3A_126, %dma_wait3A_127] : memref<8x128xi32, #tpu.memory_space<vmem>> -> memref<1x128xi32, #tpu.memory_space<vmem>>
      %dma_wait3A_129 = tpu.memref_squeeze %dma_wait3A_128 : memref<1x128xi32, #tpu.memory_space<vmem>> -> memref<128xi32, #tpu.memory_space<vmem>>
      %dma_wait3A_130 = arith.constant 0 : i32
      %dma_wait3A_131 = arith.constant 0 : i32
      %dma_wait3A_132 = tpu.memref_slice %arg2[%dma_wait3A_130, %dma_wait3A_131] : memref<10000x128xf32, #tpu.memory_space<hbm>> -> memref<10000x128xf32, #tpu.memory_space<hbm>>
      tpu.wait_indirect_dma semaphore(%arg10 : memref<!tpu.dma_semaphore, #tpu.memory_space<semaphore_mem>>) src(%dma_wait3A_132 : memref<10000x128xf32, #tpu.memory_space<hbm>>) dst(%arg8 : memref<128x128xf32, #tpu.memory_space<vmem>>)
      %run_scoped3A_133 = arith.constant 4 : i32
      "tpu.region"() ({
        %run_scoped3A_172 = tpu.sem_alloc : memref<!tpu.dma_semaphore, #tpu.memory_space<semaphore_mem>>
        %dma_start3A_173 = arith.constant 0 : i32
        %dma_start3A_174 = tpu.memref_slice %arg7[%run_scoped3A_133, %dma_start3A_173] : memref<8x128xi32, #tpu.memory_space<vmem>> -> memref<1x128xi32, #tpu.memory_space<vmem>>
        %dma_start3A_175 = tpu.memref_squeeze %dma_start3A_174 : memref<1x128xi32, #tpu.memory_space<vmem>> -> memref<128xi32, #tpu.memory_space<vmem>>
        %dma_start3A_176 = arith.constant 0 : i32
        %dma_start3A_177 = arith.constant 0 : i32
        %dma_start3A_178 = tpu.memref_slice %arg12[%dma_start3A_176, %dma_start3A_177] : memref<10112x128xf32, #tpu.memory_space<vmem_shared>> -> memref<10112x128xf32, #tpu.memory_space<vmem_shared>>
        tpu.enqueue_indirect_dma source(%arg8 : memref<128x128xf32, #tpu.memory_space<vmem>>) target(%dma_start3A_178 : memref<10112x128xf32, #tpu.memory_space<vmem_shared>>) offsets(%dma_start3A_175 : memref<128xi32, #tpu.memory_space<vmem>>) semaphore(%run_scoped3A_172 : memref<!tpu.dma_semaphore, #tpu.memory_space<semaphore_mem>>) {add = true}
        %dma_wait3A_179 = arith.constant 0 : i32
        %dma_wait3A_180 = tpu.memref_slice %arg7[%run_scoped3A_133, %dma_wait3A_179] : memref<8x128xi32, #tpu.memory_space<vmem>> -> memref<1x128xi32, #tpu.memory_space<vmem>>
        %dma_wait3A_181 = tpu.memref_squeeze %dma_wait3A_180 : memref<1x128xi32, #tpu.memory_space<vmem>> -> memref<128xi32, #tpu.memory_space<vmem>>
        %dma_wait3A_182 = arith.constant 0 : i32
        %dma_wait3A_183 = arith.constant 0 : i32
        %dma_wait3A_184 = tpu.memref_slice %arg12[%dma_wait3A_182, %dma_wait3A_183] : memref<10112x128xf32, #tpu.memory_space<vmem_shared>> -> memref<10112x128xf32, #tpu.memory_space<vmem_shared>>
        tpu.wait_indirect_dma semaphore(%run_scoped3A_172 : memref<!tpu.dma_semaphore, #tpu.memory_space<semaphore_mem>>) src(%arg8 : memref<128x128xf32, #tpu.memory_space<vmem>>) dst(%dma_wait3A_184 : memref<10112x128xf32, #tpu.memory_space<vmem_shared>>)
        tpu.yield
      }) : () -> ()
      %dma_start3A_134 = arith.constant 6 : i32
      %dma_start3A_135 = arith.constant 0 : i32
      %dma_start3A_136 = tpu.memref_slice %arg6[%dma_start3A_134, %dma_start3A_135] : memref<8x128xi32, #tpu.memory_space<vmem>> -> memref<1x128xi32, #tpu.memory_space<vmem>>
      %dma_start3A_137 = tpu.memref_squeeze %dma_start3A_136 : memref<1x128xi32, #tpu.memory_space<vmem>> -> memref<128xi32, #tpu.memory_space<vmem>>
      %dma_start3A_138 = arith.constant 0 : i32
      %dma_start3A_139 = arith.constant 0 : i32
      %dma_start3A_140 = tpu.memref_slice %arg2[%dma_start3A_138, %dma_start3A_139] : memref<10000x128xf32, #tpu.memory_space<hbm>> -> memref<10000x128xf32, #tpu.memory_space<hbm>>
      tpu.enqueue_indirect_dma source(%dma_start3A_140 : memref<10000x128xf32, #tpu.memory_space<hbm>>) target(%arg8 : memref<128x128xf32, #tpu.memory_space<vmem>>) offsets(%dma_start3A_137 : memref<128xi32, #tpu.memory_space<vmem>>) semaphore(%arg10 : memref<!tpu.dma_semaphore, #tpu.memory_space<semaphore_mem>>)
      %dma_wait3A_141 = arith.constant 5 : i32
      %dma_wait3A_142 = arith.constant 0 : i32
      %dma_wait3A_143 = tpu.memref_slice %arg6[%dma_wait3A_141, %dma_wait3A_142] : memref<8x128xi32, #tpu.memory_space<vmem>> -> memref<1x128xi32, #tpu.memory_space<vmem>>
      %dma_wait3A_144 = tpu.memref_squeeze %dma_wait3A_143 : memref<1x128xi32, #tpu.memory_space<vmem>> -> memref<128xi32, #tpu.memory_space<vmem>>
      %dma_wait3A_145 = arith.constant 0 : i32
      %dma_wait3A_146 = arith.constant 0 : i32
      %dma_wait3A_147 = tpu.memref_slice %arg2[%dma_wait3A_145, %dma_wait3A_146] : memref<10000x128xf32, #tpu.memory_space<hbm>> -> memref<10000x128xf32, #tpu.memory_space<hbm>>
      tpu.wait_indirect_dma semaphore(%arg11 : memref<!tpu.dma_semaphore, #tpu.memory_space<semaphore_mem>>) src(%dma_wait3A_147 : memref<10000x128xf32, #tpu.memory_space<hbm>>) dst(%arg9 : memref<128x128xf32, #tpu.memory_space<vmem>>)
      %run_scoped3A_148 = arith.constant 5 : i32
      "tpu.region"() ({
        %run_scoped3A_172 = tpu.sem_alloc : memref<!tpu.dma_semaphore, #tpu.memory_space<semaphore_mem>>
        %dma_start3A_173 = arith.constant 0 : i32
        %dma_start3A_174 = tpu.memref_slice %arg7[%run_scoped3A_148, %dma_start3A_173] : memref<8x128xi32, #tpu.memory_space<vmem>> -> memref<1x128xi32, #tpu.memory_space<vmem>>
        %dma_start3A_175 = tpu.memref_squeeze %dma_start3A_174 : memref<1x128xi32, #tpu.memory_space<vmem>> -> memref<128xi32, #tpu.memory_space<vmem>>
        %dma_start3A_176 = arith.constant 0 : i32
        %dma_start3A_177 = arith.constant 0 : i32
        %dma_start3A_178 = tpu.memref_slice %arg12[%dma_start3A_176, %dma_start3A_177] : memref<10112x128xf32, #tpu.memory_space<vmem_shared>> -> memref<10112x128xf32, #tpu.memory_space<vmem_shared>>
        tpu.enqueue_indirect_dma source(%arg9 : memref<128x128xf32, #tpu.memory_space<vmem>>) target(%dma_start3A_178 : memref<10112x128xf32, #tpu.memory_space<vmem_shared>>) offsets(%dma_start3A_175 : memref<128xi32, #tpu.memory_space<vmem>>) semaphore(%run_scoped3A_172 : memref<!tpu.dma_semaphore, #tpu.memory_space<semaphore_mem>>) {add = true}
        %dma_wait3A_179 = arith.constant 0 : i32
        %dma_wait3A_180 = tpu.memref_slice %arg7[%run_scoped3A_148, %dma_wait3A_179] : memref<8x128xi32, #tpu.memory_space<vmem>> -> memref<1x128xi32, #tpu.memory_space<vmem>>
        %dma_wait3A_181 = tpu.memref_squeeze %dma_wait3A_180 : memref<1x128xi32, #tpu.memory_space<vmem>> -> memref<128xi32, #tpu.memory_space<vmem>>
        %dma_wait3A_182 = arith.constant 0 : i32
        %dma_wait3A_183 = arith.constant 0 : i32
        %dma_wait3A_184 = tpu.memref_slice %arg12[%dma_wait3A_182, %dma_wait3A_183] : memref<10112x128xf32, #tpu.memory_space<vmem_shared>> -> memref<10112x128xf32, #tpu.memory_space<vmem_shared>>
        tpu.wait_indirect_dma semaphore(%run_scoped3A_172 : memref<!tpu.dma_semaphore, #tpu.memory_space<semaphore_mem>>) src(%arg9 : memref<128x128xf32, #tpu.memory_space<vmem>>) dst(%dma_wait3A_184 : memref<10112x128xf32, #tpu.memory_space<vmem_shared>>)
        tpu.yield
      }) : () -> ()
      %dma_start3A_149 = arith.constant 7 : i32
      %dma_start3A_150 = arith.constant 0 : i32
      %dma_start3A_151 = tpu.memref_slice %arg6[%dma_start3A_149, %dma_start3A_150] : memref<8x128xi32, #tpu.memory_space<vmem>> -> memref<1x128xi32, #tpu.memory_space<vmem>>
      %dma_start3A_152 = tpu.memref_squeeze %dma_start3A_151 : memref<1x128xi32, #tpu.memory_space<vmem>> -> memref<128xi32, #tpu.memory_space<vmem>>
      %dma_start3A_153 = arith.constant 0 : i32
      %dma_start3A_154 = arith.constant 0 : i32
      %dma_start3A_155 = tpu.memref_slice %arg2[%dma_start3A_153, %dma_start3A_154] : memref<10000x128xf32, #tpu.memory_space<hbm>> -> memref<10000x128xf32, #tpu.memory_space<hbm>>
      tpu.enqueue_indirect_dma source(%dma_start3A_155 : memref<10000x128xf32, #tpu.memory_space<hbm>>) target(%arg9 : memref<128x128xf32, #tpu.memory_space<vmem>>) offsets(%dma_start3A_152 : memref<128xi32, #tpu.memory_space<vmem>>) semaphore(%arg11 : memref<!tpu.dma_semaphore, #tpu.memory_space<semaphore_mem>>)
      %dma_wait3A_156 = arith.constant 6 : i32
      %dma_wait3A_157 = arith.constant 0 : i32
      %dma_wait3A_158 = tpu.memref_slice %arg6[%dma_wait3A_156, %dma_wait3A_157] : memref<8x128xi32, #tpu.memory_space<vmem>> -> memref<1x128xi32, #tpu.memory_space<vmem>>
      %dma_wait3A_159 = tpu.memref_squeeze %dma_wait3A_158 : memref<1x128xi32, #tpu.memory_space<vmem>> -> memref<128xi32, #tpu.memory_space<vmem>>
      %dma_wait3A_160 = arith.constant 0 : i32
      %dma_wait3A_161 = arith.constant 0 : i32
      %dma_wait3A_162 = tpu.memref_slice %arg2[%dma_wait3A_160, %dma_wait3A_161] : memref<10000x128xf32, #tpu.memory_space<hbm>> -> memref<10000x128xf32, #tpu.memory_space<hbm>>
      tpu.wait_indirect_dma semaphore(%arg10 : memref<!tpu.dma_semaphore, #tpu.memory_space<semaphore_mem>>) src(%dma_wait3A_162 : memref<10000x128xf32, #tpu.memory_space<hbm>>) dst(%arg8 : memref<128x128xf32, #tpu.memory_space<vmem>>)
      %run_scoped3A_163 = arith.constant 6 : i32
      "tpu.region"() ({
        %run_scoped3A_172 = tpu.sem_alloc : memref<!tpu.dma_semaphore, #tpu.memory_space<semaphore_mem>>
        %dma_start3A_173 = arith.constant 0 : i32
        %dma_start3A_174 = tpu.memref_slice %arg7[%run_scoped3A_163, %dma_start3A_173] : memref<8x128xi32, #tpu.memory_space<vmem>> -> memref<1x128xi32, #tpu.memory_space<vmem>>
        %dma_start3A_175 = tpu.memref_squeeze %dma_start3A_174 : memref<1x128xi32, #tpu.memory_space<vmem>> -> memref<128xi32, #tpu.memory_space<vmem>>
        %dma_start3A_176 = arith.constant 0 : i32
        %dma_start3A_177 = arith.constant 0 : i32
        %dma_start3A_178 = tpu.memref_slice %arg12[%dma_start3A_176, %dma_start3A_177] : memref<10112x128xf32, #tpu.memory_space<vmem_shared>> -> memref<10112x128xf32, #tpu.memory_space<vmem_shared>>
        tpu.enqueue_indirect_dma source(%arg8 : memref<128x128xf32, #tpu.memory_space<vmem>>) target(%dma_start3A_178 : memref<10112x128xf32, #tpu.memory_space<vmem_shared>>) offsets(%dma_start3A_175 : memref<128xi32, #tpu.memory_space<vmem>>) semaphore(%run_scoped3A_172 : memref<!tpu.dma_semaphore, #tpu.memory_space<semaphore_mem>>) {add = true}
        %dma_wait3A_179 = arith.constant 0 : i32
        %dma_wait3A_180 = tpu.memref_slice %arg7[%run_scoped3A_163, %dma_wait3A_179] : memref<8x128xi32, #tpu.memory_space<vmem>> -> memref<1x128xi32, #tpu.memory_space<vmem>>
        %dma_wait3A_181 = tpu.memref_squeeze %dma_wait3A_180 : memref<1x128xi32, #tpu.memory_space<vmem>> -> memref<128xi32, #tpu.memory_space<vmem>>
        %dma_wait3A_182 = arith.constant 0 : i32
        %dma_wait3A_183 = arith.constant 0 : i32
        %dma_wait3A_184 = tpu.memref_slice %arg12[%dma_wait3A_182, %dma_wait3A_183] : memref<10112x128xf32, #tpu.memory_space<vmem_shared>> -> memref<10112x128xf32, #tpu.memory_space<vmem_shared>>
        tpu.wait_indirect_dma semaphore(%run_scoped3A_172 : memref<!tpu.dma_semaphore, #tpu.memory_space<semaphore_mem>>) src(%arg8 : memref<128x128xf32, #tpu.memory_space<vmem>>) dst(%dma_wait3A_184 : memref<10112x128xf32, #tpu.memory_space<vmem_shared>>)
        tpu.yield
      }) : () -> ()
      %dma_wait3A_164 = arith.constant 7 : i32
      %dma_wait3A_165 = arith.constant 0 : i32
      %dma_wait3A_166 = tpu.memref_slice %arg6[%dma_wait3A_164, %dma_wait3A_165] : memref<8x128xi32, #tpu.memory_space<vmem>> -> memref<1x128xi32, #tpu.memory_space<vmem>>
      %dma_wait3A_167 = tpu.memref_squeeze %dma_wait3A_166 : memref<1x128xi32, #tpu.memory_space<vmem>> -> memref<128xi32, #tpu.memory_space<vmem>>
      %dma_wait3A_168 = arith.constant 0 : i32
      %dma_wait3A_169 = arith.constant 0 : i32
      %dma_wait3A_170 = tpu.memref_slice %arg2[%dma_wait3A_168, %dma_wait3A_169] : memref<10000x128xf32, #tpu.memory_space<hbm>> -> memref<10000x128xf32, #tpu.memory_space<hbm>>
      tpu.wait_indirect_dma semaphore(%arg11 : memref<!tpu.dma_semaphore, #tpu.memory_space<semaphore_mem>>) src(%dma_wait3A_170 : memref<10000x128xf32, #tpu.memory_space<hbm>>) dst(%arg9 : memref<128x128xf32, #tpu.memory_space<vmem>>)
      %run_scoped3A_171 = arith.constant 7 : i32
      "tpu.region"() ({
        %run_scoped3A_172 = tpu.sem_alloc : memref<!tpu.dma_semaphore, #tpu.memory_space<semaphore_mem>>
        %dma_start3A_173 = arith.constant 0 : i32
        %dma_start3A_174 = tpu.memref_slice %arg7[%run_scoped3A_171, %dma_start3A_173] : memref<8x128xi32, #tpu.memory_space<vmem>> -> memref<1x128xi32, #tpu.memory_space<vmem>>
        %dma_start3A_175 = tpu.memref_squeeze %dma_start3A_174 : memref<1x128xi32, #tpu.memory_space<vmem>> -> memref<128xi32, #tpu.memory_space<vmem>>
        %dma_start3A_176 = arith.constant 0 : i32
        %dma_start3A_177 = arith.constant 0 : i32
        %dma_start3A_178 = tpu.memref_slice %arg12[%dma_start3A_176, %dma_start3A_177] : memref<10112x128xf32, #tpu.memory_space<vmem_shared>> -> memref<10112x128xf32, #tpu.memory_space<vmem_shared>>
        tpu.enqueue_indirect_dma source(%arg9 : memref<128x128xf32, #tpu.memory_space<vmem>>) target(%dma_start3A_178 : memref<10112x128xf32, #tpu.memory_space<vmem_shared>>) offsets(%dma_start3A_175 : memref<128xi32, #tpu.memory_space<vmem>>) semaphore(%run_scoped3A_172 : memref<!tpu.dma_semaphore, #tpu.memory_space<semaphore_mem>>) {add = true}
        %dma_wait3A_179 = arith.constant 0 : i32
        %dma_wait3A_180 = tpu.memref_slice %arg7[%run_scoped3A_171, %dma_wait3A_179] : memref<8x128xi32, #tpu.memory_space<vmem>> -> memref<1x128xi32, #tpu.memory_space<vmem>>
        %dma_wait3A_181 = tpu.memref_squeeze %dma_wait3A_180 : memref<1x128xi32, #tpu.memory_space<vmem>> -> memref<128xi32, #tpu.memory_space<vmem>>
        %dma_wait3A_182 = arith.constant 0 : i32
        %dma_wait3A_183 = arith.constant 0 : i32
        %dma_wait3A_184 = tpu.memref_slice %arg12[%dma_wait3A_182, %dma_wait3A_183] : memref<10112x128xf32, #tpu.memory_space<vmem_shared>> -> memref<10112x128xf32, #tpu.memory_space<vmem_shared>>
        tpu.wait_indirect_dma semaphore(%run_scoped3A_172 : memref<!tpu.dma_semaphore, #tpu.memory_space<semaphore_mem>>) src(%arg9 : memref<128x128xf32, #tpu.memory_space<vmem>>) dst(%dma_wait3A_184 : memref<10112x128xf32, #tpu.memory_space<vmem_shared>>)
        tpu.yield
      }) : () -> ()
    }
    %while3A_42 = arith.constant 1 : i32
    scf.for %while3A_51 = %while3A_40 to %while3A_36 step %while3A_42  : i32 {
      %mul3A_52 = arith.constant 8 : i32
      %mul3A_53 = arith.muli %while3A_51, %mul3A_52 : i32
      %add3A_54 = arith.addi %select_n3A_8, %mul3A_53 : i32
      "tpu.region"() ({
        %run_scoped3A_172 = tpu.sem_alloc : memref<!tpu.dma_semaphore, #tpu.memory_space<semaphore_mem>>
        %dma_start3A_173 = arith.constant 0 : i32
        %dma_start3A_174 = tpu.memref_slice %arg3[%add3A_54, %dma_start3A_173] : memref<2560x128xi32, #tpu.memory_space<hbm>> -> memref<8x128xi32, #tpu.memory_space<hbm>>
        %dma_start3A_175 = arith.constant 0 : i32
        %dma_start3A_176 = tpu.memref_slice %arg3[%add3A_54, %dma_start3A_175] : memref<2560x128xi32, #tpu.memory_space<hbm>> -> memref<8x128xi32, #tpu.memory_space<hbm>>
        tpu.enqueue_dma source(%dma_start3A_176 : memref<8x128xi32, #tpu.memory_space<hbm>>) target(%arg6 : memref<8x128xi32, #tpu.memory_space<vmem>>) target_semaphore(%run_scoped3A_172 : memref<!tpu.dma_semaphore, #tpu.memory_space<semaphore_mem>>)
        %dma_wait3A_177 = arith.constant 0 : i32
        %dma_wait3A_178 = tpu.memref_slice %arg3[%add3A_54, %dma_wait3A_177] : memref<2560x128xi32, #tpu.memory_space<hbm>> -> memref<8x128xi32, #tpu.memory_space<hbm>>
        %dma_wait3A_179 = arith.constant 0 : i32
        %dma_wait3A_180 = tpu.memref_slice %arg3[%add3A_54, %dma_wait3A_179] : memref<2560x128xi32, #tpu.memory_space<hbm>> -> memref<8x128xi32, #tpu.memory_space<hbm>>
        tpu.wait_dma2 semaphore(%run_scoped3A_172 : memref<!tpu.dma_semaphore, #tpu.memory_space<semaphore_mem>>) src(%dma_wait3A_180 : memref<8x128xi32, #tpu.memory_space<hbm>>) dst(%arg6 : memref<8x128xi32, #tpu.memory_space<vmem>>)
        tpu.yield
      }) : () -> ()
      "tpu.region"() ({
        %run_scoped3A_172 = tpu.sem_alloc : memref<!tpu.dma_semaphore, #tpu.memory_space<semaphore_mem>>
        %dma_start3A_173 = arith.constant 0 : i32
        %dma_start3A_174 = tpu.memref_slice %arg4[%add3A_54, %dma_start3A_173] : memref<2560x128xi32, #tpu.memory_space<hbm>> -> memref<8x128xi32, #tpu.memory_space<hbm>>
        %dma_start3A_175 = arith.constant 0 : i32
        %dma_start3A_176 = tpu.memref_slice %arg4[%add3A_54, %dma_start3A_175] : memref<2560x128xi32, #tpu.memory_space<hbm>> -> memref<8x128xi32, #tpu.memory_space<hbm>>
        tpu.enqueue_dma source(%dma_start3A_176 : memref<8x128xi32, #tpu.memory_space<hbm>>) target(%arg7 : memref<8x128xi32, #tpu.memory_space<vmem>>) target_semaphore(%run_scoped3A_172 : memref<!tpu.dma_semaphore, #tpu.memory_space<semaphore_mem>>)
        %dma_wait3A_177 = arith.constant 0 : i32
        %dma_wait3A_178 = tpu.memref_slice %arg4[%add3A_54, %dma_wait3A_177] : memref<2560x128xi32, #tpu.memory_space<hbm>> -> memref<8x128xi32, #tpu.memory_space<hbm>>
        %dma_wait3A_179 = arith.constant 0 : i32
        %dma_wait3A_180 = tpu.memref_slice %arg4[%add3A_54, %dma_wait3A_179] : memref<2560x128xi32, #tpu.memory_space<hbm>> -> memref<8x128xi32, #tpu.memory_space<hbm>>
        tpu.wait_dma2 semaphore(%run_scoped3A_172 : memref<!tpu.dma_semaphore, #tpu.memory_space<semaphore_mem>>) src(%dma_wait3A_180 : memref<8x128xi32, #tpu.memory_space<hbm>>) dst(%arg7 : memref<8x128xi32, #tpu.memory_space<vmem>>)
        tpu.yield
      }) : () -> ()
      %dma_start3A = arith.constant 0 : i32
      %dma_start3A_55 = arith.constant 0 : i32
      %dma_start3A_56 = tpu.memref_slice %arg6[%dma_start3A, %dma_start3A_55] : memref<8x128xi32, #tpu.memory_space<vmem>> -> memref<1x128xi32, #tpu.memory_space<vmem>>
      %dma_start3A_57 = tpu.memref_squeeze %dma_start3A_56 : memref<1x128xi32, #tpu.memory_space<vmem>> -> memref<128xi32, #tpu.memory_space<vmem>>
      %dma_start3A_58 = arith.constant 0 : i32
      %dma_start3A_59 = arith.constant 0 : i32
      %dma_start3A_60 = tpu.memref_slice %arg2[%dma_start3A_58, %dma_start3A_59] : memref<10000x128xf32, #tpu.memory_space<hbm>> -> memref<10000x128xf32, #tpu.memory_space<hbm>>
      tpu.enqueue_indirect_dma source(%dma_start3A_60 : memref<10000x128xf32, #tpu.memory_space<hbm>>) target(%arg8 : memref<128x128xf32, #tpu.memory_space<vmem>>) offsets(%dma_start3A_57 : memref<128xi32, #tpu.memory_space<vmem>>) semaphore(%arg10 : memref<!tpu.dma_semaphore, #tpu.memory_space<semaphore_mem>>)
      %dma_start3A_61 = arith.constant 1 : i32
      %dma_start3A_62 = arith.constant 0 : i32
      %dma_start3A_63 = tpu.memref_slice %arg6[%dma_start3A_61, %dma_start3A_62] : memref<8x128xi32, #tpu.memory_space<vmem>> -> memref<1x128xi32, #tpu.memory_space<vmem>>
      %dma_start3A_64 = tpu.memref_squeeze %dma_start3A_63 : memref<1x128xi32, #tpu.memory_space<vmem>> -> memref<128xi32, #tpu.memory_space<vmem>>
      %dma_start3A_65 = arith.constant 0 : i32
      %dma_start3A_66 = arith.constant 0 : i32
      %dma_start3A_67 = tpu.memref_slice %arg2[%dma_start3A_65, %dma_start3A_66] : memref<10000x128xf32, #tpu.memory_space<hbm>> -> memref<10000x128xf32, #tpu.memory_space<hbm>>
      tpu.enqueue_indirect_dma source(%dma_start3A_67 : memref<10000x128xf32, #tpu.memory_space<hbm>>) target(%arg9 : memref<128x128xf32, #tpu.memory_space<vmem>>) offsets(%dma_start3A_64 : memref<128xi32, #tpu.memory_space<vmem>>) semaphore(%arg11 : memref<!tpu.dma_semaphore, #tpu.memory_space<semaphore_mem>>)
      %dma_wait3A = arith.constant 0 : i32
      %dma_wait3A_68 = arith.constant 0 : i32
      %dma_wait3A_69 = tpu.memref_slice %arg6[%dma_wait3A, %dma_wait3A_68] : memref<8x128xi32, #tpu.memory_space<vmem>> -> memref<1x128xi32, #tpu.memory_space<vmem>>
      %dma_wait3A_70 = tpu.memref_squeeze %dma_wait3A_69 : memref<1x128xi32, #tpu.memory_space<vmem>> -> memref<128xi32, #tpu.memory_space<vmem>>
      %dma_wait3A_71 = arith.constant 0 : i32
      %dma_wait3A_72 = arith.constant 0 : i32
      %dma_wait3A_73 = tpu.memref_slice %arg2[%dma_wait3A_71, %dma_wait3A_72] : memref<10000x128xf32, #tpu.memory_space<hbm>> -> memref<10000x128xf32, #tpu.memory_space<hbm>>
      tpu.wait_indirect_dma semaphore(%arg10 : memref<!tpu.dma_semaphore, #tpu.memory_space<semaphore_mem>>) src(%dma_wait3A_73 : memref<10000x128xf32, #tpu.memory_space<hbm>>) dst(%arg8 : memref<128x128xf32, #tpu.memory_space<vmem>>)
      %run_scoped3A = arith.constant 0 : i32
      "tpu.region"() ({
        %run_scoped3A_172 = tpu.sem_alloc : memref<!tpu.dma_semaphore, #tpu.memory_space<semaphore_mem>>
        %dma_start3A_173 = arith.constant 0 : i32
        %dma_start3A_174 = tpu.memref_slice %arg7[%run_scoped3A, %dma_start3A_173] : memref<8x128xi32, #tpu.memory_space<vmem>> -> memref<1x128xi32, #tpu.memory_space<vmem>>
        %dma_start3A_175 = tpu.memref_squeeze %dma_start3A_174 : memref<1x128xi32, #tpu.memory_space<vmem>> -> memref<128xi32, #tpu.memory_space<vmem>>
        %dma_start3A_176 = arith.constant 0 : i32
        %dma_start3A_177 = arith.constant 0 : i32
        %dma_start3A_178 = tpu.memref_slice %arg12[%dma_start3A_176, %dma_start3A_177] : memref<10112x128xf32, #tpu.memory_space<vmem_shared>> -> memref<10112x128xf32, #tpu.memory_space<vmem_shared>>
        tpu.enqueue_indirect_dma source(%arg8 : memref<128x128xf32, #tpu.memory_space<vmem>>) target(%dma_start3A_178 : memref<10112x128xf32, #tpu.memory_space<vmem_shared>>) offsets(%dma_start3A_175 : memref<128xi32, #tpu.memory_space<vmem>>) semaphore(%run_scoped3A_172 : memref<!tpu.dma_semaphore, #tpu.memory_space<semaphore_mem>>) {add = true}
        %dma_wait3A_179 = arith.constant 0 : i32
        %dma_wait3A_180 = tpu.memref_slice %arg7[%run_scoped3A, %dma_wait3A_179] : memref<8x128xi32, #tpu.memory_space<vmem>> -> memref<1x128xi32, #tpu.memory_space<vmem>>
        %dma_wait3A_181 = tpu.memref_squeeze %dma_wait3A_180 : memref<1x128xi32, #tpu.memory_space<vmem>> -> memref<128xi32, #tpu.memory_space<vmem>>
        %dma_wait3A_182 = arith.constant 0 : i32
        %dma_wait3A_183 = arith.constant 0 : i32
        %dma_wait3A_184 = tpu.memref_slice %arg12[%dma_wait3A_182, %dma_wait3A_183] : memref<10112x128xf32, #tpu.memory_space<vmem_shared>> -> memref<10112x128xf32, #tpu.memory_space<vmem_shared>>
        tpu.wait_indirect_dma semaphore(%run_scoped3A_172 : memref<!tpu.dma_semaphore, #tpu.memory_space<semaphore_mem>>) src(%arg8 : memref<128x128xf32, #tpu.memory_space<vmem>>) dst(%dma_wait3A_184 : memref<10112x128xf32, #tpu.memory_space<vmem_shared>>)
        tpu.yield
      }) : () -> ()
      %dma_start3A_74 = arith.constant 2 : i32
      %dma_start3A_75 = arith.constant 0 : i32
      %dma_start3A_76 = tpu.memref_slice %arg6[%dma_start3A_74, %dma_start3A_75] : memref<8x128xi32, #tpu.memory_space<vmem>> -> memref<1x128xi32, #tpu.memory_space<vmem>>
      %dma_start3A_77 = tpu.memref_squeeze %dma_start3A_76 : memref<1x128xi32, #tpu.memory_space<vmem>> -> memref<128xi32, #tpu.memory_space<vmem>>
      %dma_start3A_78 = arith.constant 0 : i32
      %dma_start3A_79 = arith.constant 0 : i32
      %dma_start3A_80 = tpu.memref_slice %arg2[%dma_start3A_78, %dma_start3A_79] : memref<10000x128xf32, #tpu.memory_space<hbm>> -> memref<10000x128xf32, #tpu.memory_space<hbm>>
      tpu.enqueue_indirect_dma source(%dma_start3A_80 : memref<10000x128xf32, #tpu.memory_space<hbm>>) target(%arg8 : memref<128x128xf32, #tpu.memory_space<vmem>>) offsets(%dma_start3A_77 : memref<128xi32, #tpu.memory_space<vmem>>) semaphore(%arg10 : memref<!tpu.dma_semaphore, #tpu.memory_space<semaphore_mem>>)
      %dma_wait3A_81 = arith.constant 1 : i32
      %dma_wait3A_82 = arith.constant 0 : i32
      %dma_wait3A_83 = tpu.memref_slice %arg6[%dma_wait3A_81, %dma_wait3A_82] : memref<8x128xi32, #tpu.memory_space<vmem>> -> memref<1x128xi32, #tpu.memory_space<vmem>>
      %dma_wait3A_84 = tpu.memref_squeeze %dma_wait3A_83 : memref<1x128xi32, #tpu.memory_space<vmem>> -> memref<128xi32, #tpu.memory_space<vmem>>
      %dma_wait3A_85 = arith.constant 0 : i32
      %dma_wait3A_86 = arith.constant 0 : i32
      %dma_wait3A_87 = tpu.memref_slice %arg2[%dma_wait3A_85, %dma_wait3A_86] : memref<10000x128xf32, #tpu.memory_space<hbm>> -> memref<10000x128xf32, #tpu.memory_space<hbm>>
      tpu.wait_indirect_dma semaphore(%arg11 : memref<!tpu.dma_semaphore, #tpu.memory_space<semaphore_mem>>) src(%dma_wait3A_87 : memref<10000x128xf32, #tpu.memory_space<hbm>>) dst(%arg9 : memref<128x128xf32, #tpu.memory_space<vmem>>)
      %run_scoped3A_88 = arith.constant 1 : i32
      "tpu.region"() ({
        %run_scoped3A_172 = tpu.sem_alloc : memref<!tpu.dma_semaphore, #tpu.memory_space<semaphore_mem>>
        %dma_start3A_173 = arith.constant 0 : i32
        %dma_start3A_174 = tpu.memref_slice %arg7[%run_scoped3A_88, %dma_start3A_173] : memref<8x128xi32, #tpu.memory_space<vmem>> -> memref<1x128xi32, #tpu.memory_space<vmem>>
        %dma_start3A_175 = tpu.memref_squeeze %dma_start3A_174 : memref<1x128xi32, #tpu.memory_space<vmem>> -> memref<128xi32, #tpu.memory_space<vmem>>
        %dma_start3A_176 = arith.constant 0 : i32
        %dma_start3A_177 = arith.constant 0 : i32
        %dma_start3A_178 = tpu.memref_slice %arg12[%dma_start3A_176, %dma_start3A_177] : memref<10112x128xf32, #tpu.memory_space<vmem_shared>> -> memref<10112x128xf32, #tpu.memory_space<vmem_shared>>
        tpu.enqueue_indirect_dma source(%arg9 : memref<128x128xf32, #tpu.memory_space<vmem>>) target(%dma_start3A_178 : memref<10112x128xf32, #tpu.memory_space<vmem_shared>>) offsets(%dma_start3A_175 : memref<128xi32, #tpu.memory_space<vmem>>) semaphore(%run_scoped3A_172 : memref<!tpu.dma_semaphore, #tpu.memory_space<semaphore_mem>>) {add = true}
        %dma_wait3A_179 = arith.constant 0 : i32
        %dma_wait3A_180 = tpu.memref_slice %arg7[%run_scoped3A_88, %dma_wait3A_179] : memref<8x128xi32, #tpu.memory_space<vmem>> -> memref<1x128xi32, #tpu.memory_space<vmem>>
        %dma_wait3A_181 = tpu.memref_squeeze %dma_wait3A_180 : memref<1x128xi32, #tpu.memory_space<vmem>> -> memref<128xi32, #tpu.memory_space<vmem>>
        %dma_wait3A_182 = arith.constant 0 : i32
        %dma_wait3A_183 = arith.constant 0 : i32
        %dma_wait3A_184 = tpu.memref_slice %arg12[%dma_wait3A_182, %dma_wait3A_183] : memref<10112x128xf32, #tpu.memory_space<vmem_shared>> -> memref<10112x128xf32, #tpu.memory_space<vmem_shared>>
        tpu.wait_indirect_dma semaphore(%run_scoped3A_172 : memref<!tpu.dma_semaphore, #tpu.memory_space<semaphore_mem>>) src(%arg9 : memref<128x128xf32, #tpu.memory_space<vmem>>) dst(%dma_wait3A_184 : memref<10112x128xf32, #tpu.memory_space<vmem_shared>>)
        tpu.yield
      }) : () -> ()
      %dma_start3A_89 = arith.constant 3 : i32
      %dma_start3A_90 = arith.constant 0 : i32
      %dma_start3A_91 = tpu.memref_slice %arg6[%dma_start3A_89, %dma_start3A_90] : memref<8x128xi32, #tpu.memory_space<vmem>> -> memref<1x128xi32, #tpu.memory_space<vmem>>
      %dma_start3A_92 = tpu.memref_squeeze %dma_start3A_91 : memref<1x128xi32, #tpu.memory_space<vmem>> -> memref<128xi32, #tpu.memory_space<vmem>>
      %dma_start3A_93 = arith.constant 0 : i32
      %dma_start3A_94 = arith.constant 0 : i32
      %dma_start3A_95 = tpu.memref_slice %arg2[%dma_start3A_93, %dma_start3A_94] : memref<10000x128xf32, #tpu.memory_space<hbm>> -> memref<10000x128xf32, #tpu.memory_space<hbm>>
      tpu.enqueue_indirect_dma source(%dma_start3A_95 : memref<10000x128xf32, #tpu.memory_space<hbm>>) target(%arg9 : memref<128x128xf32, #tpu.memory_space<vmem>>) offsets(%dma_start3A_92 : memref<128xi32, #tpu.memory_space<vmem>>) semaphore(%arg11 : memref<!tpu.dma_semaphore, #tpu.memory_space<semaphore_mem>>)
      %dma_wait3A_96 = arith.constant 2 : i32
      %dma_wait3A_97 = arith.constant 0 : i32
      %dma_wait3A_98 = tpu.memref_slice %arg6[%dma_wait3A_96, %dma_wait3A_97] : memref<8x128xi32, #tpu.memory_space<vmem>> -> memref<1x128xi32, #tpu.memory_space<vmem>>
      %dma_wait3A_99 = tpu.memref_squeeze %dma_wait3A_98 : memref<1x128xi32, #tpu.memory_space<vmem>> -> memref<128xi32, #tpu.memory_space<vmem>>
      %dma_wait3A_100 = arith.constant 0 : i32
      %dma_wait3A_101 = arith.constant 0 : i32
      %dma_wait3A_102 = tpu.memref_slice %arg2[%dma_wait3A_100, %dma_wait3A_101] : memref<10000x128xf32, #tpu.memory_space<hbm>> -> memref<10000x128xf32, #tpu.memory_space<hbm>>
      tpu.wait_indirect_dma semaphore(%arg10 : memref<!tpu.dma_semaphore, #tpu.memory_space<semaphore_mem>>) src(%dma_wait3A_102 : memref<10000x128xf32, #tpu.memory_space<hbm>>) dst(%arg8 : memref<128x128xf32, #tpu.memory_space<vmem>>)
      %run_scoped3A_103 = arith.constant 2 : i32
      "tpu.region"() ({
        %run_scoped3A_172 = tpu.sem_alloc : memref<!tpu.dma_semaphore, #tpu.memory_space<semaphore_mem>>
        %dma_start3A_173 = arith.constant 0 : i32
        %dma_start3A_174 = tpu.memref_slice %arg7[%run_scoped3A_103, %dma_start3A_173] : memref<8x128xi32, #tpu.memory_space<vmem>> -> memref<1x128xi32, #tpu.memory_space<vmem>>
        %dma_start3A_175 = tpu.memref_squeeze %dma_start3A_174 : memref<1x128xi32, #tpu.memory_space<vmem>> -> memref<128xi32, #tpu.memory_space<vmem>>
        %dma_start3A_176 = arith.constant 0 : i32
        %dma_start3A_177 = arith.constant 0 : i32
        %dma_start3A_178 = tpu.memref_slice %arg12[%dma_start3A_176, %dma_start3A_177] : memref<10112x128xf32, #tpu.memory_space<vmem_shared>> -> memref<10112x128xf32, #tpu.memory_space<vmem_shared>>
        tpu.enqueue_indirect_dma source(%arg8 : memref<128x128xf32, #tpu.memory_space<vmem>>) target(%dma_start3A_178 : memref<10112x128xf32, #tpu.memory_space<vmem_shared>>) offsets(%dma_start3A_175 : memref<128xi32, #tpu.memory_space<vmem>>) semaphore(%run_scoped3A_172 : memref<!tpu.dma_semaphore, #tpu.memory_space<semaphore_mem>>) {add = true}
        %dma_wait3A_179 = arith.constant 0 : i32
        %dma_wait3A_180 = tpu.memref_slice %arg7[%run_scoped3A_103, %dma_wait3A_179] : memref<8x128xi32, #tpu.memory_space<vmem>> -> memref<1x128xi32, #tpu.memory_space<vmem>>
        %dma_wait3A_181 = tpu.memref_squeeze %dma_wait3A_180 : memref<1x128xi32, #tpu.memory_space<vmem>> -> memref<128xi32, #tpu.memory_space<vmem>>
        %dma_wait3A_182 = arith.constant 0 : i32
        %dma_wait3A_183 = arith.constant 0 : i32
        %dma_wait3A_184 = tpu.memref_slice %arg12[%dma_wait3A_182, %dma_wait3A_183] : memref<10112x128xf32, #tpu.memory_space<vmem_shared>> -> memref<10112x128xf32, #tpu.memory_space<vmem_shared>>
        tpu.wait_indirect_dma semaphore(%run_scoped3A_172 : memref<!tpu.dma_semaphore, #tpu.memory_space<semaphore_mem>>) src(%arg8 : memref<128x128xf32, #tpu.memory_space<vmem>>) dst(%dma_wait3A_184 : memref<10112x128xf32, #tpu.memory_space<vmem_shared>>)
        tpu.yield
      }) : () -> ()
      %dma_start3A_104 = arith.constant 4 : i32
      %dma_start3A_105 = arith.constant 0 : i32
      %dma_start3A_106 = tpu.memref_slice %arg6[%dma_start3A_104, %dma_start3A_105] : memref<8x128xi32, #tpu.memory_space<vmem>> -> memref<1x128xi32, #tpu.memory_space<vmem>>
      %dma_start3A_107 = tpu.memref_squeeze %dma_start3A_106 : memref<1x128xi32, #tpu.memory_space<vmem>> -> memref<128xi32, #tpu.memory_space<vmem>>
      %dma_start3A_108 = arith.constant 0 : i32
      %dma_start3A_109 = arith.constant 0 : i32
      %dma_start3A_110 = tpu.memref_slice %arg2[%dma_start3A_108, %dma_start3A_109] : memref<10000x128xf32, #tpu.memory_space<hbm>> -> memref<10000x128xf32, #tpu.memory_space<hbm>>
      tpu.enqueue_indirect_dma source(%dma_start3A_110 : memref<10000x128xf32, #tpu.memory_space<hbm>>) target(%arg8 : memref<128x128xf32, #tpu.memory_space<vmem>>) offsets(%dma_start3A_107 : memref<128xi32, #tpu.memory_space<vmem>>) semaphore(%arg10 : memref<!tpu.dma_semaphore, #tpu.memory_space<semaphore_mem>>)
      %dma_wait3A_111 = arith.constant 3 : i32
      %dma_wait3A_112 = arith.constant 0 : i32
      %dma_wait3A_113 = tpu.memref_slice %arg6[%dma_wait3A_111, %dma_wait3A_112] : memref<8x128xi32, #tpu.memory_space<vmem>> -> memref<1x128xi32, #tpu.memory_space<vmem>>
      %dma_wait3A_114 = tpu.memref_squeeze %dma_wait3A_113 : memref<1x128xi32, #tpu.memory_space<vmem>> -> memref<128xi32, #tpu.memory_space<vmem>>
      %dma_wait3A_115 = arith.constant 0 : i32
      %dma_wait3A_116 = arith.constant 0 : i32
      %dma_wait3A_117 = tpu.memref_slice %arg2[%dma_wait3A_115, %dma_wait3A_116] : memref<10000x128xf32, #tpu.memory_space<hbm>> -> memref<10000x128xf32, #tpu.memory_space<hbm>>
      tpu.wait_indirect_dma semaphore(%arg11 : memref<!tpu.dma_semaphore, #tpu.memory_space<semaphore_mem>>) src(%dma_wait3A_117 : memref<10000x128xf32, #tpu.memory_space<hbm>>) dst(%arg9 : memref<128x128xf32, #tpu.memory_space<vmem>>)
      %run_scoped3A_118 = arith.constant 3 : i32
      "tpu.region"() ({
        %run_scoped3A_172 = tpu.sem_alloc : memref<!tpu.dma_semaphore, #tpu.memory_space<semaphore_mem>>
        %dma_start3A_173 = arith.constant 0 : i32
        %dma_start3A_174 = tpu.memref_slice %arg7[%run_scoped3A_118, %dma_start3A_173] : memref<8x128xi32, #tpu.memory_space<vmem>> -> memref<1x128xi32, #tpu.memory_space<vmem>>
        %dma_start3A_175 = tpu.memref_squeeze %dma_start3A_174 : memref<1x128xi32, #tpu.memory_space<vmem>> -> memref<128xi32, #tpu.memory_space<vmem>>
        %dma_start3A_176 = arith.constant 0 : i32
        %dma_start3A_177 = arith.constant 0 : i32
        %dma_start3A_178 = tpu.memref_slice %arg12[%dma_start3A_176, %dma_start3A_177] : memref<10112x128xf32, #tpu.memory_space<vmem_shared>> -> memref<10112x128xf32, #tpu.memory_space<vmem_shared>>
        tpu.enqueue_indirect_dma source(%arg9 : memref<128x128xf32, #tpu.memory_space<vmem>>) target(%dma_start3A_178 : memref<10112x128xf32, #tpu.memory_space<vmem_shared>>) offsets(%dma_start3A_175 : memref<128xi32, #tpu.memory_space<vmem>>) semaphore(%run_scoped3A_172 : memref<!tpu.dma_semaphore, #tpu.memory_space<semaphore_mem>>) {add = true}
        %dma_wait3A_179 = arith.constant 0 : i32
        %dma_wait3A_180 = tpu.memref_slice %arg7[%run_scoped3A_118, %dma_wait3A_179] : memref<8x128xi32, #tpu.memory_space<vmem>> -> memref<1x128xi32, #tpu.memory_space<vmem>>
        %dma_wait3A_181 = tpu.memref_squeeze %dma_wait3A_180 : memref<1x128xi32, #tpu.memory_space<vmem>> -> memref<128xi32, #tpu.memory_space<vmem>>
        %dma_wait3A_182 = arith.constant 0 : i32
        %dma_wait3A_183 = arith.constant 0 : i32
        %dma_wait3A_184 = tpu.memref_slice %arg12[%dma_wait3A_182, %dma_wait3A_183] : memref<10112x128xf32, #tpu.memory_space<vmem_shared>> -> memref<10112x128xf32, #tpu.memory_space<vmem_shared>>
        tpu.wait_indirect_dma semaphore(%run_scoped3A_172 : memref<!tpu.dma_semaphore, #tpu.memory_space<semaphore_mem>>) src(%arg9 : memref<128x128xf32, #tpu.memory_space<vmem>>) dst(%dma_wait3A_184 : memref<10112x128xf32, #tpu.memory_space<vmem_shared>>)
        tpu.yield
      }) : () -> ()
      %dma_start3A_119 = arith.constant 5 : i32
      %dma_start3A_120 = arith.constant 0 : i32
      %dma_start3A_121 = tpu.memref_slice %arg6[%dma_start3A_119, %dma_start3A_120] : memref<8x128xi32, #tpu.memory_space<vmem>> -> memref<1x128xi32, #tpu.memory_space<vmem>>
      %dma_start3A_122 = tpu.memref_squeeze %dma_start3A_121 : memref<1x128xi32, #tpu.memory_space<vmem>> -> memref<128xi32, #tpu.memory_space<vmem>>
      %dma_start3A_123 = arith.constant 0 : i32
      %dma_start3A_124 = arith.constant 0 : i32
      %dma_start3A_125 = tpu.memref_slice %arg2[%dma_start3A_123, %dma_start3A_124] : memref<10000x128xf32, #tpu.memory_space<hbm>> -> memref<10000x128xf32, #tpu.memory_space<hbm>>
      tpu.enqueue_indirect_dma source(%dma_start3A_125 : memref<10000x128xf32, #tpu.memory_space<hbm>>) target(%arg9 : memref<128x128xf32, #tpu.memory_space<vmem>>) offsets(%dma_start3A_122 : memref<128xi32, #tpu.memory_space<vmem>>) semaphore(%arg11 : memref<!tpu.dma_semaphore, #tpu.memory_space<semaphore_mem>>)
      %dma_wait3A_126 = arith.constant 4 : i32
      %dma_wait3A_127 = arith.constant 0 : i32
      %dma_wait3A_128 = tpu.memref_slice %arg6[%dma_wait3A_126, %dma_wait3A_127] : memref<8x128xi32, #tpu.memory_space<vmem>> -> memref<1x128xi32, #tpu.memory_space<vmem>>
      %dma_wait3A_129 = tpu.memref_squeeze %dma_wait3A_128 : memref<1x128xi32, #tpu.memory_space<vmem>> -> memref<128xi32, #tpu.memory_space<vmem>>
      %dma_wait3A_130 = arith.constant 0 : i32
      %dma_wait3A_131 = arith.constant 0 : i32
      %dma_wait3A_132 = tpu.memref_slice %arg2[%dma_wait3A_130, %dma_wait3A_131] : memref<10000x128xf32, #tpu.memory_space<hbm>> -> memref<10000x128xf32, #tpu.memory_space<hbm>>
      tpu.wait_indirect_dma semaphore(%arg10 : memref<!tpu.dma_semaphore, #tpu.memory_space<semaphore_mem>>) src(%dma_wait3A_132 : memref<10000x128xf32, #tpu.memory_space<hbm>>) dst(%arg8 : memref<128x128xf32, #tpu.memory_space<vmem>>)
      %run_scoped3A_133 = arith.constant 4 : i32
      "tpu.region"() ({
        %run_scoped3A_172 = tpu.sem_alloc : memref<!tpu.dma_semaphore, #tpu.memory_space<semaphore_mem>>
        %dma_start3A_173 = arith.constant 0 : i32
        %dma_start3A_174 = tpu.memref_slice %arg7[%run_scoped3A_133, %dma_start3A_173] : memref<8x128xi32, #tpu.memory_space<vmem>> -> memref<1x128xi32, #tpu.memory_space<vmem>>
        %dma_start3A_175 = tpu.memref_squeeze %dma_start3A_174 : memref<1x128xi32, #tpu.memory_space<vmem>> -> memref<128xi32, #tpu.memory_space<vmem>>
        %dma_start3A_176 = arith.constant 0 : i32
        %dma_start3A_177 = arith.constant 0 : i32
        %dma_start3A_178 = tpu.memref_slice %arg12[%dma_start3A_176, %dma_start3A_177] : memref<10112x128xf32, #tpu.memory_space<vmem_shared>> -> memref<10112x128xf32, #tpu.memory_space<vmem_shared>>
        tpu.enqueue_indirect_dma source(%arg8 : memref<128x128xf32, #tpu.memory_space<vmem>>) target(%dma_start3A_178 : memref<10112x128xf32, #tpu.memory_space<vmem_shared>>) offsets(%dma_start3A_175 : memref<128xi32, #tpu.memory_space<vmem>>) semaphore(%run_scoped3A_172 : memref<!tpu.dma_semaphore, #tpu.memory_space<semaphore_mem>>) {add = true}
        %dma_wait3A_179 = arith.constant 0 : i32
        %dma_wait3A_180 = tpu.memref_slice %arg7[%run_scoped3A_133, %dma_wait3A_179] : memref<8x128xi32, #tpu.memory_space<vmem>> -> memref<1x128xi32, #tpu.memory_space<vmem>>
        %dma_wait3A_181 = tpu.memref_squeeze %dma_wait3A_180 : memref<1x128xi32, #tpu.memory_space<vmem>> -> memref<128xi32, #tpu.memory_space<vmem>>
        %dma_wait3A_182 = arith.constant 0 : i32
        %dma_wait3A_183 = arith.constant 0 : i32
        %dma_wait3A_184 = tpu.memref_slice %arg12[%dma_wait3A_182, %dma_wait3A_183] : memref<10112x128xf32, #tpu.memory_space<vmem_shared>> -> memref<10112x128xf32, #tpu.memory_space<vmem_shared>>
        tpu.wait_indirect_dma semaphore(%run_scoped3A_172 : memref<!tpu.dma_semaphore, #tpu.memory_space<semaphore_mem>>) src(%arg8 : memref<128x128xf32, #tpu.memory_space<vmem>>) dst(%dma_wait3A_184 : memref<10112x128xf32, #tpu.memory_space<vmem_shared>>)
        tpu.yield
      }) : () -> ()
      %dma_start3A_134 = arith.constant 6 : i32
      %dma_start3A_135 = arith.constant 0 : i32
      %dma_start3A_136 = tpu.memref_slice %arg6[%dma_start3A_134, %dma_start3A_135] : memref<8x128xi32, #tpu.memory_space<vmem>> -> memref<1x128xi32, #tpu.memory_space<vmem>>
      %dma_start3A_137 = tpu.memref_squeeze %dma_start3A_136 : memref<1x128xi32, #tpu.memory_space<vmem>> -> memref<128xi32, #tpu.memory_space<vmem>>
      %dma_start3A_138 = arith.constant 0 : i32
      %dma_start3A_139 = arith.constant 0 : i32
      %dma_start3A_140 = tpu.memref_slice %arg2[%dma_start3A_138, %dma_start3A_139] : memref<10000x128xf32, #tpu.memory_space<hbm>> -> memref<10000x128xf32, #tpu.memory_space<hbm>>
      tpu.enqueue_indirect_dma source(%dma_start3A_140 : memref<10000x128xf32, #tpu.memory_space<hbm>>) target(%arg8 : memref<128x128xf32, #tpu.memory_space<vmem>>) offsets(%dma_start3A_137 : memref<128xi32, #tpu.memory_space<vmem>>) semaphore(%arg10 : memref<!tpu.dma_semaphore, #tpu.memory_space<semaphore_mem>>)
      %dma_wait3A_141 = arith.constant 5 : i32
      %dma_wait3A_142 = arith.constant 0 : i32
      %dma_wait3A_143 = tpu.memref_slice %arg6[%dma_wait3A_141, %dma_wait3A_142] : memref<8x128xi32, #tpu.memory_space<vmem>> -> memref<1x128xi32, #tpu.memory_space<vmem>>
      %dma_wait3A_144 = tpu.memref_squeeze %dma_wait3A_143 : memref<1x128xi32, #tpu.memory_space<vmem>> -> memref<128xi32, #tpu.memory_space<vmem>>
      %dma_wait3A_145 = arith.constant 0 : i32
      %dma_wait3A_146 = arith.constant 0 : i32
      %dma_wait3A_147 = tpu.memref_slice %arg2[%dma_wait3A_145, %dma_wait3A_146] : memref<10000x128xf32, #tpu.memory_space<hbm>> -> memref<10000x128xf32, #tpu.memory_space<hbm>>
      tpu.wait_indirect_dma semaphore(%arg11 : memref<!tpu.dma_semaphore, #tpu.memory_space<semaphore_mem>>) src(%dma_wait3A_147 : memref<10000x128xf32, #tpu.memory_space<hbm>>) dst(%arg9 : memref<128x128xf32, #tpu.memory_space<vmem>>)
      %run_scoped3A_148 = arith.constant 5 : i32
      "tpu.region"() ({
        %run_scoped3A_172 = tpu.sem_alloc : memref<!tpu.dma_semaphore, #tpu.memory_space<semaphore_mem>>
        %dma_start3A_173 = arith.constant 0 : i32
        %dma_start3A_174 = tpu.memref_slice %arg7[%run_scoped3A_148, %dma_start3A_173] : memref<8x128xi32, #tpu.memory_space<vmem>> -> memref<1x128xi32, #tpu.memory_space<vmem>>
        %dma_start3A_175 = tpu.memref_squeeze %dma_start3A_174 : memref<1x128xi32, #tpu.memory_space<vmem>> -> memref<128xi32, #tpu.memory_space<vmem>>
        %dma_start3A_176 = arith.constant 0 : i32
        %dma_start3A_177 = arith.constant 0 : i32
        %dma_start3A_178 = tpu.memref_slice %arg12[%dma_start3A_176, %dma_start3A_177] : memref<10112x128xf32, #tpu.memory_space<vmem_shared>> -> memref<10112x128xf32, #tpu.memory_space<vmem_shared>>
        tpu.enqueue_indirect_dma source(%arg9 : memref<128x128xf32, #tpu.memory_space<vmem>>) target(%dma_start3A_178 : memref<10112x128xf32, #tpu.memory_space<vmem_shared>>) offsets(%dma_start3A_175 : memref<128xi32, #tpu.memory_space<vmem>>) semaphore(%run_scoped3A_172 : memref<!tpu.dma_semaphore, #tpu.memory_space<semaphore_mem>>) {add = true}
        %dma_wait3A_179 = arith.constant 0 : i32
        %dma_wait3A_180 = tpu.memref_slice %arg7[%run_scoped3A_148, %dma_wait3A_179] : memref<8x128xi32, #tpu.memory_space<vmem>> -> memref<1x128xi32, #tpu.memory_space<vmem>>
        %dma_wait3A_181 = tpu.memref_squeeze %dma_wait3A_180 : memref<1x128xi32, #tpu.memory_space<vmem>> -> memref<128xi32, #tpu.memory_space<vmem>>
        %dma_wait3A_182 = arith.constant 0 : i32
        %dma_wait3A_183 = arith.constant 0 : i32
        %dma_wait3A_184 = tpu.memref_slice %arg12[%dma_wait3A_182, %dma_wait3A_183] : memref<10112x128xf32, #tpu.memory_space<vmem_shared>> -> memref<10112x128xf32, #tpu.memory_space<vmem_shared>>
        tpu.wait_indirect_dma semaphore(%run_scoped3A_172 : memref<!tpu.dma_semaphore, #tpu.memory_space<semaphore_mem>>) src(%arg9 : memref<128x128xf32, #tpu.memory_space<vmem>>) dst(%dma_wait3A_184 : memref<10112x128xf32, #tpu.memory_space<vmem_shared>>)
        tpu.yield
      }) : () -> ()
      %dma_start3A_149 = arith.constant 7 : i32
      %dma_start3A_150 = arith.constant 0 : i32
      %dma_start3A_151 = tpu.memref_slice %arg6[%dma_start3A_149, %dma_start3A_150] : memref<8x128xi32, #tpu.memory_space<vmem>> -> memref<1x128xi32, #tpu.memory_space<vmem>>
      %dma_start3A_152 = tpu.memref_squeeze %dma_start3A_151 : memref<1x128xi32, #tpu.memory_space<vmem>> -> memref<128xi32, #tpu.memory_space<vmem>>
      %dma_start3A_153 = arith.constant 0 : i32
      %dma_start3A_154 = arith.constant 0 : i32
      %dma_start3A_155 = tpu.memref_slice %arg2[%dma_start3A_153, %dma_start3A_154] : memref<10000x128xf32, #tpu.memory_space<hbm>> -> memref<10000x128xf32, #tpu.memory_space<hbm>>
      tpu.enqueue_indirect_dma source(%dma_start3A_155 : memref<10000x128xf32, #tpu.memory_space<hbm>>) target(%arg9 : memref<128x128xf32, #tpu.memory_space<vmem>>) offsets(%dma_start3A_152 : memref<128xi32, #tpu.memory_space<vmem>>) semaphore(%arg11 : memref<!tpu.dma_semaphore, #tpu.memory_space<semaphore_mem>>)
      %dma_wait3A_156 = arith.constant 6 : i32
      %dma_wait3A_157 = arith.constant 0 : i32
      %dma_wait3A_158 = tpu.memref_slice %arg6[%dma_wait3A_156, %dma_wait3A_157] : memref<8x128xi32, #tpu.memory_space<vmem>> -> memref<1x128xi32, #tpu.memory_space<vmem>>
      %dma_wait3A_159 = tpu.memref_squeeze %dma_wait3A_158 : memref<1x128xi32, #tpu.memory_space<vmem>> -> memref<128xi32, #tpu.memory_space<vmem>>
      %dma_wait3A_160 = arith.constant 0 : i32
      %dma_wait3A_161 = arith.constant 0 : i32
      %dma_wait3A_162 = tpu.memref_slice %arg2[%dma_wait3A_160, %dma_wait3A_161] : memref<10000x128xf32, #tpu.memory_space<hbm>> -> memref<10000x128xf32, #tpu.memory_space<hbm>>
      tpu.wait_indirect_dma semaphore(%arg10 : memref<!tpu.dma_semaphore, #tpu.memory_space<semaphore_mem>>) src(%dma_wait3A_162 : memref<10000x128xf32, #tpu.memory_space<hbm>>) dst(%arg8 : memref<128x128xf32, #tpu.memory_space<vmem>>)
      %run_scoped3A_163 = arith.constant 6 : i32
      "tpu.region"() ({
        %run_scoped3A_172 = tpu.sem_alloc : memref<!tpu.dma_semaphore, #tpu.memory_space<semaphore_mem>>
        %dma_start3A_173 = arith.constant 0 : i32
        %dma_start3A_174 = tpu.memref_slice %arg7[%run_scoped3A_163, %dma_start3A_173] : memref<8x128xi32, #tpu.memory_space<vmem>> -> memref<1x128xi32, #tpu.memory_space<vmem>>
        %dma_start3A_175 = tpu.memref_squeeze %dma_start3A_174 : memref<1x128xi32, #tpu.memory_space<vmem>> -> memref<128xi32, #tpu.memory_space<vmem>>
        %dma_start3A_176 = arith.constant 0 : i32
        %dma_start3A_177 = arith.constant 0 : i32
        %dma_start3A_178 = tpu.memref_slice %arg12[%dma_start3A_176, %dma_start3A_177] : memref<10112x128xf32, #tpu.memory_space<vmem_shared>> -> memref<10112x128xf32, #tpu.memory_space<vmem_shared>>
        tpu.enqueue_indirect_dma source(%arg8 : memref<128x128xf32, #tpu.memory_space<vmem>>) target(%dma_start3A_178 : memref<10112x128xf32, #tpu.memory_space<vmem_shared>>) offsets(%dma_start3A_175 : memref<128xi32, #tpu.memory_space<vmem>>) semaphore(%run_scoped3A_172 : memref<!tpu.dma_semaphore, #tpu.memory_space<semaphore_mem>>) {add = true}
        %dma_wait3A_179 = arith.constant 0 : i32
        %dma_wait3A_180 = tpu.memref_slice %arg7[%run_scoped3A_163, %dma_wait3A_179] : memref<8x128xi32, #tpu.memory_space<vmem>> -> memref<1x128xi32, #tpu.memory_space<vmem>>
        %dma_wait3A_181 = tpu.memref_squeeze %dma_wait3A_180 : memref<1x128xi32, #tpu.memory_space<vmem>> -> memref<128xi32, #tpu.memory_space<vmem>>
        %dma_wait3A_182 = arith.constant 0 : i32
        %dma_wait3A_183 = arith.constant 0 : i32
        %dma_wait3A_184 = tpu.memref_slice %arg12[%dma_wait3A_182, %dma_wait3A_183] : memref<10112x128xf32, #tpu.memory_space<vmem_shared>> -> memref<10112x128xf32, #tpu.memory_space<vmem_shared>>
        tpu.wait_indirect_dma semaphore(%run_scoped3A_172 : memref<!tpu.dma_semaphore, #tpu.memory_space<semaphore_mem>>) src(%arg8 : memref<128x128xf32, #tpu.memory_space<vmem>>) dst(%dma_wait3A_184 : memref<10112x128xf32, #tpu.memory_space<vmem_shared>>)
        tpu.yield
      }) : () -> ()
      %dma_wait3A_164 = arith.constant 7 : i32
      %dma_wait3A_165 = arith.constant 0 : i32
      %dma_wait3A_166 = tpu.memref_slice %arg6[%dma_wait3A_164, %dma_wait3A_165] : memref<8x128xi32, #tpu.memory_space<vmem>> -> memref<1x128xi32, #tpu.memory_space<vmem>>
      %dma_wait3A_167 = tpu.memref_squeeze %dma_wait3A_166 : memref<1x128xi32, #tpu.memory_space<vmem>> -> memref<128xi32, #tpu.memory_space<vmem>>
      %dma_wait3A_168 = arith.constant 0 : i32
      %dma_wait3A_169 = arith.constant 0 : i32
      %dma_wait3A_170 = tpu.memref_slice %arg2[%dma_wait3A_168, %dma_wait3A_169] : memref<10000x128xf32, #tpu.memory_space<hbm>> -> memref<10000x128xf32, #tpu.memory_space<hbm>>
      tpu.wait_indirect_dma semaphore(%arg11 : memref<!tpu.dma_semaphore, #tpu.memory_space<semaphore_mem>>) src(%dma_wait3A_170 : memref<10000x128xf32, #tpu.memory_space<hbm>>) dst(%arg9 : memref<128x128xf32, #tpu.memory_space<vmem>>)
      %run_scoped3A_171 = arith.constant 7 : i32
      "tpu.region"() ({
        %run_scoped3A_172 = tpu.sem_alloc : memref<!tpu.dma_semaphore, #tpu.memory_space<semaphore_mem>>
        %dma_start3A_173 = arith.constant 0 : i32
        %dma_start3A_174 = tpu.memref_slice %arg7[%run_scoped3A_171, %dma_start3A_173] : memref<8x128xi32, #tpu.memory_space<vmem>> -> memref<1x128xi32, #tpu.memory_space<vmem>>
        %dma_start3A_175 = tpu.memref_squeeze %dma_start3A_174 : memref<1x128xi32, #tpu.memory_space<vmem>> -> memref<128xi32, #tpu.memory_space<vmem>>
        %dma_start3A_176 = arith.constant 0 : i32
        %dma_start3A_177 = arith.constant 0 : i32
        %dma_start3A_178 = tpu.memref_slice %arg12[%dma_start3A_176, %dma_start3A_177] : memref<10112x128xf32, #tpu.memory_space<vmem_shared>> -> memref<10112x128xf32, #tpu.memory_space<vmem_shared>>
        tpu.enqueue_indirect_dma source(%arg9 : memref<128x128xf32, #tpu.memory_space<vmem>>) target(%dma_start3A_178 : memref<10112x128xf32, #tpu.memory_space<vmem_shared>>) offsets(%dma_start3A_175 : memref<128xi32, #tpu.memory_space<vmem>>) semaphore(%run_scoped3A_172 : memref<!tpu.dma_semaphore, #tpu.memory_space<semaphore_mem>>) {add = true}
        %dma_wait3A_179 = arith.constant 0 : i32
        %dma_wait3A_180 = tpu.memref_slice %arg7[%run_scoped3A_171, %dma_wait3A_179] : memref<8x128xi32, #tpu.memory_space<vmem>> -> memref<1x128xi32, #tpu.memory_space<vmem>>
        %dma_wait3A_181 = tpu.memref_squeeze %dma_wait3A_180 : memref<1x128xi32, #tpu.memory_space<vmem>> -> memref<128xi32, #tpu.memory_space<vmem>>
        %dma_wait3A_182 = arith.constant 0 : i32
        %dma_wait3A_183 = arith.constant 0 : i32
        %dma_wait3A_184 = tpu.memref_slice %arg12[%dma_wait3A_182, %dma_wait3A_183] : memref<10112x128xf32, #tpu.memory_space<vmem_shared>> -> memref<10112x128xf32, #tpu.memory_space<vmem_shared>>
        tpu.wait_indirect_dma semaphore(%run_scoped3A_172 : memref<!tpu.dma_semaphore, #tpu.memory_space<semaphore_mem>>) src(%arg9 : memref<128x128xf32, #tpu.memory_space<vmem>>) dst(%dma_wait3A_184 : memref<10112x128xf32, #tpu.memory_space<vmem_shared>>)
        tpu.yield
      }) : () -> ()
    }
    "tpu.trace_stop"() : () -> ()
    %barrier3A_43 = arith.constant 0 : index
    tpu.barrier barrier_id(%barrier3A_43)
    "tpu.trace_start"() <{level = 10 : i32, message = "acc_copy_out"}> : () -> ()
    %mul3A_44 = arith.constant 632 : i32
    %mul3A_45 = arith.muli %arg1, %mul3A_44 : i32
    %mul3A_46 = arith.constant 10112 : i32
    %mul3A_47 = arith.muli %arg0, %mul3A_46 : i32
    %mul3A_48 = arith.constant 632 : i32
    %mul3A_49 = arith.muli %arg1, %mul3A_48 : i32
    %add3A_50 = arith.addi %mul3A_47, %mul3A_49 : i32
    "tpu.region"() ({
      %run_scoped3A = tpu.sem_alloc : memref<!tpu.dma_semaphore, #tpu.memory_space<semaphore_mem>>
      %dma_start3A = arith.constant 0 : i32
      %dma_start3A_51 = tpu.memref_slice %arg5[%add3A_50, %dma_start3A] : memref<20224x128xf32, #tpu.memory_space<hbm>> -> memref<632x128xf32, #tpu.memory_space<hbm>>
      %dma_start3A_52 = arith.constant 0 : i32
      %dma_start3A_53 = tpu.memref_slice %arg12[%mul3A_45, %dma_start3A_52] : memref<10112x128xf32, #tpu.memory_space<vmem_shared>> -> memref<632x128xf32, #tpu.memory_space<vmem_shared>>
      tpu.enqueue_dma source(%dma_start3A_53 : memref<632x128xf32, #tpu.memory_space<vmem_shared>>) target(%dma_start3A_51 : memref<632x128xf32, #tpu.memory_space<hbm>>) target_semaphore(%run_scoped3A : memref<!tpu.dma_semaphore, #tpu.memory_space<semaphore_mem>>)
      %dma_wait3A = arith.constant 0 : i32
      %dma_wait3A_54 = tpu.memref_slice %arg5[%add3A_50, %dma_wait3A] : memref<20224x128xf32, #tpu.memory_space<hbm>> -> memref<632x128xf32, #tpu.memory_space<hbm>>
      %dma_wait3A_55 = arith.constant 0 : i32
      %dma_wait3A_56 = tpu.memref_slice %arg12[%mul3A_45, %dma_wait3A_55] : memref<10112x128xf32, #tpu.memory_space<vmem_shared>> -> memref<632x128xf32, #tpu.memory_space<vmem_shared>>
      tpu.wait_dma2 semaphore(%run_scoped3A : memref<!tpu.dma_semaphore, #tpu.memory_space<semaphore_mem>>) src(%dma_wait3A_56 : memref<632x128xf32, #tpu.memory_space<vmem_shared>>) dst(%dma_wait3A_54 : memref<632x128xf32, #tpu.memory_space<hbm>>)
      tpu.yield
    }) : () -> ()
    "tpu.trace_stop"() : () -> ()
    return
  }
}

module attributes {stable_mosaic.version = 14 : i64} {
  func.func @body(%arg0: memref<10000x128xf32, #tpu.memory_space<vmem>>, %arg1: memref<128x128xf32, #tpu.memory_space<vmem>>, %arg2: memref<32x10112xf32, #tpu.memory_space<vmem>>, %arg3: memref<10000x128xf32, #tpu.memory_space<vmem>>, %arg4: memref<10112x16xf32, #tpu.memory_space<vmem>>) attributes {dimension_semantics = [], scalar_prefetch = 0 : i64, scratch_operands = 0 : i64, tpu.core_type = #tpu.core_type<tc>} {
    %get3A = arith.constant 0 : index
    %get3A_0 = arith.constant 0 : index
    %get3A_1 = vector.load %arg2[%get3A, %get3A_0] : memref<32x10112xf32, #tpu.memory_space<vmem>>, vector<32x10112xf32>
    %broadcast_in_dim3A = arith.constant 1.000000e+00 : f32
    %broadcast_in_dim3A_2 = vector.broadcast %broadcast_in_dim3A : f32 to vector<32x1xf32>
    %dot_general3A = arith.constant dense<0.000000e+00> : vector<10112x1xf32>
    %dot_general3A_3 = tpu.matmul %get3A_1, %broadcast_in_dim3A_2, %dot_general3A {dimension_numbers = #tpu.dot_dimension_numbers<[0], [0], [1], [1], [0, 1, 1, 1], [], []>, precision = #tpu.contract_precision<fp32>, transpose_lhs_hint = false} : vector<32x10112xf32>, vector<32x1xf32>, vector<10112x1xf32> -> vector<10112x1xf32>
    %add3A = arith.constant 1.000000e+00 : f32
    %add3A_4 = vector.broadcast %add3A : f32 to vector<10112x1xf32>
    %add3A_5 = arith.addf %dot_general3A_3, %add3A_4 : vector<10112x1xf32>
    %max3A = arith.constant 9.99999996E-13 : f32
    %max3A_6 = vector.broadcast %max3A : f32 to vector<10112x1xf32>
    %max3A_7 = arith.maximumf %add3A_5, %max3A_6 : vector<10112x1xf32>
    %rsqrt3A = math.rsqrt %max3A_7 : vector<10112x1xf32>
    %broadcast_in_dim3A_8 = vector.shape_cast %rsqrt3A : vector<10112x1xf32> to vector<10112x1xf32>
    %broadcast_in_dim3A_9 = vector.broadcast %broadcast_in_dim3A_8 : vector<10112x1xf32> to vector<10112x16xf32>
    %swap3A = arith.constant 0 : index
    %swap3A_10 = arith.constant 0 : index
    %swap3A_11 = vector.load %arg4[%swap3A, %swap3A_10] : memref<10112x16xf32, #tpu.memory_space<vmem>>, vector<10112x16xf32>
    tpu.vector_store %arg4[%swap3A, %swap3A_10], %broadcast_in_dim3A_9 {strides = array<i32>} : memref<10112x16xf32, #tpu.memory_space<vmem>>, vector<10112x16xf32>,
    %get3A_12 = arith.constant 0 : index
    %get3A_13 = arith.constant 0 : index
    %get3A_14 = vector.load %arg0[%get3A_12, %get3A_13] : memref<10000x128xf32, #tpu.memory_space<vmem>>, vector<10000x128xf32>
    %get3A_15 = arith.constant 0 : index
    %get3A_16 = arith.constant 0 : index
    %get3A_17 = vector.load %arg1[%get3A_15, %get3A_16] : memref<128x128xf32, #tpu.memory_space<vmem>>, vector<128x128xf32>
    %dot_general3A_18 = arith.constant dense<0.000000e+00> : vector<10000x128xf32>
    %dot_general3A_19 = tpu.matmul %get3A_14, %get3A_17, %dot_general3A_18 {dimension_numbers = #tpu.dot_dimension_numbers<[1], [0], [0], [1], [0, 0, 1, 1], [], []>, precision = #tpu.contract_precision<fp32>, transpose_lhs_hint = false} : vector<10000x128xf32>, vector<128x128xf32>, vector<10000x128xf32> -> vector<10000x128xf32>
    %slice3A = vector.extract_strided_slice %rsqrt3A {offsets = [0, 0], sizes = [10000, 1], strides = [1, 1]} : vector<10112x1xf32> to vector<10000x1xf32>
    %mul3A = vector.broadcast %slice3A : vector<10000x1xf32> to vector<10000x128xf32>
    %mul3A_20 = arith.mulf %dot_general3A_19, %mul3A : vector<10000x128xf32>
    %swap3A_21 = arith.constant 0 : index
    %swap3A_22 = arith.constant 0 : index
    %swap3A_23 = vector.load %arg3[%swap3A_21, %swap3A_22] : memref<10000x128xf32, #tpu.memory_space<vmem>>, vector<10000x128xf32>
    tpu.vector_store %arg3[%swap3A_21, %swap3A_22], %mul3A_20 {strides = array<i32>} : memref<10000x128xf32, #tpu.memory_space<vmem>>, vector<10000x128xf32>,
    return
  }
}

module attributes {stable_mosaic.version = 14 : i64} {
  func.func @body(%arg0: memref<20224x128xf32, #tpu.memory_space<vmem>>, %arg1: memref<10000x128xf32, #tpu.memory_space<vmem>>, %arg2: memref<10112x16xf32, #tpu.memory_space<vmem>>, %arg3: memref<1x10000xi32, #tpu.memory_space<vmem>>, %arg4: memref<1x128xf32, #tpu.memory_space<vmem>>, %arg5: memref<128x16xf32, #tpu.memory_space<vmem>>, %arg6: memref<1x16xf32, #tpu.memory_space<vmem>>, %arg7: memref<1x16xf32, #tpu.memory_space<vmem>>, %arg8: memref<8x256x256xf32, #tpu.memory_space<vmem>>, %arg9: memref<8x256xf32, #tpu.memory_space<vmem>>, %arg10: memref<256x256xf32, #tpu.memory_space<vmem>>, %arg11: memref<256x8xf32, #tpu.memory_space<vmem>>, %arg12: memref<128x10xf32, #tpu.memory_space<vmem>>, %arg13: memref<8x10xf32, #tpu.memory_space<vmem>>, %arg14: memref<1x10xf32, #tpu.memory_space<vmem>>, %arg15: memref<64x10xf32, #tpu.memory_space<vmem>>) attributes {dimension_semantics = [], scalar_prefetch = 0 : i64, scratch_operands = 0 : i64, tpu.core_type = #tpu.core_type<tc>} {
    %get3A = arith.constant 0 : index
    %get3A_0 = arith.constant 0 : index
    %get3A_1 = vector.load %arg0[%get3A, %get3A_0] : memref<20224x128xf32, #tpu.memory_space<vmem>>, vector<20224x128xf32>
    %slice3A = vector.extract_strided_slice %get3A_1 {offsets = [0, 0], sizes = [10000, 128], strides = [1, 1]} : vector<20224x128xf32> to vector<10000x128xf32>
    %slice3A_2 = vector.extract_strided_slice %get3A_1 {offsets = [10112, 0], sizes = [10000, 128], strides = [1, 1]} : vector<20224x128xf32> to vector<10000x128xf32>
    %add3A = arith.addf %slice3A, %slice3A_2 : vector<10000x128xf32>
    %get3A_3 = arith.constant 0 : index
    %get3A_4 = arith.constant 0 : index
    %get3A_5 = vector.load %arg2[%get3A_3, %get3A_4] : memref<10112x16xf32, #tpu.memory_space<vmem>>, vector<10112x16xf32>
    %slice3A_6 = vector.extract_strided_slice %get3A_5 {offsets = [0, 0], sizes = [10000, 1], strides = [1, 1]} : vector<10112x16xf32> to vector<10000x1xf32>
    %get3A_7 = arith.constant 0 : index
    %get3A_8 = arith.constant 0 : index
    %get3A_9 = vector.load %arg1[%get3A_7, %get3A_8] : memref<10000x128xf32, #tpu.memory_space<vmem>>, vector<10000x128xf32>
    %add3A_10 = arith.addf %add3A, %get3A_9 : vector<10000x128xf32>
    %mul3A = vector.broadcast %slice3A_6 : vector<10000x1xf32> to vector<10000x128xf32>
    %mul3A_11 = arith.mulf %mul3A, %add3A_10 : vector<10000x128xf32>
    %get3A_12 = arith.constant 0 : index
    %get3A_13 = arith.constant 0 : index
    %get3A_14 = vector.load %arg4[%get3A_12, %get3A_13] : memref<1x128xf32, #tpu.memory_space<vmem>>, vector<1x128xf32>
    %add3A_15 = vector.broadcast %get3A_14 : vector<1x128xf32> to vector<10000x128xf32>
    %add3A_16 = arith.addf %mul3A_11, %add3A_15 : vector<10000x128xf32>
    %max3A = arith.constant 0.000000e+00 : f32
    %max3A_17 = vector.broadcast %max3A : f32 to vector<10000x128xf32>
    %max3A_18 = arith.maximumf %add3A_16, %max3A_17 : vector<10000x128xf32>
    %get3A_19 = arith.constant 0 : index
    %get3A_20 = arith.constant 0 : index
    %get3A_21 = vector.load %arg3[%get3A_19, %get3A_20] : memref<1x10000xi32, #tpu.memory_space<vmem>>, vector<1x10000xi32>
    %iota3A = tpu.iota {dimensions = array<i32: 0>} : vector<64x10000xi32>
    %eq3A = vector.broadcast %get3A_21 : vector<1x10000xi32> to vector<64x10000xi32>
    %eq3A_22 = arith.cmpi eq, %iota3A, %eq3A : vector<64x10000xi32>
    %convert_element_type3A = arith.extui %eq3A_22 : vector<64x10000xi1> to vector<64x10000xi32>
    %convert_element_type3A_23 = arith.sitofp %convert_element_type3A : vector<64x10000xi32> to vector<64x10000xf32>
    %dot_general3A = arith.constant dense<0.000000e+00> : vector<64x128xf32>
    %dot_general3A_24 = tpu.matmul %convert_element_type3A_23, %max3A_18, %dot_general3A {dimension_numbers = #tpu.dot_dimension_numbers<[1], [0], [0], [1], [0, 0, 1, 1], [], []>, precision = #tpu.contract_precision<fp32>, transpose_lhs_hint = false} : vector<64x10000xf32>, vector<10000x128xf32>, vector<64x128xf32> -> vector<64x128xf32>
    %reduce_sum3A = arith.constant dense<0.000000e+00> : vector<64xf32>
    %reduce_sum3A_25 = vector.multi_reduction <add>, %convert_element_type3A_23, %reduce_sum3A [1] : vector<64x10000xf32> to vector<64xf32>
    %broadcast_in_dim3A = vector.shape_cast %reduce_sum3A_25 : vector<64xf32> to vector<64x1xf32>
    %max3A_26 = arith.constant 1.000000e+00 : f32
    %max3A_27 = vector.broadcast %max3A_26 : f32 to vector<64x1xf32>
    %max3A_28 = arith.maximumf %broadcast_in_dim3A, %max3A_27 : vector<64x1xf32>
    %div3A = vector.broadcast %max3A_28 : vector<64x1xf32> to vector<64x128xf32>
    %div3A_29 = arith.divf %dot_general3A_24, %div3A : vector<64x128xf32>
    %get3A_30 = arith.constant 0 : index
    %get3A_31 = arith.constant 0 : index
    %get3A_32 = vector.load %arg5[%get3A_30, %get3A_31] : memref<128x16xf32, #tpu.memory_space<vmem>>, vector<128x16xf32>
    %dot_general3A_33 = arith.constant dense<0.000000e+00> : vector<64x16xf32>
    %dot_general3A_34 = tpu.matmul %div3A_29, %get3A_32, %dot_general3A_33 {dimension_numbers = #tpu.dot_dimension_numbers<[1], [0], [0], [1], [0, 0, 1, 1], [], []>, precision = #tpu.contract_precision<fp32>, transpose_lhs_hint = false} : vector<64x128xf32>, vector<128x16xf32>, vector<64x16xf32> -> vector<64x16xf32>
    %get3A_35 = arith.constant 0 : index
    %get3A_36 = arith.constant 0 : index
    %get3A_37 = vector.load %arg6[%get3A_35, %get3A_36] : memref<1x16xf32, #tpu.memory_space<vmem>>, vector<1x16xf32>
    %add3A_38 = vector.broadcast %get3A_37 : vector<1x16xf32> to vector<64x16xf32>
    %add3A_39 = arith.addf %dot_general3A_34, %add3A_38 : vector<64x16xf32>
    %get3A_40 = arith.constant 0 : index
    %get3A_41 = arith.constant 0 : index
    %get3A_42 = vector.load %arg7[%get3A_40, %get3A_41] : memref<1x16xf32, #tpu.memory_space<vmem>>, vector<1x16xf32>
    %add3A_43 = vector.broadcast %get3A_42 : vector<1x16xf32> to vector<64x16xf32>
    %add3A_44 = arith.addf %add3A_39, %add3A_43 : vector<64x16xf32>
    %iota3A_45 = tpu.iota {dimensions = array<i32: 1>} : vector<64x256xi32>
    %eq3A_46 = arith.constant 0 : i32
    %eq3A_47 = vector.broadcast %eq3A_46 : i32 to vector<64x256xi32>
    %eq3A_48 = arith.cmpi eq, %iota3A_45, %eq3A_47 : vector<64x256xi32>
    %jit3A = arith.constant 1.000000e+00 : f32
    %jit3A_49 = arith.constant 0.000000e+00 : f32
    %broadcast_in_dim3A_50 = vector.broadcast %jit3A : f32 to vector<64x256xf32>
    %broadcast_in_dim3A_51 = vector.broadcast %jit3A_49 : f32 to vector<64x256xf32>
    %select_n3A = arith.select %eq3A_48, %broadcast_in_dim3A_50, %broadcast_in_dim3A_51 : vector<64x256xi1>, vector<64x256xf32>
    %get3A_52 = arith.constant 0 : index
    %get3A_53 = arith.constant 0 : index
    %get3A_54 = vector.load %arg9[%get3A_52, %get3A_53] : memref<8x256xf32, #tpu.memory_space<vmem>>, vector<8x256xf32>
    %slice3A_55 = vector.extract_strided_slice %add3A_44 {offsets = [0, 0], sizes = [64, 1], strides = [1, 1]} : vector<64x16xf32> to vector<64x1xf32>
    %mul3A_56 = arith.constant 5.000000e-01 : f32
    %mul3A_57 = vector.broadcast %mul3A_56 : f32 to vector<64x1xf32>
    %mul3A_58 = arith.mulf %slice3A_55, %mul3A_57 : vector<64x1xf32>
    %cos3A = math.cos %mul3A_58 : vector<64x1xf32>
    %sin3A = math.sin %mul3A_58 : vector<64x1xf32>
    %get3A_59 = arith.constant 0 : index
    %get3A_60 = arith.constant 0 : index
    %get3A_61 = arith.constant 0 : index
    %get3A_62 = vector.load %arg8[%get3A_59, %get3A_60, %get3A_61] : memref<8x256x256xf32, #tpu.memory_space<vmem>>, vector<1x256x256xf32>
    %get3A_63 = vector.shape_cast %get3A_62 : vector<1x256x256xf32> to vector<256x256xf32>
    %dot_general3A_64 = arith.constant dense<0.000000e+00> : vector<64x256xf32>
    %dot_general3A_65 = tpu.matmul %select_n3A, %get3A_63, %dot_general3A_64 {dimension_numbers = #tpu.dot_dimension_numbers<[1], [0], [0], [1], [0, 0, 1, 1], [], []>, precision = #tpu.contract_precision<fp32>, transpose_lhs_hint = false} : vector<64x256xf32>, vector<256x256xf32>, vector<64x256xf32> -> vector<64x256xf32>
    %mul3A_66 = vector.broadcast %cos3A : vector<64x1xf32> to vector<64x256xf32>
    %mul3A_67 = arith.mulf %mul3A_66, %select_n3A : vector<64x256xf32>
    %slice3A_68 = vector.extract_strided_slice %get3A_54 {offsets = [0, 0], sizes = [1, 256], strides = [1, 1]} : vector<8x256xf32> to vector<1x256xf32>
    %mul3A_69 = vector.broadcast %slice3A_68 : vector<1x256xf32> to vector<64x256xf32>
    %mul3A_70 = arith.mulf %mul3A_69, %dot_general3A_65 : vector<64x256xf32>
    %mul3A_71 = vector.broadcast %sin3A : vector<64x1xf32> to vector<64x256xf32>
    %mul3A_72 = arith.mulf %mul3A_71, %mul3A_70 : vector<64x256xf32>
    %add3A_73 = arith.addf %mul3A_67, %mul3A_72 : vector<64x256xf32>
    %slice3A_74 = vector.extract_strided_slice %add3A_44 {offsets = [0, 1], sizes = [64, 1], strides = [1, 1]} : vector<64x16xf32> to vector<64x1xf32>
    %mul3A_75 = arith.constant 5.000000e-01 : f32
    %mul3A_76 = vector.broadcast %mul3A_75 : f32 to vector<64x1xf32>
    %mul3A_77 = arith.mulf %slice3A_74, %mul3A_76 : vector<64x1xf32>
    %cos3A_78 = math.cos %mul3A_77 : vector<64x1xf32>
    %sin3A_79 = math.sin %mul3A_77 : vector<64x1xf32>
    %get3A_80 = arith.constant 1 : index
    %get3A_81 = arith.constant 0 : index
    %get3A_82 = arith.constant 0 : index
    %get3A_83 = vector.load %arg8[%get3A_80, %get3A_81, %get3A_82] : memref<8x256x256xf32, #tpu.memory_space<vmem>>, vector<1x256x256xf32>
    %get3A_84 = vector.shape_cast %get3A_83 : vector<1x256x256xf32> to vector<256x256xf32>
    %dot_general3A_85 = arith.constant dense<0.000000e+00> : vector<64x256xf32>
    %dot_general3A_86 = tpu.matmul %add3A_73, %get3A_84, %dot_general3A_85 {dimension_numbers = #tpu.dot_dimension_numbers<[1], [0], [0], [1], [0, 0, 1, 1], [], []>, precision = #tpu.contract_precision<fp32>, transpose_lhs_hint = false} : vector<64x256xf32>, vector<256x256xf32>, vector<64x256xf32> -> vector<64x256xf32>
    %mul3A_87 = vector.broadcast %cos3A_78 : vector<64x1xf32> to vector<64x256xf32>
    %mul3A_88 = arith.mulf %mul3A_87, %add3A_73 : vector<64x256xf32>
    %slice3A_89 = vector.extract_strided_slice %get3A_54 {offsets = [1, 0], sizes = [1, 256], strides = [1, 1]} : vector<8x256xf32> to vector<1x256xf32>
    %mul3A_90 = vector.broadcast %slice3A_89 : vector<1x256xf32> to vector<64x256xf32>
    %mul3A_91 = arith.mulf %mul3A_90, %dot_general3A_86 : vector<64x256xf32>
    %mul3A_92 = vector.broadcast %sin3A_79 : vector<64x1xf32> to vector<64x256xf32>
    %mul3A_93 = arith.mulf %mul3A_92, %mul3A_91 : vector<64x256xf32>
    %add3A_94 = arith.addf %mul3A_88, %mul3A_93 : vector<64x256xf32>
    %slice3A_95 = vector.extract_strided_slice %add3A_44 {offsets = [0, 2], sizes = [64, 1], strides = [1, 1]} : vector<64x16xf32> to vector<64x1xf32>
    %mul3A_96 = arith.constant 5.000000e-01 : f32
    %mul3A_97 = vector.broadcast %mul3A_96 : f32 to vector<64x1xf32>
    %mul3A_98 = arith.mulf %slice3A_95, %mul3A_97 : vector<64x1xf32>
    %cos3A_99 = math.cos %mul3A_98 : vector<64x1xf32>
    %sin3A_100 = math.sin %mul3A_98 : vector<64x1xf32>
    %get3A_101 = arith.constant 2 : index
    %get3A_102 = arith.constant 0 : index
    %get3A_103 = arith.constant 0 : index
    %get3A_104 = vector.load %arg8[%get3A_101, %get3A_102, %get3A_103] : memref<8x256x256xf32, #tpu.memory_space<vmem>>, vector<1x256x256xf32>
    %get3A_105 = vector.shape_cast %get3A_104 : vector<1x256x256xf32> to vector<256x256xf32>
    %dot_general3A_106 = arith.constant dense<0.000000e+00> : vector<64x256xf32>
    %dot_general3A_107 = tpu.matmul %add3A_94, %get3A_105, %dot_general3A_106 {dimension_numbers = #tpu.dot_dimension_numbers<[1], [0], [0], [1], [0, 0, 1, 1], [], []>, precision = #tpu.contract_precision<fp32>, transpose_lhs_hint = false} : vector<64x256xf32>, vector<256x256xf32>, vector<64x256xf32> -> vector<64x256xf32>
    %mul3A_108 = vector.broadcast %cos3A_99 : vector<64x1xf32> to vector<64x256xf32>
    %mul3A_109 = arith.mulf %mul3A_108, %add3A_94 : vector<64x256xf32>
    %slice3A_110 = vector.extract_strided_slice %get3A_54 {offsets = [2, 0], sizes = [1, 256], strides = [1, 1]} : vector<8x256xf32> to vector<1x256xf32>
    %mul3A_111 = vector.broadcast %slice3A_110 : vector<1x256xf32> to vector<64x256xf32>
    %mul3A_112 = arith.mulf %mul3A_111, %dot_general3A_107 : vector<64x256xf32>
    %mul3A_113 = vector.broadcast %sin3A_100 : vector<64x1xf32> to vector<64x256xf32>
    %mul3A_114 = arith.mulf %mul3A_113, %mul3A_112 : vector<64x256xf32>
    %add3A_115 = arith.addf %mul3A_109, %mul3A_114 : vector<64x256xf32>
    %slice3A_116 = vector.extract_strided_slice %add3A_44 {offsets = [0, 3], sizes = [64, 1], strides = [1, 1]} : vector<64x16xf32> to vector<64x1xf32>
    %mul3A_117 = arith.constant 5.000000e-01 : f32
    %mul3A_118 = vector.broadcast %mul3A_117 : f32 to vector<64x1xf32>
    %mul3A_119 = arith.mulf %slice3A_116, %mul3A_118 : vector<64x1xf32>
    %cos3A_120 = math.cos %mul3A_119 : vector<64x1xf32>
    %sin3A_121 = math.sin %mul3A_119 : vector<64x1xf32>
    %get3A_122 = arith.constant 3 : index
    %get3A_123 = arith.constant 0 : index
    %get3A_124 = arith.constant 0 : index
    %get3A_125 = vector.load %arg8[%get3A_122, %get3A_123, %get3A_124] : memref<8x256x256xf32, #tpu.memory_space<vmem>>, vector<1x256x256xf32>
    %get3A_126 = vector.shape_cast %get3A_125 : vector<1x256x256xf32> to vector<256x256xf32>
    %dot_general3A_127 = arith.constant dense<0.000000e+00> : vector<64x256xf32>
    %dot_general3A_128 = tpu.matmul %add3A_115, %get3A_126, %dot_general3A_127 {dimension_numbers = #tpu.dot_dimension_numbers<[1], [0], [0], [1], [0, 0, 1, 1], [], []>, precision = #tpu.contract_precision<fp32>, transpose_lhs_hint = false} : vector<64x256xf32>, vector<256x256xf32>, vector<64x256xf32> -> vector<64x256xf32>
    %mul3A_129 = vector.broadcast %cos3A_120 : vector<64x1xf32> to vector<64x256xf32>
    %mul3A_130 = arith.mulf %mul3A_129, %add3A_115 : vector<64x256xf32>
    %slice3A_131 = vector.extract_strided_slice %get3A_54 {offsets = [3, 0], sizes = [1, 256], strides = [1, 1]} : vector<8x256xf32> to vector<1x256xf32>
    %mul3A_132 = vector.broadcast %slice3A_131 : vector<1x256xf32> to vector<64x256xf32>
    %mul3A_133 = arith.mulf %mul3A_132, %dot_general3A_128 : vector<64x256xf32>
    %mul3A_134 = vector.broadcast %sin3A_121 : vector<64x1xf32> to vector<64x256xf32>
    %mul3A_135 = arith.mulf %mul3A_134, %mul3A_133 : vector<64x256xf32>
    %add3A_136 = arith.addf %mul3A_130, %mul3A_135 : vector<64x256xf32>
    %slice3A_137 = vector.extract_strided_slice %add3A_44 {offsets = [0, 4], sizes = [64, 1], strides = [1, 1]} : vector<64x16xf32> to vector<64x1xf32>
    %mul3A_138 = arith.constant 5.000000e-01 : f32
    %mul3A_139 = vector.broadcast %mul3A_138 : f32 to vector<64x1xf32>
    %mul3A_140 = arith.mulf %slice3A_137, %mul3A_139 : vector<64x1xf32>
    %cos3A_141 = math.cos %mul3A_140 : vector<64x1xf32>
    %sin3A_142 = math.sin %mul3A_140 : vector<64x1xf32>
    %get3A_143 = arith.constant 4 : index
    %get3A_144 = arith.constant 0 : index
    %get3A_145 = arith.constant 0 : index
    %get3A_146 = vector.load %arg8[%get3A_143, %get3A_144, %get3A_145] : memref<8x256x256xf32, #tpu.memory_space<vmem>>, vector<1x256x256xf32>
    %get3A_147 = vector.shape_cast %get3A_146 : vector<1x256x256xf32> to vector<256x256xf32>
    %dot_general3A_148 = arith.constant dense<0.000000e+00> : vector<64x256xf32>
    %dot_general3A_149 = tpu.matmul %add3A_136, %get3A_147, %dot_general3A_148 {dimension_numbers = #tpu.dot_dimension_numbers<[1], [0], [0], [1], [0, 0, 1, 1], [], []>, precision = #tpu.contract_precision<fp32>, transpose_lhs_hint = false} : vector<64x256xf32>, vector<256x256xf32>, vector<64x256xf32> -> vector<64x256xf32>
    %mul3A_150 = vector.broadcast %cos3A_141 : vector<64x1xf32> to vector<64x256xf32>
    %mul3A_151 = arith.mulf %mul3A_150, %add3A_136 : vector<64x256xf32>
    %slice3A_152 = vector.extract_strided_slice %get3A_54 {offsets = [4, 0], sizes = [1, 256], strides = [1, 1]} : vector<8x256xf32> to vector<1x256xf32>
    %mul3A_153 = vector.broadcast %slice3A_152 : vector<1x256xf32> to vector<64x256xf32>
    %mul3A_154 = arith.mulf %mul3A_153, %dot_general3A_149 : vector<64x256xf32>
    %mul3A_155 = vector.broadcast %sin3A_142 : vector<64x1xf32> to vector<64x256xf32>
    %mul3A_156 = arith.mulf %mul3A_155, %mul3A_154 : vector<64x256xf32>
    %add3A_157 = arith.addf %mul3A_151, %mul3A_156 : vector<64x256xf32>
    %slice3A_158 = vector.extract_strided_slice %add3A_44 {offsets = [0, 5], sizes = [64, 1], strides = [1, 1]} : vector<64x16xf32> to vector<64x1xf32>
    %mul3A_159 = arith.constant 5.000000e-01 : f32
    %mul3A_160 = vector.broadcast %mul3A_159 : f32 to vector<64x1xf32>
    %mul3A_161 = arith.mulf %slice3A_158, %mul3A_160 : vector<64x1xf32>
    %cos3A_162 = math.cos %mul3A_161 : vector<64x1xf32>
    %sin3A_163 = math.sin %mul3A_161 : vector<64x1xf32>
    %get3A_164 = arith.constant 5 : index
    %get3A_165 = arith.constant 0 : index
    %get3A_166 = arith.constant 0 : index
    %get3A_167 = vector.load %arg8[%get3A_164, %get3A_165, %get3A_166] : memref<8x256x256xf32, #tpu.memory_space<vmem>>, vector<1x256x256xf32>
    %get3A_168 = vector.shape_cast %get3A_167 : vector<1x256x256xf32> to vector<256x256xf32>
    %dot_general3A_169 = arith.constant dense<0.000000e+00> : vector<64x256xf32>
    %dot_general3A_170 = tpu.matmul %add3A_157, %get3A_168, %dot_general3A_169 {dimension_numbers = #tpu.dot_dimension_numbers<[1], [0], [0], [1], [0, 0, 1, 1], [], []>, precision = #tpu.contract_precision<fp32>, transpose_lhs_hint = false} : vector<64x256xf32>, vector<256x256xf32>, vector<64x256xf32> -> vector<64x256xf32>
    %mul3A_171 = vector.broadcast %cos3A_162 : vector<64x1xf32> to vector<64x256xf32>
    %mul3A_172 = arith.mulf %mul3A_171, %add3A_157 : vector<64x256xf32>
    %slice3A_173 = vector.extract_strided_slice %get3A_54 {offsets = [5, 0], sizes = [1, 256], strides = [1, 1]} : vector<8x256xf32> to vector<1x256xf32>
    %mul3A_174 = vector.broadcast %slice3A_173 : vector<1x256xf32> to vector<64x256xf32>
    %mul3A_175 = arith.mulf %mul3A_174, %dot_general3A_170 : vector<64x256xf32>
    %mul3A_176 = vector.broadcast %sin3A_163 : vector<64x1xf32> to vector<64x256xf32>
    %mul3A_177 = arith.mulf %mul3A_176, %mul3A_175 : vector<64x256xf32>
    %add3A_178 = arith.addf %mul3A_172, %mul3A_177 : vector<64x256xf32>
    %slice3A_179 = vector.extract_strided_slice %add3A_44 {offsets = [0, 6], sizes = [64, 1], strides = [1, 1]} : vector<64x16xf32> to vector<64x1xf32>
    %mul3A_180 = arith.constant 5.000000e-01 : f32
    %mul3A_181 = vector.broadcast %mul3A_180 : f32 to vector<64x1xf32>
    %mul3A_182 = arith.mulf %slice3A_179, %mul3A_181 : vector<64x1xf32>
    %cos3A_183 = math.cos %mul3A_182 : vector<64x1xf32>
    %sin3A_184 = math.sin %mul3A_182 : vector<64x1xf32>
    %get3A_185 = arith.constant 6 : index
    %get3A_186 = arith.constant 0 : index
    %get3A_187 = arith.constant 0 : index
    %get3A_188 = vector.load %arg8[%get3A_185, %get3A_186, %get3A_187] : memref<8x256x256xf32, #tpu.memory_space<vmem>>, vector<1x256x256xf32>
    %get3A_189 = vector.shape_cast %get3A_188 : vector<1x256x256xf32> to vector<256x256xf32>
    %dot_general3A_190 = arith.constant dense<0.000000e+00> : vector<64x256xf32>
    %dot_general3A_191 = tpu.matmul %add3A_178, %get3A_189, %dot_general3A_190 {dimension_numbers = #tpu.dot_dimension_numbers<[1], [0], [0], [1], [0, 0, 1, 1], [], []>, precision = #tpu.contract_precision<fp32>, transpose_lhs_hint = false} : vector<64x256xf32>, vector<256x256xf32>, vector<64x256xf32> -> vector<64x256xf32>
    %mul3A_192 = vector.broadcast %cos3A_183 : vector<64x1xf32> to vector<64x256xf32>
    %mul3A_193 = arith.mulf %mul3A_192, %add3A_178 : vector<64x256xf32>
    %slice3A_194 = vector.extract_strided_slice %get3A_54 {offsets = [6, 0], sizes = [1, 256], strides = [1, 1]} : vector<8x256xf32> to vector<1x256xf32>
    %mul3A_195 = vector.broadcast %slice3A_194 : vector<1x256xf32> to vector<64x256xf32>
    %mul3A_196 = arith.mulf %mul3A_195, %dot_general3A_191 : vector<64x256xf32>
    %mul3A_197 = vector.broadcast %sin3A_184 : vector<64x1xf32> to vector<64x256xf32>
    %mul3A_198 = arith.mulf %mul3A_197, %mul3A_196 : vector<64x256xf32>
    %add3A_199 = arith.addf %mul3A_193, %mul3A_198 : vector<64x256xf32>
    %slice3A_200 = vector.extract_strided_slice %add3A_44 {offsets = [0, 7], sizes = [64, 1], strides = [1, 1]} : vector<64x16xf32> to vector<64x1xf32>
    %mul3A_201 = arith.constant 5.000000e-01 : f32
    %mul3A_202 = vector.broadcast %mul3A_201 : f32 to vector<64x1xf32>
    %mul3A_203 = arith.mulf %slice3A_200, %mul3A_202 : vector<64x1xf32>
    %cos3A_204 = math.cos %mul3A_203 : vector<64x1xf32>
    %sin3A_205 = math.sin %mul3A_203 : vector<64x1xf32>
    %get3A_206 = arith.constant 7 : index
    %get3A_207 = arith.constant 0 : index
    %get3A_208 = arith.constant 0 : index
    %get3A_209 = vector.load %arg8[%get3A_206, %get3A_207, %get3A_208] : memref<8x256x256xf32, #tpu.memory_space<vmem>>, vector<1x256x256xf32>
    %get3A_210 = vector.shape_cast %get3A_209 : vector<1x256x256xf32> to vector<256x256xf32>
    %dot_general3A_211 = arith.constant dense<0.000000e+00> : vector<64x256xf32>
    %dot_general3A_212 = tpu.matmul %add3A_199, %get3A_210, %dot_general3A_211 {dimension_numbers = #tpu.dot_dimension_numbers<[1], [0], [0], [1], [0, 0, 1, 1], [], []>, precision = #tpu.contract_precision<fp32>, transpose_lhs_hint = false} : vector<64x256xf32>, vector<256x256xf32>, vector<64x256xf32> -> vector<64x256xf32>
    %mul3A_213 = vector.broadcast %cos3A_204 : vector<64x1xf32> to vector<64x256xf32>
    %mul3A_214 = arith.mulf %mul3A_213, %add3A_199 : vector<64x256xf32>
    %slice3A_215 = vector.extract_strided_slice %get3A_54 {offsets = [7, 0], sizes = [1, 256], strides = [1, 1]} : vector<8x256xf32> to vector<1x256xf32>
    %mul3A_216 = vector.broadcast %slice3A_215 : vector<1x256xf32> to vector<64x256xf32>
    %mul3A_217 = arith.mulf %mul3A_216, %dot_general3A_212 : vector<64x256xf32>
    %mul3A_218 = vector.broadcast %sin3A_205 : vector<64x1xf32> to vector<64x256xf32>
    %mul3A_219 = arith.mulf %mul3A_218, %mul3A_217 : vector<64x256xf32>
    %add3A_220 = arith.addf %mul3A_214, %mul3A_219 : vector<64x256xf32>
    %get3A_221 = arith.constant 0 : index
    %get3A_222 = arith.constant 0 : index
    %get3A_223 = vector.load %arg10[%get3A_221, %get3A_222] : memref<256x256xf32, #tpu.memory_space<vmem>>, vector<256x256xf32>
    %dot_general3A_224 = arith.constant dense<0.000000e+00> : vector<64x256xf32>
    %dot_general3A_225 = tpu.matmul %add3A_220, %get3A_223, %dot_general3A_224 {dimension_numbers = #tpu.dot_dimension_numbers<[1], [0], [0], [1], [0, 0, 1, 1], [], []>, precision = #tpu.contract_precision<fp32>, transpose_lhs_hint = false} : vector<64x256xf32>, vector<256x256xf32>, vector<64x256xf32> -> vector<64x256xf32>
    %slice3A_226 = vector.extract_strided_slice %add3A_44 {offsets = [0, 8], sizes = [64, 1], strides = [1, 1]} : vector<64x16xf32> to vector<64x1xf32>
    %mul3A_227 = arith.constant 5.000000e-01 : f32
    %mul3A_228 = vector.broadcast %mul3A_227 : f32 to vector<64x1xf32>
    %mul3A_229 = arith.mulf %slice3A_226, %mul3A_228 : vector<64x1xf32>
    %cos3A_230 = math.cos %mul3A_229 : vector<64x1xf32>
    %sin3A_231 = math.sin %mul3A_229 : vector<64x1xf32>
    %get3A_232 = arith.constant 0 : index
    %get3A_233 = arith.constant 0 : index
    %get3A_234 = arith.constant 0 : index
    %get3A_235 = vector.load %arg8[%get3A_232, %get3A_233, %get3A_234] : memref<8x256x256xf32, #tpu.memory_space<vmem>>, vector<1x256x256xf32>
    %get3A_236 = vector.shape_cast %get3A_235 : vector<1x256x256xf32> to vector<256x256xf32>
    %dot_general3A_237 = arith.constant dense<0.000000e+00> : vector<64x256xf32>
    %dot_general3A_238 = tpu.matmul %dot_general3A_225, %get3A_236, %dot_general3A_237 {dimension_numbers = #tpu.dot_dimension_numbers<[1], [0], [0], [1], [0, 0, 1, 1], [], []>, precision = #tpu.contract_precision<fp32>, transpose_lhs_hint = false} : vector<64x256xf32>, vector<256x256xf32>, vector<64x256xf32> -> vector<64x256xf32>
    %mul3A_239 = vector.broadcast %cos3A_230 : vector<64x1xf32> to vector<64x256xf32>
    %mul3A_240 = arith.mulf %mul3A_239, %dot_general3A_225 : vector<64x256xf32>
    %slice3A_241 = vector.extract_strided_slice %get3A_54 {offsets = [0, 0], sizes = [1, 256], strides = [1, 1]} : vector<8x256xf32> to vector<1x256xf32>
    %mul3A_242 = vector.broadcast %slice3A_241 : vector<1x256xf32> to vector<64x256xf32>
    %mul3A_243 = arith.mulf %mul3A_242, %dot_general3A_238 : vector<64x256xf32>
    %mul3A_244 = vector.broadcast %sin3A_231 : vector<64x1xf32> to vector<64x256xf32>
    %mul3A_245 = arith.mulf %mul3A_244, %mul3A_243 : vector<64x256xf32>
    %add3A_246 = arith.addf %mul3A_240, %mul3A_245 : vector<64x256xf32>
    %slice3A_247 = vector.extract_strided_slice %add3A_44 {offsets = [0, 9], sizes = [64, 1], strides = [1, 1]} : vector<64x16xf32> to vector<64x1xf32>
    %mul3A_248 = arith.constant 5.000000e-01 : f32
    %mul3A_249 = vector.broadcast %mul3A_248 : f32 to vector<64x1xf32>
    %mul3A_250 = arith.mulf %slice3A_247, %mul3A_249 : vector<64x1xf32>
    %cos3A_251 = math.cos %mul3A_250 : vector<64x1xf32>
    %sin3A_252 = math.sin %mul3A_250 : vector<64x1xf32>
    %get3A_253 = arith.constant 1 : index
    %get3A_254 = arith.constant 0 : index
    %get3A_255 = arith.constant 0 : index
    %get3A_256 = vector.load %arg8[%get3A_253, %get3A_254, %get3A_255] : memref<8x256x256xf32, #tpu.memory_space<vmem>>, vector<1x256x256xf32>
    %get3A_257 = vector.shape_cast %get3A_256 : vector<1x256x256xf32> to vector<256x256xf32>
    %dot_general3A_258 = arith.constant dense<0.000000e+00> : vector<64x256xf32>
    %dot_general3A_259 = tpu.matmul %add3A_246, %get3A_257, %dot_general3A_258 {dimension_numbers = #tpu.dot_dimension_numbers<[1], [0], [0], [1], [0, 0, 1, 1], [], []>, precision = #tpu.contract_precision<fp32>, transpose_lhs_hint = false} : vector<64x256xf32>, vector<256x256xf32>, vector<64x256xf32> -> vector<64x256xf32>
    %mul3A_260 = vector.broadcast %cos3A_251 : vector<64x1xf32> to vector<64x256xf32>
    %mul3A_261 = arith.mulf %mul3A_260, %add3A_246 : vector<64x256xf32>
    %slice3A_262 = vector.extract_strided_slice %get3A_54 {offsets = [1, 0], sizes = [1, 256], strides = [1, 1]} : vector<8x256xf32> to vector<1x256xf32>
    %mul3A_263 = vector.broadcast %slice3A_262 : vector<1x256xf32> to vector<64x256xf32>
    %mul3A_264 = arith.mulf %mul3A_263, %dot_general3A_259 : vector<64x256xf32>
    %mul3A_265 = vector.broadcast %sin3A_252 : vector<64x1xf32> to vector<64x256xf32>
    %mul3A_266 = arith.mulf %mul3A_265, %mul3A_264 : vector<64x256xf32>
    %add3A_267 = arith.addf %mul3A_261, %mul3A_266 : vector<64x256xf32>
    %slice3A_268 = vector.extract_strided_slice %add3A_44 {offsets = [0, 10], sizes = [64, 1], strides = [1, 1]} : vector<64x16xf32> to vector<64x1xf32>
    %mul3A_269 = arith.constant 5.000000e-01 : f32
    %mul3A_270 = vector.broadcast %mul3A_269 : f32 to vector<64x1xf32>
    %mul3A_271 = arith.mulf %slice3A_268, %mul3A_270 : vector<64x1xf32>
    %cos3A_272 = math.cos %mul3A_271 : vector<64x1xf32>
    %sin3A_273 = math.sin %mul3A_271 : vector<64x1xf32>
    %get3A_274 = arith.constant 2 : index
    %get3A_275 = arith.constant 0 : index
    %get3A_276 = arith.constant 0 : index
    %get3A_277 = vector.load %arg8[%get3A_274, %get3A_275, %get3A_276] : memref<8x256x256xf32, #tpu.memory_space<vmem>>, vector<1x256x256xf32>
    %get3A_278 = vector.shape_cast %get3A_277 : vector<1x256x256xf32> to vector<256x256xf32>
    %dot_general3A_279 = arith.constant dense<0.000000e+00> : vector<64x256xf32>
    %dot_general3A_280 = tpu.matmul %add3A_267, %get3A_278, %dot_general3A_279 {dimension_numbers = #tpu.dot_dimension_numbers<[1], [0], [0], [1], [0, 0, 1, 1], [], []>, precision = #tpu.contract_precision<fp32>, transpose_lhs_hint = false} : vector<64x256xf32>, vector<256x256xf32>, vector<64x256xf32> -> vector<64x256xf32>
    %mul3A_281 = vector.broadcast %cos3A_272 : vector<64x1xf32> to vector<64x256xf32>
    %mul3A_282 = arith.mulf %mul3A_281, %add3A_267 : vector<64x256xf32>
    %slice3A_283 = vector.extract_strided_slice %get3A_54 {offsets = [2, 0], sizes = [1, 256], strides = [1, 1]} : vector<8x256xf32> to vector<1x256xf32>
    %mul3A_284 = vector.broadcast %slice3A_283 : vector<1x256xf32> to vector<64x256xf32>
    %mul3A_285 = arith.mulf %mul3A_284, %dot_general3A_280 : vector<64x256xf32>
    %mul3A_286 = vector.broadcast %sin3A_273 : vector<64x1xf32> to vector<64x256xf32>
    %mul3A_287 = arith.mulf %mul3A_286, %mul3A_285 : vector<64x256xf32>
    %add3A_288 = arith.addf %mul3A_282, %mul3A_287 : vector<64x256xf32>
    %slice3A_289 = vector.extract_strided_slice %add3A_44 {offsets = [0, 11], sizes = [64, 1], strides = [1, 1]} : vector<64x16xf32> to vector<64x1xf32>
    %mul3A_290 = arith.constant 5.000000e-01 : f32
    %mul3A_291 = vector.broadcast %mul3A_290 : f32 to vector<64x1xf32>
    %mul3A_292 = arith.mulf %slice3A_289, %mul3A_291 : vector<64x1xf32>
    %cos3A_293 = math.cos %mul3A_292 : vector<64x1xf32>
    %sin3A_294 = math.sin %mul3A_292 : vector<64x1xf32>
    %get3A_295 = arith.constant 3 : index
    %get3A_296 = arith.constant 0 : index
    %get3A_297 = arith.constant 0 : index
    %get3A_298 = vector.load %arg8[%get3A_295, %get3A_296, %get3A_297] : memref<8x256x256xf32, #tpu.memory_space<vmem>>, vector<1x256x256xf32>
    %get3A_299 = vector.shape_cast %get3A_298 : vector<1x256x256xf32> to vector<256x256xf32>
    %dot_general3A_300 = arith.constant dense<0.000000e+00> : vector<64x256xf32>
    %dot_general3A_301 = tpu.matmul %add3A_288, %get3A_299, %dot_general3A_300 {dimension_numbers = #tpu.dot_dimension_numbers<[1], [0], [0], [1], [0, 0, 1, 1], [], []>, precision = #tpu.contract_precision<fp32>, transpose_lhs_hint = false} : vector<64x256xf32>, vector<256x256xf32>, vector<64x256xf32> -> vector<64x256xf32>
    %mul3A_302 = vector.broadcast %cos3A_293 : vector<64x1xf32> to vector<64x256xf32>
    %mul3A_303 = arith.mulf %mul3A_302, %add3A_288 : vector<64x256xf32>
    %slice3A_304 = vector.extract_strided_slice %get3A_54 {offsets = [3, 0], sizes = [1, 256], strides = [1, 1]} : vector<8x256xf32> to vector<1x256xf32>
    %mul3A_305 = vector.broadcast %slice3A_304 : vector<1x256xf32> to vector<64x256xf32>
    %mul3A_306 = arith.mulf %mul3A_305, %dot_general3A_301 : vector<64x256xf32>
    %mul3A_307 = vector.broadcast %sin3A_294 : vector<64x1xf32> to vector<64x256xf32>
    %mul3A_308 = arith.mulf %mul3A_307, %mul3A_306 : vector<64x256xf32>
    %add3A_309 = arith.addf %mul3A_303, %mul3A_308 : vector<64x256xf32>
    %slice3A_310 = vector.extract_strided_slice %add3A_44 {offsets = [0, 12], sizes = [64, 1], strides = [1, 1]} : vector<64x16xf32> to vector<64x1xf32>
    %mul3A_311 = arith.constant 5.000000e-01 : f32
    %mul3A_312 = vector.broadcast %mul3A_311 : f32 to vector<64x1xf32>
    %mul3A_313 = arith.mulf %slice3A_310, %mul3A_312 : vector<64x1xf32>
    %cos3A_314 = math.cos %mul3A_313 : vector<64x1xf32>
    %sin3A_315 = math.sin %mul3A_313 : vector<64x1xf32>
    %get3A_316 = arith.constant 4 : index
    %get3A_317 = arith.constant 0 : index
    %get3A_318 = arith.constant 0 : index
    %get3A_319 = vector.load %arg8[%get3A_316, %get3A_317, %get3A_318] : memref<8x256x256xf32, #tpu.memory_space<vmem>>, vector<1x256x256xf32>
    %get3A_320 = vector.shape_cast %get3A_319 : vector<1x256x256xf32> to vector<256x256xf32>
    %dot_general3A_321 = arith.constant dense<0.000000e+00> : vector<64x256xf32>
    %dot_general3A_322 = tpu.matmul %add3A_309, %get3A_320, %dot_general3A_321 {dimension_numbers = #tpu.dot_dimension_numbers<[1], [0], [0], [1], [0, 0, 1, 1], [], []>, precision = #tpu.contract_precision<fp32>, transpose_lhs_hint = false} : vector<64x256xf32>, vector<256x256xf32>, vector<64x256xf32> -> vector<64x256xf32>
    %mul3A_323 = vector.broadcast %cos3A_314 : vector<64x1xf32> to vector<64x256xf32>
    %mul3A_324 = arith.mulf %mul3A_323, %add3A_309 : vector<64x256xf32>
    %slice3A_325 = vector.extract_strided_slice %get3A_54 {offsets = [4, 0], sizes = [1, 256], strides = [1, 1]} : vector<8x256xf32> to vector<1x256xf32>
    %mul3A_326 = vector.broadcast %slice3A_325 : vector<1x256xf32> to vector<64x256xf32>
    %mul3A_327 = arith.mulf %mul3A_326, %dot_general3A_322 : vector<64x256xf32>
    %mul3A_328 = vector.broadcast %sin3A_315 : vector<64x1xf32> to vector<64x256xf32>
    %mul3A_329 = arith.mulf %mul3A_328, %mul3A_327 : vector<64x256xf32>
    %add3A_330 = arith.addf %mul3A_324, %mul3A_329 : vector<64x256xf32>
    %slice3A_331 = vector.extract_strided_slice %add3A_44 {offsets = [0, 13], sizes = [64, 1], strides = [1, 1]} : vector<64x16xf32> to vector<64x1xf32>
    %mul3A_332 = arith.constant 5.000000e-01 : f32
    %mul3A_333 = vector.broadcast %mul3A_332 : f32 to vector<64x1xf32>
    %mul3A_334 = arith.mulf %slice3A_331, %mul3A_333 : vector<64x1xf32>
    %cos3A_335 = math.cos %mul3A_334 : vector<64x1xf32>
    %sin3A_336 = math.sin %mul3A_334 : vector<64x1xf32>
    %get3A_337 = arith.constant 5 : index
    %get3A_338 = arith.constant 0 : index
    %get3A_339 = arith.constant 0 : index
    %get3A_340 = vector.load %arg8[%get3A_337, %get3A_338, %get3A_339] : memref<8x256x256xf32, #tpu.memory_space<vmem>>, vector<1x256x256xf32>
    %get3A_341 = vector.shape_cast %get3A_340 : vector<1x256x256xf32> to vector<256x256xf32>
    %dot_general3A_342 = arith.constant dense<0.000000e+00> : vector<64x256xf32>
    %dot_general3A_343 = tpu.matmul %add3A_330, %get3A_341, %dot_general3A_342 {dimension_numbers = #tpu.dot_dimension_numbers<[1], [0], [0], [1], [0, 0, 1, 1], [], []>, precision = #tpu.contract_precision<fp32>, transpose_lhs_hint = false} : vector<64x256xf32>, vector<256x256xf32>, vector<64x256xf32> -> vector<64x256xf32>
    %mul3A_344 = vector.broadcast %cos3A_335 : vector<64x1xf32> to vector<64x256xf32>
    %mul3A_345 = arith.mulf %mul3A_344, %add3A_330 : vector<64x256xf32>
    %slice3A_346 = vector.extract_strided_slice %get3A_54 {offsets = [5, 0], sizes = [1, 256], strides = [1, 1]} : vector<8x256xf32> to vector<1x256xf32>
    %mul3A_347 = vector.broadcast %slice3A_346 : vector<1x256xf32> to vector<64x256xf32>
    %mul3A_348 = arith.mulf %mul3A_347, %dot_general3A_343 : vector<64x256xf32>
    %mul3A_349 = vector.broadcast %sin3A_336 : vector<64x1xf32> to vector<64x256xf32>
    %mul3A_350 = arith.mulf %mul3A_349, %mul3A_348 : vector<64x256xf32>
    %add3A_351 = arith.addf %mul3A_345, %mul3A_350 : vector<64x256xf32>
    %slice3A_352 = vector.extract_strided_slice %add3A_44 {offsets = [0, 14], sizes = [64, 1], strides = [1, 1]} : vector<64x16xf32> to vector<64x1xf32>
    %mul3A_353 = arith.constant 5.000000e-01 : f32
    %mul3A_354 = vector.broadcast %mul3A_353 : f32 to vector<64x1xf32>
    %mul3A_355 = arith.mulf %slice3A_352, %mul3A_354 : vector<64x1xf32>
    %cos3A_356 = math.cos %mul3A_355 : vector<64x1xf32>
    %sin3A_357 = math.sin %mul3A_355 : vector<64x1xf32>
    %get3A_358 = arith.constant 6 : index
    %get3A_359 = arith.constant 0 : index
    %get3A_360 = arith.constant 0 : index
    %get3A_361 = vector.load %arg8[%get3A_358, %get3A_359, %get3A_360] : memref<8x256x256xf32, #tpu.memory_space<vmem>>, vector<1x256x256xf32>
    %get3A_362 = vector.shape_cast %get3A_361 : vector<1x256x256xf32> to vector<256x256xf32>
    %dot_general3A_363 = arith.constant dense<0.000000e+00> : vector<64x256xf32>
    %dot_general3A_364 = tpu.matmul %add3A_351, %get3A_362, %dot_general3A_363 {dimension_numbers = #tpu.dot_dimension_numbers<[1], [0], [0], [1], [0, 0, 1, 1], [], []>, precision = #tpu.contract_precision<fp32>, transpose_lhs_hint = false} : vector<64x256xf32>, vector<256x256xf32>, vector<64x256xf32> -> vector<64x256xf32>
    %mul3A_365 = vector.broadcast %cos3A_356 : vector<64x1xf32> to vector<64x256xf32>
    %mul3A_366 = arith.mulf %mul3A_365, %add3A_351 : vector<64x256xf32>
    %slice3A_367 = vector.extract_strided_slice %get3A_54 {offsets = [6, 0], sizes = [1, 256], strides = [1, 1]} : vector<8x256xf32> to vector<1x256xf32>
    %mul3A_368 = vector.broadcast %slice3A_367 : vector<1x256xf32> to vector<64x256xf32>
    %mul3A_369 = arith.mulf %mul3A_368, %dot_general3A_364 : vector<64x256xf32>
    %mul3A_370 = vector.broadcast %sin3A_357 : vector<64x1xf32> to vector<64x256xf32>
    %mul3A_371 = arith.mulf %mul3A_370, %mul3A_369 : vector<64x256xf32>
    %add3A_372 = arith.addf %mul3A_366, %mul3A_371 : vector<64x256xf32>
    %slice3A_373 = vector.extract_strided_slice %add3A_44 {offsets = [0, 15], sizes = [64, 1], strides = [1, 1]} : vector<64x16xf32> to vector<64x1xf32>
    %mul3A_374 = arith.constant 5.000000e-01 : f32
    %mul3A_375 = vector.broadcast %mul3A_374 : f32 to vector<64x1xf32>
    %mul3A_376 = arith.mulf %slice3A_373, %mul3A_375 : vector<64x1xf32>
    %cos3A_377 = math.cos %mul3A_376 : vector<64x1xf32>
    %sin3A_378 = math.sin %mul3A_376 : vector<64x1xf32>
    %get3A_379 = arith.constant 7 : index
    %get3A_380 = arith.constant 0 : index
    %get3A_381 = arith.constant 0 : index
    %get3A_382 = vector.load %arg8[%get3A_379, %get3A_380, %get3A_381] : memref<8x256x256xf32, #tpu.memory_space<vmem>>, vector<1x256x256xf32>
    %get3A_383 = vector.shape_cast %get3A_382 : vector<1x256x256xf32> to vector<256x256xf32>
    %dot_general3A_384 = arith.constant dense<0.000000e+00> : vector<64x256xf32>
    %dot_general3A_385 = tpu.matmul %add3A_372, %get3A_383, %dot_general3A_384 {dimension_numbers = #tpu.dot_dimension_numbers<[1], [0], [0], [1], [0, 0, 1, 1], [], []>, precision = #tpu.contract_precision<fp32>, transpose_lhs_hint = false} : vector<64x256xf32>, vector<256x256xf32>, vector<64x256xf32> -> vector<64x256xf32>
    %mul3A_386 = vector.broadcast %cos3A_377 : vector<64x1xf32> to vector<64x256xf32>
    %mul3A_387 = arith.mulf %mul3A_386, %add3A_372 : vector<64x256xf32>
    %slice3A_388 = vector.extract_strided_slice %get3A_54 {offsets = [7, 0], sizes = [1, 256], strides = [1, 1]} : vector<8x256xf32> to vector<1x256xf32>
    %mul3A_389 = vector.broadcast %slice3A_388 : vector<1x256xf32> to vector<64x256xf32>
    %mul3A_390 = arith.mulf %mul3A_389, %dot_general3A_385 : vector<64x256xf32>
    %mul3A_391 = vector.broadcast %sin3A_378 : vector<64x1xf32> to vector<64x256xf32>
    %mul3A_392 = arith.mulf %mul3A_391, %mul3A_390 : vector<64x256xf32>
    %add3A_393 = arith.addf %mul3A_387, %mul3A_392 : vector<64x256xf32>
    %get3A_394 = arith.constant 0 : index
    %get3A_395 = arith.constant 0 : index
    %get3A_396 = vector.load %arg10[%get3A_394, %get3A_395] : memref<256x256xf32, #tpu.memory_space<vmem>>, vector<256x256xf32>
    %dot_general3A_397 = arith.constant dense<0.000000e+00> : vector<64x256xf32>
    %dot_general3A_398 = tpu.matmul %add3A_393, %get3A_396, %dot_general3A_397 {dimension_numbers = #tpu.dot_dimension_numbers<[1], [0], [0], [1], [0, 0, 1, 1], [], []>, precision = #tpu.contract_precision<fp32>, transpose_lhs_hint = false} : vector<64x256xf32>, vector<256x256xf32>, vector<64x256xf32> -> vector<64x256xf32>
    %mul3A_399 = arith.mulf %dot_general3A_398, %dot_general3A_398 : vector<64x256xf32>
    %get3A_400 = arith.constant 0 : index
    %get3A_401 = arith.constant 0 : index
    %get3A_402 = vector.load %arg11[%get3A_400, %get3A_401] : memref<256x8xf32, #tpu.memory_space<vmem>>, vector<256x8xf32>
    %dot_general3A_403 = arith.constant dense<0.000000e+00> : vector<64x8xf32>
    %dot_general3A_404 = tpu.matmul %mul3A_399, %get3A_402, %dot_general3A_403 {dimension_numbers = #tpu.dot_dimension_numbers<[1], [0], [0], [1], [0, 0, 1, 1], [], []>, precision = #tpu.contract_precision<fp32>, transpose_lhs_hint = false} : vector<64x256xf32>, vector<256x8xf32>, vector<64x8xf32> -> vector<64x8xf32>
    %get3A_405 = arith.constant 0 : index
    %get3A_406 = arith.constant 0 : index
    %get3A_407 = vector.load %arg12[%get3A_405, %get3A_406] : memref<128x10xf32, #tpu.memory_space<vmem>>, vector<128x10xf32>
    %dot_general3A_408 = arith.constant dense<0.000000e+00> : vector<64x10xf32>
    %dot_general3A_409 = tpu.matmul %div3A_29, %get3A_407, %dot_general3A_408 {dimension_numbers = #tpu.dot_dimension_numbers<[1], [0], [0], [1], [0, 0, 1, 1], [], []>, precision = #tpu.contract_precision<fp32>, transpose_lhs_hint = false} : vector<64x128xf32>, vector<128x10xf32>, vector<64x10xf32> -> vector<64x10xf32>
    %get3A_410 = arith.constant 0 : index
    %get3A_411 = arith.constant 0 : index
    %get3A_412 = vector.load %arg13[%get3A_410, %get3A_411] : memref<8x10xf32, #tpu.memory_space<vmem>>, vector<8x10xf32>
    %dot_general3A_413 = arith.constant dense<0.000000e+00> : vector<64x10xf32>
    %dot_general3A_414 = tpu.matmul %dot_general3A_404, %get3A_412, %dot_general3A_413 {dimension_numbers = #tpu.dot_dimension_numbers<[1], [0], [0], [1], [0, 0, 1, 1], [], []>, precision = #tpu.contract_precision<fp32>, transpose_lhs_hint = false} : vector<64x8xf32>, vector<8x10xf32>, vector<64x10xf32> -> vector<64x10xf32>
    %add3A_415 = arith.addf %dot_general3A_409, %dot_general3A_414 : vector<64x10xf32>
    %get3A_416 = arith.constant 0 : index
    %get3A_417 = arith.constant 0 : index
    %get3A_418 = vector.load %arg14[%get3A_416, %get3A_417] : memref<1x10xf32, #tpu.memory_space<vmem>>, vector<1x10xf32>
    %add3A_419 = vector.broadcast %get3A_418 : vector<1x10xf32> to vector<64x10xf32>
    %add3A_420 = arith.addf %add3A_415, %add3A_419 : vector<64x10xf32>
    %swap3A = arith.constant 0 : index
    %swap3A_421 = arith.constant 0 : index
    %swap3A_422 = vector.load %arg15[%swap3A, %swap3A_421] : memref<64x10xf32, #tpu.memory_space<vmem>>, vector<64x10xf32>
    tpu.vector_store %arg15[%swap3A, %swap3A_421], %add3A_420 {strides = array<i32>} : memref<64x10xf32, #tpu.memory_space<vmem>>, vector<64x10xf32>,
    return
  }
}

</mosaic_0001>

<sc_bundles>
// kernel: kernel.6.cloned.1.call-start
scs
__scs_entry_jumppad:
0x0: {  	(pc) =	sbr.rel $0x88, $3  }
0x1: {  	(tag) =	ssettag $0x0;
	lr =	simm.s32 $0x1  }
0x2: {  	[smem:$0x3F97] =	sst lr;
	_ =	strace $0xD0000000  }
0x3: {  	_ = 	snop  }
0x4: {  	_ = 	snop  }
0x5: {  	_ = 	snop  }
0x6: {  	_ = 	snop  }
0x7: {  	_ = 	snop  }
__scs_overlays_trampoline_lowered:
0x8: {  	[smem:$0x3FA6] =	sst s0  }
0x9: {  	[smem:$0x3FA7] =	sst s1  }
0xa: {  	[smem:$0x3FA8] =	sst s2  }
0xb: {  	[smem:$0x3FA9] =	sst s3  }
0xc: {  	[smem:$0x3FAA] =	sst s4  }
0xd: {  	[smem:$0x3FAB] =	sst s5  }
0xe: {  	[smem:$0x3FAC] =	sst s6  }
0xf: {  	[smem:$0x3FAD] =	sst s7  }
0x10: {  	[smem:$0x3FAE] =	sst s8  }
0x11: {  	[smem:$0x3FAF] =	sst s9;
	s0 =	simm.s32 @!p0 $0x0  }
0x12: {  	s1 =	sld [smem:$0x3F95];
	s0 =	simm.s32 @p0 $0x1  }
0x13: {  	[smem:$0x3FB0] =	sst s0;
	s0 =	simm.s32 @!p1 $0x0  }
0x14: {  	s2 =	sld [smem:$0x3F94];
	s0 =	simm.s32 @p1 $0x1  }
0x15: {  	[smem:$0x3FB1] =	sst s0;
	s0 =	simm.s32 @!p2 $0x0  }
0x16: {  	s3 =	sld [smem:$0x3FDB];
	s0 =	simm.s32 @p2 $0x1  }
0x17: {  	s4 =	simm.s32 $0x1BF5;
	[smem:$0x3FB3] =	sst s0  }
0x18: {  	s0 =	sld [smem:$0x3F96];
	_ =	swait.ge [sflag:s4], $0x0  }
0x19: {  	s7 =	sld [smem:$0x3F97]  }
0x1a: {  	s8 =	sadd.s32 $0xFFFFE003, lr  }
0x1b: {  	s9 =	sadd.s32 $0xFFFFFEF7, lr;
	s5 =	simm.s32 $0xFFFFFFFF;
	p2 =	slt.u32 s8, $0xFFFFF086  }
0x1c: {  	p1 =	slt.u32 s9, $0xF7A;
	s5 =	simm.s32 @!p2 $0x0  }
0x1d: {  	s5 =	simm.s32 @p1 $0x1;
	p0 =	seq.s32 s7, s2  }
0x1e: {  	s7 =	smul.u32 @!p0 $0xF7A, s2;
	p2 =	seq.s32 @!p0 s5, $0x0  }
0x1f: {  	s9 =	smul.u32 $0xF7A, s1;
	s8 =	simm.s32 @!p0 $0x1BF5;
	p2 =	por !p2, p0  }
0x20: {  	[sflag:s8] =	ssyncset.s32 @!p0 $0xFFFFF086;
	s6 =	sadd.s32 @!p0 s3, s7;
	s7 =	simm.s32 @!p0 $0x108  }
0x21: {  	s3 =	sadd.s32 s3, s9;
	s6 =	sadd.s32 @!p0 $0x88, s6;
	s7 =	simm.s32 @p2 $0x1082  }
0x22: {  	[simem:s7], [sflag:s8] =	dma.local @!p0 [hbm:s6], $0xF7A  }
0x23: {  	s9 =	sor.u32 $0xD0000000, s2;
	s6 =	simm.s32 $0x108;
	_ =	swait.ge @!p0 [sflag:s8], $0x0  }
0x24: {  	s3 =	sadd.s32 $0x88, s3;
	s6 =	simm.s32 @!p1 $0x1082;
	[sflag:s4] =	ssyncset.s32 $0xFFFFF086  }
0x25: {  	[simem:s6], [sflag:s4] =	dma.local [hbm:s3], $0xF7A  }
0x26: {  	[smem:$0x3F97] =	sst s1;
	(tag) =	ssettag s2;
	_ =	strace s9  }
0x27: {  	s1 =	sld [smem:$0x3FA7]  }
0x28: {  	s2 =	sld [smem:$0x3FA8]  }
0x29: {  	s4 =	sld [smem:$0x3FAA]  }
0x2a: {  	p0 =	seq.s32 s5, $0x0;
	s5 =	sld [smem:$0x3FAB]  }
0x2b: {  	s6 =	sld [smem:$0x3FAC]  }
0x2c: {  	s7 =	sld [smem:$0x3FAD]  }
0x2d: {  	s3 =	simm.s32 $0x108;
	s8 =	sld [smem:$0x3FAE]  }
0x2e: {  	s3 =	simm.s32 @!p0 $0x1082;
	s9 =	sld [smem:$0x3FAF]  }
0x2f: {  	lr =	sadd.s32 s0, s3;
	s0 =	sld [smem:$0x3FA6]  }
0x30: {  	s3 =	sld [smem:$0x3FA9]  }
0x31: {  	[smem:$0x3FB2] =	sst s10  }
0x32: {  	s10 =	sld [smem:$0x3FB0];
	_ =	sdelay $0x3  }
0x33: {  	p0 =	seq.s32 s10, $0x1;
	s10 =	sld [smem:$0x3FB2];
	_ =	sdelay $0x3  }
0x34: {  	[smem:$0x3FB2] =	sst s10  }
0x35: {  	s10 =	sld [smem:$0x3FB1];
	_ =	sdelay $0x3  }
0x36: {  	p1 =	seq.s32 s10, $0x1;
	s10 =	sld [smem:$0x3FB2];
	_ =	sdelay $0x3  }
0x37: {  	[smem:$0x3FB2] =	sst s10  }
0x38: {  	s10 =	sld [smem:$0x3FB3]  }
0x39: {  	_ = 	snop;
	(pc) =	sbr.ind lr, $3  }
0x3a: {  	_ = 	snop  }
0x3b: {  	_ = 	snop  }
0x3c: {  	p2 =	seq.s32 s10, $0x1;
	s10 =	sld [smem:$0x3FB2]  }
0x3d: {  	_ =	shalt  }
0x3e: {  	_ =	shalt  }
0x3f: {  	_ =	shalt  }
0x40: {  	_ =	shalt  }
0x41: {  	_ =	shalt  }
0x42: {  	_ =	shalt  }
0x43: {  	_ =	shalt  }
0x44: {  	_ =	shalt  }
0x45: {  	_ =	shalt  }
0x46: {  	_ =	shalt  }
0x47: {  	_ =	shalt  }
0x48: {  	_ =	shalt  }
0x49: {  	_ =	shalt  }
0x4a: {  	_ =	shalt  }
0x4b: {  	_ =	shalt  }
0x4c: {  	_ =	shalt  }
0x4d: {  	_ =	shalt  }
0x4e: {  	_ =	shalt  }
0x4f: {  	_ =	shalt  }
0x50: {  	_ =	shalt  }
0x51: {  	_ =	shalt  }
0x52: {  	_ =	shalt  }
0x53: {  	_ =	shalt  }
0x54: {  	_ =	shalt  }
0x55: {  	_ =	shalt  }
0x56: {  	_ =	shalt  }
0x57: {  	_ =	shalt  }
0x58: {  	_ =	shalt  }
0x59: {  	_ =	shalt  }
0x5a: {  	_ =	shalt  }
0x5b: {  	_ =	shalt  }
0x5c: {  	_ =	shalt  }
0x5d: {  	_ =	shalt  }
0x5e: {  	_ =	shalt  }
0x5f: {  	_ =	shalt  }
0x60: {  	_ =	shalt  }
0x61: {  	_ =	shalt  }
0x62: {  	_ =	shalt  }
0x63: {  	_ =	shalt  }
0x64: {  	_ =	shalt  }
0x65: {  	_ =	shalt  }
0x66: {  	_ =	shalt  }
0x67: {  	_ =	shalt  }
0x68: {  	_ =	shalt  }
0x69: {  	_ =	shalt  }
0x6a: {  	_ =	shalt  }
0x6b: {  	_ =	shalt  }
0x6c: {  	_ =	shalt  }
0x6d: {  	_ =	shalt  }
0x6e: {  	_ =	shalt  }
0x6f: {  	_ =	shalt  }
0x70: {  	_ =	shalt  }
0x71: {  	_ =	shalt  }
0x72: {  	_ =	shalt  }
0x73: {  	_ =	shalt  }
0x74: {  	_ =	shalt  }
0x75: {  	_ =	shalt  }
0x76: {  	_ =	shalt  }
0x77: {  	_ =	shalt  }
0x78: {  	_ =	shalt  }
0x79: {  	_ =	shalt  }
0x7a: {  	_ =	shalt  }
0x7b: {  	_ =	shalt  }
0x7c: {  	_ =	shalt  }
0x7d: {  	_ =	shalt  }
0x7e: {  	_ =	shalt  }
0x7f: {  	_ =	shalt  }
0x80: {  	_ =	shalt  }
0x81: {  	_ =	shalt  }
0x82: {  	_ =	shalt  }
0x83: {  	_ =	shalt  }
0x84: {  	_ =	shalt  }
0x85: {  	_ =	shalt  }
0x86: {  	_ =	shalt  }
0x87: {  	_ =	shalt  }
.Lfunc_end0:
.L_simem_size_0:
called_computation_lowered:
.L_overlay_start_0:
0x88: {  	s2 =	sld [smem:$0x3FD9]  }
0x89: {  	s3 =	sld [smem:$0x3FFE];
	_ =	sdelay $0x1  }
0x8a: {  	s1 =	srdreg.scid  }
0x8b: {  	s0 =	sand.u32 $0x1, s1  }
0x8c: {  	s16 =	sshll.u32 s0, $0xA;
	s2 =	sadd.s32 s3, s2  }
0x8d: {  	s2 =	sadd.s32 s2, s16  }
0x8e: {  	[smem:$0x3FBE] =	sst s2  }
0x8f: {  	_ = 	snop  }
0x90: {  	(tm) =	ssettm $0x1  }
0x91: {  	s17 =	sld [smem:$0x3FFB];
	_ =	sdelay $0x3  }
0x92: {  	_ =	strace s17  }
0x93: {  	s2 =	sld [smem:$0x3FFC];
	_ =	sdelay $0x3  }
0x94: {  	_ =	strace s2  }
0x95: {  	s2 =	sld [smem:$0x3FFD];
	_ =	sdelay $0x3  }
0x96: {  	_ =	strace s2  }
0x97: {  	_ =	strace $0x8FFFFFFF  }
0x98: {  	s18 =	sld [smem:$0x3FDB];
	_ =	sdelay $0x1  }
0x99: {  	s19 =	simm.s32 $_scs_section_size  }
0x9a: {  	s4 =	simm.s32 $_size__tile_overlayer_lowered;
	s5 =	simm.s32 $_tile_overlayer_lowered  }
0x9b: {  	s22 =	simm.s32 $0x1BFF;
	s21 =	sshll.u32 s5, $0x1;
	s2 =	sadd.s32 s19, s18  }
0x9c: {  	s6 =	simm.s32 $0x0;
	s20 =	sshll.u32 s4, $0x1;
	s4 =	sadd.s32 s21, s2  }
0x9d: {  	[timem:s6], [sflag:s22] =	dma.local [hbm:s4], s20  }
0x9e: {  	_ =	swait.ge [sflag:s22], s20  }
0x9f: {  	s3 =	ssub.s32 $0x0, s20;
	[sflag:s22] =	ssyncset.done $0x0  }
0xa0: {  	[sflag:s22] =	ssyncadd.s32 s3;
	_ =	sdelay $0x1  }
0xa1: {  	s23 =	simm.s32 $0x1B8B  }
0xa2: {  	_ =	swait.ge [sflag:s23], $0x1  }
0xa3: {  	[sflag:s23] =	ssyncset.done $0x0  }
0xa4: {  	s25 =	simm.s32 $0x1B8E;
	s24 =	sld [smem:$0x3FFE];
	[sflag:s23] =	ssyncadd.s32 $0xFFFFFFFF  }
0xa5: {  	s26 =	simm.s32 $execute0_lowered;
	[smem:$0x3FD2] =	sst s25  }
0xa6: {  	s4 =	sshll.u32 s26, $0x1;
	_ =	strace $0x80000046;
	[dreg:$0x1] =	wrdreg $0xFFFFFFFF  }
0xa7: {  	s28 =	simm.s32 $_size_execute0_lowered;
	s2 =	sadd.s32 s2, s4;
	[dreg:$0x0] =	wrdreg $0x0  }
0xa8: {  	s4 =	sshll.u32 s28, $0x1;
	[dreg:$0x2] =	wrdreg s2  }
0xa9: {  	[dreg:$0x3] =	wrdreg s4  }
0xaa: {  	[dreg:$0x4] =	wrdreg $0xC0  }
0xab: {  	_ =	task [dreg:s6], $0x5FFFF  }
0xac: {  	[dreg:$0x1] =	wrdreg $0xFFFFFFFF  }
0xad: {  	[dreg:$0x0] =	wrdreg $0x60  }
0xae: {  	[dreg:$0x2] =	wrdreg s24  }
0xaf: {  	[dreg:$0x3] =	wrdreg $0x9  }
0xb0: {  	_ =	task.clear_ibuf [dreg:s6], $0x4FFFF;
	_ =	strace $0x90000046  }
0xb1: {  	s29 =	simm.s32 $0x9;
	_ =	strace $0x80000048  }
0xb2: {  	_ =	swait.ge [sflag:s29], $0x1  }
0xb3: {  	[sflag:s29] =	ssyncadd.s32 $0xFFFFFFFF  }
0xb4: {  	_ =	strace $0x90000048  }
0xb5: {  	_ =	sfence  }
0xb6: {  	s30 =	sld [smem:$0x0];
	_ =	sdelay $0x2  }
0xb7: {  	s31 =	sshll.u32 s1, $0xD;
	s1 =	sshrl.u32 s1, $0x2  }
0xb8: {  	s3 =	sand.u32 $0x4000, s31;
	s1 =	sadd.s32 s1, s30  }
0xb9: {  	s0 =	sor.u32 s3, s0;
	s1 =	sshll.u32 s1, $0x11  }
0xba: {  	s0 =	sor.u32 s1, s0  }
0xbb: {  	s0 =	sadd.s32 $0x8F2B, s0  }
0xbc: {  	[sflag:s0] =	ssyncadd.remote.s32 $0x1  }
0xbd: {  	_ =	sfence.sel $0xFFFF  }
0xbe: {  	[dreg:$0x0] =	wrdreg $0xFFFFFFFF;
	(pc) =	sbr.abs _section_cstart, $3  }
0xbf: {  	[dreg:$0x1] =	wrdreg $0xFFFFFFFF  }
0xc0: {  	_ =	task.clear_ibuf [dreg:s6], $0x2FFFF;
	_ =	strace $0x9FFFFFFF  }
0xc1: {  	(tm) =	ssettm $0x7FFFFFFF  }
tec
execute0_lowered:
.L_overlay_start_1:
0x0: {  	(tag) =	ssettag $0x1  }
0x1: {  	s0 =	srdreg.scid;
	s4 =	rddreg [dreg:$0x0]  }
0x2: {  	s2 =	simm.s32 $0x0;
	s3 =	sand.u32 $0x1, s0;
	s0 =	stileid.u32  }
0x3: {  	[smem:$0x7FF] =	sst s2;
	s5 =	smul.u32 $0x5000, s3  }
0x4: {  	s1 =	sshll.u32 s3, $0x4;
	s3 =	ssub.s32 $0x2, s3;
	s7 =	smul.u32 $0x500, s0  }
0x5: {  	s6 =	sor.u32 s0, s1;
	s1 =	rddreg [dreg:$0x1];
	_ =	strace $0x80000047  }
0x6: {  	s8 =	sshrl.u32 s3, $0x1;
	s6 =	smul.u32 $0x4F0, s6;
	s5 =	sadd.s32 s5, s4  }
0x7: {  	s31 =	ssub.s32 s3, s8;
	s8 =	simm.s32 $0x0;
	s5 =	sadd.s32 s7, s5  }
0x8: {  	s7 =	simm.s32 $0x400;
	s4 =	sadd.s32 s6, s4;
	s5 =	sadd.s32 $0x3400, s5  }
0x9: {  	v0 =	vimm.f32 $0.0e+00;
	s6 =	simm.s32 $0x1;
	s3 =	sadd.s32 $0x17400, s4;
	s4 =	smax.u32 s31, $0x1  }
.LBB2_1:
0xa: {  	s9 =	simm.s32 $0x0  }
.LBB2_2:
0xb: {  	p0 =	sne.s32 s9, $0x9DC0  }
.Ltmp0:
0xc: {  	_ = 	snop;
	(pc) =	sbr.rel @p0 .LBB2_2-.Ltmp0, $3  }
0xd: {  	_ =	sdelay $0x1  }
0xe: {  	s10 =	sshra.s32 s9, $0x2  }
0xf: {  	s9 =	sadd.s32 $0x40, s9;
	[tilespmem:s10+$0x400] =	vst v0  }
0x10: {  	s9 =	simm.s32 $0x0  }
.LBB2_4:
0x11: {  	s10 =	sadd.s32 s9, s5  }
0x12: {  	[tilespmem:s2], [sflag:$0x1] =	stream.linear.gather [hbm4b:s10+s2], $0x400, $0x38;
	[tilespmem:$0x2B80] =	vst v63  }
0x13: {  	_ =	swait.ge [sflag:s6], $0x400  }
0x14: {  	[sflag:s6] =	ssyncset.done $0x0  }
0x15: {  	[sflag:s6] =	ssyncadd.s32 $0xFFFFFC00  }
0x16: {  	v1 =	vld [tilespmem:$0x0];
	_ =	sdelay $0x4  }
0x17: {  	(xrf1) =	vunique.msk.u32 $0xffff, v1;
	_ =	sdelay $0xd  }
0x18: {  	_, v2, vm0 =	vpop (xrf1);
	_ =	sdelay $0x3  }
0x19: {  	v2 =	vcvt.s32.f32 v2;
	_ =	sdelay $0x1  }
0x1a: {  	[tilespmem:v1+s7+$0x0] =	vst.idx.add.f32.msk vm0, v2  }
0x1b: {  	v1 =	vld [tilespmem:$0x10];
	_ =	sdelay $0x4  }
0x1c: {  	(xrf1) =	vunique.msk.u32 $0xffff, v1;
	_ =	sdelay $0xd  }
0x1d: {  	_, v2, vm0 =	vpop (xrf1);
	_ =	sdelay $0x3  }
0x1e: {  	v2 =	vcvt.s32.f32 v2;
	_ =	sdelay $0x1  }
0x1f: {  	[tilespmem:v1+s7+$0x0] =	vst.idx.add.f32.msk vm0, v2  }
0x20: {  	v1 =	vld [tilespmem:$0x20];
	_ =	sdelay $0x4  }
0x21: {  	(xrf1) =	vunique.msk.u32 $0xffff, v1;
	_ =	sdelay $0xd  }
0x22: {  	_, v2, vm0 =	vpop (xrf1);
	_ =	sdelay $0x3  }
0x23: {  	v2 =	vcvt.s32.f32 v2;
	_ =	sdelay $0x1  }
0x24: {  	[tilespmem:v1+s7+$0x0] =	vst.idx.add.f32.msk vm0, v2  }
0x25: {  	v1 =	vld [tilespmem:$0x30];
	_ =	sdelay $0x4  }
0x26: {  	(xrf1) =	vunique.msk.u32 $0xffff, v1;
	_ =	sdelay $0xd  }
0x27: {  	_, v2, vm0 =	vpop (xrf1);
	_ =	sdelay $0x3  }
0x28: {  	v2 =	vcvt.s32.f32 v2;
	_ =	sdelay $0x1  }
0x29: {  	[tilespmem:v1+s7+$0x0] =	vst.idx.add.f32.msk vm0, v2  }
0x2a: {  	v1 =	vld [tilespmem:$0x40];
	_ =	sdelay $0x4  }
0x2b: {  	(xrf1) =	vunique.msk.u32 $0xffff, v1;
	_ =	sdelay $0xd  }
0x2c: {  	_, v2, vm0 =	vpop (xrf1);
	_ =	sdelay $0x3  }
0x2d: {  	v2 =	vcvt.s32.f32 v2;
	_ =	sdelay $0x1  }
0x2e: {  	[tilespmem:v1+s7+$0x0] =	vst.idx.add.f32.msk vm0, v2  }
0x2f: {  	v1 =	vld [tilespmem:$0x50];
	_ =	sdelay $0x4  }
0x30: {  	(xrf1) =	vunique.msk.u32 $0xffff, v1;
	_ =	sdelay $0xd  }
0x31: {  	_, v2, vm0 =	vpop (xrf1);
	_ =	sdelay $0x3  }
0x32: {  	v2 =	vcvt.s32.f32 v2;
	_ =	sdelay $0x1  }
0x33: {  	[tilespmem:v1+s7+$0x0] =	vst.idx.add.f32.msk vm0, v2  }
0x34: {  	v1 =	vld [tilespmem:$0x60];
	_ =	sdelay $0x4  }
0x35: {  	(xrf1) =	vunique.msk.u32 $0xffff, v1;
	_ =	sdelay $0xd  }
0x36: {  	_, v2, vm0 =	vpop (xrf1);
	_ =	sdelay $0x3  }
0x37: {  	v2 =	vcvt.s32.f32 v2;
	_ =	sdelay $0x1  }
0x38: {  	[tilespmem:v1+s7+$0x0] =	vst.idx.add.f32.msk vm0, v2  }
0x39: {  	v1 =	vld [tilespmem:$0x70];
	_ =	sdelay $0x4  }
0x3a: {  	(xrf1) =	vunique.msk.u32 $0xffff, v1;
	_ =	sdelay $0xd  }
0x3b: {  	_, v2, vm0 =	vpop (xrf1);
	_ =	sdelay $0x3  }
0x3c: {  	v2 =	vcvt.s32.f32 v2;
	_ =	sdelay $0x1  }
0x3d: {  	[tilespmem:v1+s7+$0x0] =	vst.idx.add.f32.msk vm0, v2  }
0x3e: {  	v1 =	vld [tilespmem:$0x80];
	_ =	sdelay $0x4  }
0x3f: {  	(xrf1) =	vunique.msk.u32 $0xffff, v1;
	_ =	sdelay $0xd  }
0x40: {  	_, v2, vm0 =	vpop (xrf1);
	_ =	sdelay $0x3  }
0x41: {  	v2 =	vcvt.s32.f32 v2;
	_ =	sdelay $0x1  }
0x42: {  	[tilespmem:v1+s7+$0x0] =	vst.idx.add.f32.msk vm0, v2  }
0x43: {  	v1 =	vld [tilespmem:$0x90];
	_ =	sdelay $0x4  }
0x44: {  	(xrf1) =	vunique.msk.u32 $0xffff, v1;
	_ =	sdelay $0xd  }
0x45: {  	_, v2, vm0 =	vpop (xrf1);
	_ =	sdelay $0x3  }
0x46: {  	v2 =	vcvt.s32.f32 v2;
	_ =	sdelay $0x1  }
0x47: {  	[tilespmem:v1+s7+$0x0] =	vst.idx.add.f32.msk vm0, v2  }
0x48: {  	v1 =	vld [tilespmem:$0xA0];
	_ =	sdelay $0x4  }
0x49: {  	(xrf1) =	vunique.msk.u32 $0xffff, v1;
	_ =	sdelay $0xd  }
0x4a: {  	_, v2, vm0 =	vpop (xrf1);
	_ =	sdelay $0x3  }
0x4b: {  	v2 =	vcvt.s32.f32 v2;
	_ =	sdelay $0x1  }
0x4c: {  	[tilespmem:v1+s7+$0x0] =	vst.idx.add.f32.msk vm0, v2  }
0x4d: {  	v1 =	vld [tilespmem:$0xB0];
	_ =	sdelay $0x4  }
0x4e: {  	(xrf1) =	vunique.msk.u32 $0xffff, v1;
	_ =	sdelay $0xd  }
0x4f: {  	_, v2, vm0 =	vpop (xrf1);
	_ =	sdelay $0x3  }
0x50: {  	v2 =	vcvt.s32.f32 v2;
	_ =	sdelay $0x1  }
0x51: {  	[tilespmem:v1+s7+$0x0] =	vst.idx.add.f32.msk vm0, v2  }
0x52: {  	v1 =	vld [tilespmem:$0xC0];
	_ =	sdelay $0x4  }
0x53: {  	(xrf1) =	vunique.msk.u32 $0xffff, v1;
	_ =	sdelay $0xd  }
0x54: {  	_, v2, vm0 =	vpop (xrf1);
	_ =	sdelay $0x3  }
0x55: {  	v2 =	vcvt.s32.f32 v2;
	_ =	sdelay $0x1  }
0x56: {  	[tilespmem:v1+s7+$0x0] =	vst.idx.add.f32.msk vm0, v2  }
0x57: {  	v1 =	vld [tilespmem:$0xD0];
	_ =	sdelay $0x4  }
0x58: {  	(xrf1) =	vunique.msk.u32 $0xffff, v1;
	_ =	sdelay $0xd  }
0x59: {  	_, v2, vm0 =	vpop (xrf1);
	_ =	sdelay $0x3  }
0x5a: {  	v2 =	vcvt.s32.f32 v2;
	_ =	sdelay $0x1  }
0x5b: {  	[tilespmem:v1+s7+$0x0] =	vst.idx.add.f32.msk vm0, v2  }
0x5c: {  	v1 =	vld [tilespmem:$0xE0];
	_ =	sdelay $0x4  }
0x5d: {  	(xrf1) =	vunique.msk.u32 $0xffff, v1;
	_ =	sdelay $0xd  }
0x5e: {  	_, v2, vm0 =	vpop (xrf1);
	_ =	sdelay $0x3  }
0x5f: {  	v2 =	vcvt.s32.f32 v2;
	_ =	sdelay $0x1  }
0x60: {  	[tilespmem:v1+s7+$0x0] =	vst.idx.add.f32.msk vm0, v2  }
0x61: {  	v1 =	vld [tilespmem:$0xF0];
	_ =	sdelay $0x4  }
0x62: {  	(xrf1) =	vunique.msk.u32 $0xffff, v1;
	_ =	sdelay $0xd  }
0x63: {  	_, v2, vm0 =	vpop (xrf1);
	_ =	sdelay $0x3  }
0x64: {  	v2 =	vcvt.s32.f32 v2;
	_ =	sdelay $0x1  }
0x65: {  	[tilespmem:v1+s7+$0x0] =	vst.idx.add.f32.msk vm0, v2  }
0x66: {  	v1 =	vld [tilespmem:$0x100];
	_ =	sdelay $0x4  }
0x67: {  	(xrf1) =	vunique.msk.u32 $0xffff, v1;
	_ =	sdelay $0xd  }
0x68: {  	_, v2, vm0 =	vpop (xrf1);
	_ =	sdelay $0x3  }
0x69: {  	v2 =	vcvt.s32.f32 v2;
	_ =	sdelay $0x1  }
0x6a: {  	[tilespmem:v1+s7+$0x0] =	vst.idx.add.f32.msk vm0, v2  }
0x6b: {  	v1 =	vld [tilespmem:$0x110];
	_ =	sdelay $0x4  }
0x6c: {  	(xrf1) =	vunique.msk.u32 $0xffff, v1;
	_ =	sdelay $0xd  }
0x6d: {  	_, v2, vm0 =	vpop (xrf1);
	_ =	sdelay $0x3  }
0x6e: {  	v2 =	vcvt.s32.f32 v2;
	_ =	sdelay $0x1  }
0x6f: {  	[tilespmem:v1+s7+$0x0] =	vst.idx.add.f32.msk vm0, v2  }
0x70: {  	v1 =	vld [tilespmem:$0x120];
	_ =	sdelay $0x4  }
0x71: {  	(xrf1) =	vunique.msk.u32 $0xffff, v1;
	_ =	sdelay $0xd  }
0x72: {  	_, v2, vm0 =	vpop (xrf1);
	_ =	sdelay $0x3  }
0x73: {  	v2 =	vcvt.s32.f32 v2;
	_ =	sdelay $0x1  }
0x74: {  	[tilespmem:v1+s7+$0x0] =	vst.idx.add.f32.msk vm0, v2  }
0x75: {  	v1 =	vld [tilespmem:$0x130];
	_ =	sdelay $0x4  }
0x76: {  	(xrf1) =	vunique.msk.u32 $0xffff, v1;
	_ =	sdelay $0xd  }
0x77: {  	_, v2, vm0 =	vpop (xrf1);
	_ =	sdelay $0x3  }
0x78: {  	v2 =	vcvt.s32.f32 v2;
	_ =	sdelay $0x1  }
0x79: {  	[tilespmem:v1+s7+$0x0] =	vst.idx.add.f32.msk vm0, v2  }
0x7a: {  	v1 =	vld [tilespmem:$0x140];
	_ =	sdelay $0x4  }
0x7b: {  	(xrf1) =	vunique.msk.u32 $0xffff, v1;
	_ =	sdelay $0xd  }
0x7c: {  	_, v2, vm0 =	vpop (xrf1);
	_ =	sdelay $0x3  }
0x7d: {  	v2 =	vcvt.s32.f32 v2;
	_ =	sdelay $0x1  }
0x7e: {  	[tilespmem:v1+s7+$0x0] =	vst.idx.add.f32.msk vm0, v2  }
0x7f: {  	v1 =	vld [tilespmem:$0x150];
	_ =	sdelay $0x4  }
0x80: {  	(xrf1) =	vunique.msk.u32 $0xffff, v1;
	_ =	sdelay $0xd  }
0x81: {  	_, v2, vm0 =	vpop (xrf1);
	_ =	sdelay $0x3  }
0x82: {  	v2 =	vcvt.s32.f32 v2;
	_ =	sdelay $0x1  }
0x83: {  	[tilespmem:v1+s7+$0x0] =	vst.idx.add.f32.msk vm0, v2  }
0x84: {  	v1 =	vld [tilespmem:$0x160];
	_ =	sdelay $0x4  }
0x85: {  	(xrf1) =	vunique.msk.u32 $0xffff, v1;
	_ =	sdelay $0xd  }
0x86: {  	_, v2, vm0 =	vpop (xrf1);
	_ =	sdelay $0x3  }
0x87: {  	v2 =	vcvt.s32.f32 v2;
	_ =	sdelay $0x1  }
0x88: {  	[tilespmem:v1+s7+$0x0] =	vst.idx.add.f32.msk vm0, v2  }
0x89: {  	v1 =	vld [tilespmem:$0x170];
	_ =	sdelay $0x4  }
0x8a: {  	(xrf1) =	vunique.msk.u32 $0xffff, v1;
	_ =	sdelay $0xd  }
0x8b: {  	_, v2, vm0 =	vpop (xrf1);
	_ =	sdelay $0x3  }
0x8c: {  	v2 =	vcvt.s32.f32 v2;
	_ =	sdelay $0x1  }
0x8d: {  	[tilespmem:v1+s7+$0x0] =	vst.idx.add.f32.msk vm0, v2  }
0x8e: {  	v1 =	vld [tilespmem:$0x180];
	_ =	sdelay $0x4  }
0x8f: {  	(xrf1) =	vunique.msk.u32 $0xffff, v1;
	_ =	sdelay $0xd  }
0x90: {  	_, v2, vm0 =	vpop (xrf1);
	_ =	sdelay $0x3  }
0x91: {  	v2 =	vcvt.s32.f32 v2;
	_ =	sdelay $0x1  }
0x92: {  	[tilespmem:v1+s7+$0x0] =	vst.idx.add.f32.msk vm0, v2  }
0x93: {  	v1 =	vld [tilespmem:$0x190];
	_ =	sdelay $0x4  }
0x94: {  	(xrf1) =	vunique.msk.u32 $0xffff, v1;
	_ =	sdelay $0xd  }
0x95: {  	_, v2, vm0 =	vpop (xrf1);
	_ =	sdelay $0x3  }
0x96: {  	v2 =	vcvt.s32.f32 v2;
	_ =	sdelay $0x1  }
0x97: {  	[tilespmem:v1+s7+$0x0] =	vst.idx.add.f32.msk vm0, v2  }
0x98: {  	v1 =	vld [tilespmem:$0x1A0];
	_ =	sdelay $0x4  }
0x99: {  	(xrf1) =	vunique.msk.u32 $0xffff, v1;
	_ =	sdelay $0xd  }
0x9a: {  	_, v2, vm0 =	vpop (xrf1);
	_ =	sdelay $0x3  }
0x9b: {  	v2 =	vcvt.s32.f32 v2;
	_ =	sdelay $0x1  }
0x9c: {  	[tilespmem:v1+s7+$0x0] =	vst.idx.add.f32.msk vm0, v2  }
0x9d: {  	v1 =	vld [tilespmem:$0x1B0];
	_ =	sdelay $0x4  }
0x9e: {  	(xrf1) =	vunique.msk.u32 $0xffff, v1;
	_ =	sdelay $0xd  }
0x9f: {  	_, v2, vm0 =	vpop (xrf1);
	_ =	sdelay $0x3  }
0xa0: {  	v2 =	vcvt.s32.f32 v2;
	_ =	sdelay $0x1  }
0xa1: {  	[tilespmem:v1+s7+$0x0] =	vst.idx.add.f32.msk vm0, v2  }
0xa2: {  	v1 =	vld [tilespmem:$0x1C0];
	_ =	sdelay $0x4  }
0xa3: {  	(xrf1) =	vunique.msk.u32 $0xffff, v1;
	_ =	sdelay $0xd  }
0xa4: {  	_, v2, vm0 =	vpop (xrf1);
	_ =	sdelay $0x3  }
0xa5: {  	v2 =	vcvt.s32.f32 v2;
	_ =	sdelay $0x1  }
0xa6: {  	[tilespmem:v1+s7+$0x0] =	vst.idx.add.f32.msk vm0, v2  }
0xa7: {  	v1 =	vld [tilespmem:$0x1D0];
	_ =	sdelay $0x4  }
0xa8: {  	(xrf1) =	vunique.msk.u32 $0xffff, v1;
	_ =	sdelay $0xd  }
0xa9: {  	_, v2, vm0 =	vpop (xrf1);
	_ =	sdelay $0x3  }
0xaa: {  	v2 =	vcvt.s32.f32 v2;
	_ =	sdelay $0x1  }
0xab: {  	[tilespmem:v1+s7+$0x0] =	vst.idx.add.f32.msk vm0, v2  }
0xac: {  	v1 =	vld [tilespmem:$0x1E0];
	_ =	sdelay $0x4  }
0xad: {  	(xrf1) =	vunique.msk.u32 $0xffff, v1;
	_ =	sdelay $0xd  }
0xae: {  	_, v2, vm0 =	vpop (xrf1);
	_ =	sdelay $0x3  }
0xaf: {  	v2 =	vcvt.s32.f32 v2;
	_ =	sdelay $0x1  }
0xb0: {  	[tilespmem:v1+s7+$0x0] =	vst.idx.add.f32.msk vm0, v2  }
0xb1: {  	v1 =	vld [tilespmem:$0x1F0];
	_ =	sdelay $0x4  }
0xb2: {  	(xrf1) =	vunique.msk.u32 $0xffff, v1;
	_ =	sdelay $0xd  }
0xb3: {  	_, v2, vm0 =	vpop (xrf1);
	_ =	sdelay $0x3  }
0xb4: {  	v2 =	vcvt.s32.f32 v2;
	_ =	sdelay $0x1  }
0xb5: {  	[tilespmem:v1+s7+$0x0] =	vst.idx.add.f32.msk vm0, v2  }
0xb6: {  	v1 =	vld [tilespmem:$0x200];
	_ =	sdelay $0x4  }
0xb7: {  	(xrf1) =	vunique.msk.u32 $0xffff, v1;
	_ =	sdelay $0xd  }
0xb8: {  	_, v2, vm0 =	vpop (xrf1);
	_ =	sdelay $0x3  }
0xb9: {  	v2 =	vcvt.s32.f32 v2;
	_ =	sdelay $0x1  }
0xba: {  	[tilespmem:v1+s7+$0x0] =	vst.idx.add.f32.msk vm0, v2  }
0xbb: {  	v1 =	vld [tilespmem:$0x210];
	_ =	sdelay $0x4  }
0xbc: {  	(xrf1) =	vunique.msk.u32 $0xffff, v1;
	_ =	sdelay $0xd  }
0xbd: {  	_, v2, vm0 =	vpop (xrf1);
	_ =	sdelay $0x3  }
0xbe: {  	v2 =	vcvt.s32.f32 v2;
	_ =	sdelay $0x1  }
0xbf: {  	[tilespmem:v1+s7+$0x0] =	vst.idx.add.f32.msk vm0, v2  }
0xc0: {  	v1 =	vld [tilespmem:$0x220];
	_ =	sdelay $0x4  }
0xc1: {  	(xrf1) =	vunique.msk.u32 $0xffff, v1;
	_ =	sdelay $0xd  }
0xc2: {  	_, v2, vm0 =	vpop (xrf1);
	_ =	sdelay $0x3  }
0xc3: {  	v2 =	vcvt.s32.f32 v2;
	_ =	sdelay $0x1  }
0xc4: {  	[tilespmem:v1+s7+$0x0] =	vst.idx.add.f32.msk vm0, v2  }
0xc5: {  	v1 =	vld [tilespmem:$0x230];
	_ =	sdelay $0x4  }
0xc6: {  	(xrf1) =	vunique.msk.u32 $0xffff, v1;
	_ =	sdelay $0xd  }
0xc7: {  	_, v2, vm0 =	vpop (xrf1);
	_ =	sdelay $0x3  }
0xc8: {  	v2 =	vcvt.s32.f32 v2;
	_ =	sdelay $0x1  }
0xc9: {  	[tilespmem:v1+s7+$0x0] =	vst.idx.add.f32.msk vm0, v2  }
0xca: {  	v1 =	vld [tilespmem:$0x240];
	_ =	sdelay $0x4  }
0xcb: {  	(xrf1) =	vunique.msk.u32 $0xffff, v1;
	_ =	sdelay $0xd  }
0xcc: {  	_, v2, vm0 =	vpop (xrf1);
	_ =	sdelay $0x3  }
0xcd: {  	v2 =	vcvt.s32.f32 v2;
	_ =	sdelay $0x1  }
0xce: {  	[tilespmem:v1+s7+$0x0] =	vst.idx.add.f32.msk vm0, v2  }
0xcf: {  	v1 =	vld [tilespmem:$0x250];
	_ =	sdelay $0x4  }
0xd0: {  	(xrf1) =	vunique.msk.u32 $0xffff, v1;
	_ =	sdelay $0xd  }
0xd1: {  	_, v2, vm0 =	vpop (xrf1);
	_ =	sdelay $0x3  }
0xd2: {  	v2 =	vcvt.s32.f32 v2;
	_ =	sdelay $0x1  }
0xd3: {  	[tilespmem:v1+s7+$0x0] =	vst.idx.add.f32.msk vm0, v2  }
0xd4: {  	v1 =	vld [tilespmem:$0x260];
	_ =	sdelay $0x4  }
0xd5: {  	(xrf1) =	vunique.msk.u32 $0xffff, v1;
	_ =	sdelay $0xd  }
0xd6: {  	_, v2, vm0 =	vpop (xrf1);
	_ =	sdelay $0x3  }
0xd7: {  	v2 =	vcvt.s32.f32 v2;
	_ =	sdelay $0x1  }
0xd8: {  	[tilespmem:v1+s7+$0x0] =	vst.idx.add.f32.msk vm0, v2  }
0xd9: {  	v1 =	vld [tilespmem:$0x270];
	_ =	sdelay $0x4  }
0xda: {  	(xrf1) =	vunique.msk.u32 $0xffff, v1;
	_ =	sdelay $0xd  }
0xdb: {  	_, v2, vm0 =	vpop (xrf1);
	_ =	sdelay $0x3  }
0xdc: {  	v2 =	vcvt.s32.f32 v2;
	_ =	sdelay $0x1  }
0xdd: {  	[tilespmem:v1+s7+$0x0] =	vst.idx.add.f32.msk vm0, v2  }
0xde: {  	v1 =	vld [tilespmem:$0x280];
	_ =	sdelay $0x4  }
0xdf: {  	(xrf1) =	vunique.msk.u32 $0xffff, v1;
	_ =	sdelay $0xd  }
0xe0: {  	_, v2, vm0 =	vpop (xrf1);
	_ =	sdelay $0x3  }
0xe1: {  	v2 =	vcvt.s32.f32 v2;
	_ =	sdelay $0x1  }
0xe2: {  	[tilespmem:v1+s7+$0x0] =	vst.idx.add.f32.msk vm0, v2  }
0xe3: {  	v1 =	vld [tilespmem:$0x290];
	_ =	sdelay $0x4  }
0xe4: {  	(xrf1) =	vunique.msk.u32 $0xffff, v1;
	_ =	sdelay $0xd  }
0xe5: {  	_, v2, vm0 =	vpop (xrf1);
	_ =	sdelay $0x3  }
0xe6: {  	v2 =	vcvt.s32.f32 v2;
	_ =	sdelay $0x1  }
0xe7: {  	[tilespmem:v1+s7+$0x0] =	vst.idx.add.f32.msk vm0, v2  }
0xe8: {  	v1 =	vld [tilespmem:$0x2A0];
	_ =	sdelay $0x4  }
0xe9: {  	(xrf1) =	vunique.msk.u32 $0xffff, v1;
	_ =	sdelay $0xd  }
0xea: {  	_, v2, vm0 =	vpop (xrf1);
	_ =	sdelay $0x3  }
0xeb: {  	v2 =	vcvt.s32.f32 v2;
	_ =	sdelay $0x1  }
0xec: {  	[tilespmem:v1+s7+$0x0] =	vst.idx.add.f32.msk vm0, v2  }
0xed: {  	v1 =	vld [tilespmem:$0x2B0];
	_ =	sdelay $0x4  }
0xee: {  	(xrf1) =	vunique.msk.u32 $0xffff, v1;
	_ =	sdelay $0xd  }
0xef: {  	_, v2, vm0 =	vpop (xrf1);
	_ =	sdelay $0x3  }
0xf0: {  	v2 =	vcvt.s32.f32 v2;
	_ =	sdelay $0x1  }
0xf1: {  	[tilespmem:v1+s7+$0x0] =	vst.idx.add.f32.msk vm0, v2  }
0xf2: {  	v1 =	vld [tilespmem:$0x2C0];
	_ =	sdelay $0x4  }
0xf3: {  	(xrf1) =	vunique.msk.u32 $0xffff, v1;
	_ =	sdelay $0xd  }
0xf4: {  	_, v2, vm0 =	vpop (xrf1);
	_ =	sdelay $0x3  }
0xf5: {  	v2 =	vcvt.s32.f32 v2;
	_ =	sdelay $0x1  }
0xf6: {  	[tilespmem:v1+s7+$0x0] =	vst.idx.add.f32.msk vm0, v2  }
0xf7: {  	v1 =	vld [tilespmem:$0x2D0];
	_ =	sdelay $0x4  }
0xf8: {  	(xrf1) =	vunique.msk.u32 $0xffff, v1;
	_ =	sdelay $0xd  }
0xf9: {  	_, v2, vm0 =	vpop (xrf1);
	_ =	sdelay $0x3  }
0xfa: {  	v2 =	vcvt.s32.f32 v2;
	_ =	sdelay $0x1  }
0xfb: {  	[tilespmem:v1+s7+$0x0] =	vst.idx.add.f32.msk vm0, v2  }
0xfc: {  	v1 =	vld [tilespmem:$0x2E0];
	_ =	sdelay $0x4  }
0xfd: {  	(xrf1) =	vunique.msk.u32 $0xffff, v1;
	_ =	sdelay $0xd  }
0xfe: {  	_, v2, vm0 =	vpop (xrf1);
	_ =	sdelay $0x3  }
0xff: {  	v2 =	vcvt.s32.f32 v2;
	_ =	sdelay $0x1  }
0x100: {  	[tilespmem:v1+s7+$0x0] =	vst.idx.add.f32.msk vm0, v2  }
0x101: {  	v1 =	vld [tilespmem:$0x2F0];
	_ =	sdelay $0x4  }
0x102: {  	(xrf1) =	vunique.msk.u32 $0xffff, v1;
	_ =	sdelay $0xd  }
0x103: {  	_, v2, vm0 =	vpop (xrf1);
	_ =	sdelay $0x3  }
0x104: {  	v2 =	vcvt.s32.f32 v2;
	_ =	sdelay $0x1  }
0x105: {  	[tilespmem:v1+s7+$0x0] =	vst.idx.add.f32.msk vm0, v2  }
0x106: {  	v1 =	vld [tilespmem:$0x300];
	_ =	sdelay $0x4  }
0x107: {  	(xrf1) =	vunique.msk.u32 $0xffff, v1;
	_ =	sdelay $0xd  }
0x108: {  	_, v2, vm0 =	vpop (xrf1);
	_ =	sdelay $0x3  }
0x109: {  	v2 =	vcvt.s32.f32 v2;
	_ =	sdelay $0x1  }
0x10a: {  	[tilespmem:v1+s7+$0x0] =	vst.idx.add.f32.msk vm0, v2  }
0x10b: {  	v1 =	vld [tilespmem:$0x310];
	_ =	sdelay $0x4  }
0x10c: {  	(xrf1) =	vunique.msk.u32 $0xffff, v1;
	_ =	sdelay $0xd  }
0x10d: {  	_, v2, vm0 =	vpop (xrf1);
	_ =	sdelay $0x3  }
0x10e: {  	v2 =	vcvt.s32.f32 v2;
	_ =	sdelay $0x1  }
0x10f: {  	[tilespmem:v1+s7+$0x0] =	vst.idx.add.f32.msk vm0, v2  }
0x110: {  	v1 =	vld [tilespmem:$0x320];
	_ =	sdelay $0x4  }
0x111: {  	(xrf1) =	vunique.msk.u32 $0xffff, v1;
	_ =	sdelay $0xd  }
0x112: {  	_, v2, vm0 =	vpop (xrf1);
	_ =	sdelay $0x3  }
0x113: {  	v2 =	vcvt.s32.f32 v2;
	_ =	sdelay $0x1  }
0x114: {  	[tilespmem:v1+s7+$0x0] =	vst.idx.add.f32.msk vm0, v2  }
0x115: {  	v1 =	vld [tilespmem:$0x330];
	_ =	sdelay $0x4  }
0x116: {  	(xrf1) =	vunique.msk.u32 $0xffff, v1;
	_ =	sdelay $0xd  }
0x117: {  	_, v2, vm0 =	vpop (xrf1);
	_ =	sdelay $0x3  }
0x118: {  	v2 =	vcvt.s32.f32 v2;
	_ =	sdelay $0x1  }
0x119: {  	[tilespmem:v1+s7+$0x0] =	vst.idx.add.f32.msk vm0, v2  }
0x11a: {  	v1 =	vld [tilespmem:$0x340];
	_ =	sdelay $0x4  }
0x11b: {  	(xrf1) =	vunique.msk.u32 $0xffff, v1;
	_ =	sdelay $0xd  }
0x11c: {  	_, v2, vm0 =	vpop (xrf1);
	_ =	sdelay $0x3  }
0x11d: {  	v2 =	vcvt.s32.f32 v2;
	_ =	sdelay $0x1  }
0x11e: {  	[tilespmem:v1+s7+$0x0] =	vst.idx.add.f32.msk vm0, v2  }
0x11f: {  	v1 =	vld [tilespmem:$0x350];
	_ =	sdelay $0x4  }
0x120: {  	(xrf1) =	vunique.msk.u32 $0xffff, v1;
	_ =	sdelay $0xd  }
0x121: {  	_, v2, vm0 =	vpop (xrf1);
	_ =	sdelay $0x3  }
0x122: {  	v2 =	vcvt.s32.f32 v2;
	_ =	sdelay $0x1  }
0x123: {  	[tilespmem:v1+s7+$0x0] =	vst.idx.add.f32.msk vm0, v2  }
0x124: {  	v1 =	vld [tilespmem:$0x360];
	_ =	sdelay $0x4  }
0x125: {  	(xrf1) =	vunique.msk.u32 $0xffff, v1;
	_ =	sdelay $0xd  }
0x126: {  	_, v2, vm0 =	vpop (xrf1);
	_ =	sdelay $0x3  }
0x127: {  	v2 =	vcvt.s32.f32 v2;
	_ =	sdelay $0x1  }
0x128: {  	[tilespmem:v1+s7+$0x0] =	vst.idx.add.f32.msk vm0, v2  }
0x129: {  	v1 =	vld [tilespmem:$0x370];
	_ =	sdelay $0x4  }
0x12a: {  	(xrf1) =	vunique.msk.u32 $0xffff, v1;
	_ =	sdelay $0xd  }
0x12b: {  	_, v2, vm0 =	vpop (xrf1);
	_ =	sdelay $0x3  }
0x12c: {  	v2 =	vcvt.s32.f32 v2;
	_ =	sdelay $0x1  }
0x12d: {  	[tilespmem:v1+s7+$0x0] =	vst.idx.add.f32.msk vm0, v2  }
0x12e: {  	v1 =	vld [tilespmem:$0x380];
	_ =	sdelay $0x4  }
0x12f: {  	(xrf1) =	vunique.msk.u32 $0xffff, v1;
	_ =	sdelay $0xd  }
0x130: {  	_, v2, vm0 =	vpop (xrf1);
	_ =	sdelay $0x3  }
0x131: {  	v2 =	vcvt.s32.f32 v2;
	_ =	sdelay $0x1  }
0x132: {  	[tilespmem:v1+s7+$0x0] =	vst.idx.add.f32.msk vm0, v2  }
0x133: {  	v1 =	vld [tilespmem:$0x390];
	_ =	sdelay $0x4  }
0x134: {  	(xrf1) =	vunique.msk.u32 $0xffff, v1;
	_ =	sdelay $0xd  }
0x135: {  	_, v2, vm0 =	vpop (xrf1);
	_ =	sdelay $0x3  }
0x136: {  	v2 =	vcvt.s32.f32 v2;
	_ =	sdelay $0x1  }
0x137: {  	[tilespmem:v1+s7+$0x0] =	vst.idx.add.f32.msk vm0, v2  }
0x138: {  	v1 =	vld [tilespmem:$0x3A0];
	_ =	sdelay $0x4  }
0x139: {  	(xrf1) =	vunique.msk.u32 $0xffff, v1;
	_ =	sdelay $0xd  }
0x13a: {  	_, v2, vm0 =	vpop (xrf1);
	_ =	sdelay $0x3  }
0x13b: {  	v2 =	vcvt.s32.f32 v2;
	_ =	sdelay $0x1  }
0x13c: {  	[tilespmem:v1+s7+$0x0] =	vst.idx.add.f32.msk vm0, v2  }
0x13d: {  	v1 =	vld [tilespmem:$0x3B0];
	_ =	sdelay $0x4  }
0x13e: {  	(xrf1) =	vunique.msk.u32 $0xffff, v1;
	_ =	sdelay $0xd  }
0x13f: {  	_, v2, vm0 =	vpop (xrf1);
	_ =	sdelay $0x3  }
0x140: {  	v2 =	vcvt.s32.f32 v2;
	_ =	sdelay $0x1  }
0x141: {  	[tilespmem:v1+s7+$0x0] =	vst.idx.add.f32.msk vm0, v2  }
0x142: {  	v1 =	vld [tilespmem:$0x3C0];
	_ =	sdelay $0x4  }
0x143: {  	(xrf1) =	vunique.msk.u32 $0xffff, v1;
	_ =	sdelay $0xd  }
0x144: {  	_, v2, vm0 =	vpop (xrf1);
	_ =	sdelay $0x3  }
0x145: {  	v2 =	vcvt.s32.f32 v2;
	_ =	sdelay $0x1  }
0x146: {  	[tilespmem:v1+s7+$0x0] =	vst.idx.add.f32.msk vm0, v2  }
0x147: {  	v1 =	vld [tilespmem:$0x3D0];
	_ =	sdelay $0x4  }
0x148: {  	(xrf1) =	vunique.msk.u32 $0xffff, v1;
	_ =	sdelay $0xd  }
0x149: {  	_, v2, vm0 =	vpop (xrf1);
	_ =	sdelay $0x3  }
0x14a: {  	v2 =	vcvt.s32.f32 v2;
	_ =	sdelay $0x1  }
0x14b: {  	[tilespmem:v1+s7+$0x0] =	vst.idx.add.f32.msk vm0, v2  }
0x14c: {  	v1 =	vld [tilespmem:$0x3E0];
	_ =	sdelay $0x4  }
0x14d: {  	(xrf1) =	vunique.msk.u32 $0xffff, v1;
	_ =	sdelay $0xd  }
0x14e: {  	_, v2, vm0 =	vpop (xrf1);
	_ =	sdelay $0x3  }
0x14f: {  	v2 =	vcvt.s32.f32 v2;
	_ =	sdelay $0x1  }
0x150: {  	[tilespmem:v1+s7+$0x0] =	vst.idx.add.f32.msk vm0, v2  }
0x151: {  	v1 =	vld [tilespmem:$0x3F0];
	_ =	sdelay $0x4  }
0x152: {  	(xrf1) =	vunique.msk.u32 $0xffff, v1;
	_ =	sdelay $0xd  }
0x153: {  	_, v2, vm0 =	vpop (xrf1)  }
0x154: {  	p0 =	sne.s32 s9, $0x480  }
.Ltmp1:
0x155: {  	_ = 	snop;
	(pc) =	sbr.rel @p0 .LBB2_4-.Ltmp1, $3  }
0x156: {  	_ = 	snop  }
0x157: {  	v2 =	vcvt.s32.f32 v2;
	_ =	sdelay $0x1  }
0x158: {  	s9 =	sadd.s32 $0x80, s9;
	[tilespmem:v1+s7+$0x0] =	vst.idx.add.f32.msk vm0, v2  }
0x159: {  	s8 =	sadd.s32 $0x1, s8  }
0x15a: {  	p0 =	sne.s32 s8, s4  }
.Ltmp2:
0x15b: {  	_ = 	snop;
	(pc) =	sbr.rel @p0 .LBB2_1-.Ltmp2, $4  }
0x15c: {  	[hbm4b:s3+s2] =	stream.linear.scatter [tilespmem:s7], [sflag:$0x1], $0x2780, $0x38;
	[tilespmem:$0x2B80] =	vst v63  }
0x15d: {  	_ =	swait.ge [sflag:s6], $0x2780  }
0x15e: {  	[sflag:s6] =	ssyncset.done $0x0  }
0x15f: {  	[sflag:s6] =	ssyncadd.s32 $0xFFFFD880  }
0x160: {  	_ =	sfence.sel $0x180000  }
0x161: {  	[bflag:$0x0] =	sbarrier.arrive $0xFFFF  }
0x162: {  	p0 =	sne.s32 s0, $0x0;
	_ =	strace $0x90000047  }
0x163: {  	s0 =	sadd.s32 @!p0 $0x100000, s1;
	[bflag:$0x2] =	sbarrier.arrive $0xFFFF  }
0x164: {  	[sflag:s0] =	ssyncadd.tile.s32 @!p0 $0x1;
	_ =	shalt  }
.Lfunc_end2:
_tile_overlayer_lowered:
.L_overlay_start_2:
0x165: {  	(tag) =	ssettag $0x2  }
0x166: {  	s0 =	rddreg [dreg:$0x0];
	s2 =	stileid.u32  }
0x167: {  	s1 =	rddreg [dreg:$0x1];
	p0 =	sne.s32 s2, $0x0  }
0x168: {  	s3 =	rddreg [dreg:$0x2];
	[bflag:$0x3] =	sbarrier.arrive $0xFFFF;
	s2 =	simm.s32 @!p0 $0x1C01  }
0x169: {  	[timem:s3], [sflag:s2] =	dma.local @!p0 [hbm:s0], s1  }
0x16a: {  	s0 =	simm.s32 @!p0 $0x1  }
0x16b: {  	_ =	swait.ge @!p0 [sflag:s0], s1  }
0x16c: {  	s1 =	ssub.s32 @!p0 $0x0, s1;
	[sflag:s0] =	ssyncset.done @!p0 $0x0  }
0x16d: {  	[sflag:s0] =	ssyncadd.s32 @!p0 s1  }
0x16e: {  	[bflag:$0x3] =	sbarrier.arrive $0xFFFF  }
0x16f: {  	_ =	shalt  }

// kernel: kernel.9.cloned.1.call-start
scs
__scs_entry_jumppad:
0x0: {  	(pc) =	sbr.rel $0x88, $3  }
0x1: {  	(tag) =	ssettag $0x0;
	lr =	simm.s32 $0x1  }
0x2: {  	[smem:$0x3F97] =	sst lr;
	_ =	strace $0xD0000000  }
0x3: {  	_ = 	snop  }
0x4: {  	_ = 	snop  }
0x5: {  	_ = 	snop  }
0x6: {  	_ = 	snop  }
0x7: {  	_ = 	snop  }
__scs_overlays_trampoline_lowered:
0x8: {  	[smem:$0x3FA6] =	sst s0  }
0x9: {  	[smem:$0x3FA7] =	sst s1  }
0xa: {  	[smem:$0x3FA8] =	sst s2  }
0xb: {  	[smem:$0x3FA9] =	sst s3  }
0xc: {  	[smem:$0x3FAA] =	sst s4  }
0xd: {  	[smem:$0x3FAB] =	sst s5  }
0xe: {  	[smem:$0x3FAC] =	sst s6  }
0xf: {  	[smem:$0x3FAD] =	sst s7  }
0x10: {  	[smem:$0x3FAE] =	sst s8  }
0x11: {  	[smem:$0x3FAF] =	sst s9;
	s0 =	simm.s32 @!p0 $0x0  }
0x12: {  	s1 =	sld [smem:$0x3F95];
	s0 =	simm.s32 @p0 $0x1  }
0x13: {  	[smem:$0x3FB0] =	sst s0;
	s0 =	simm.s32 @!p1 $0x0  }
0x14: {  	s2 =	sld [smem:$0x3F94];
	s0 =	simm.s32 @p1 $0x1  }
0x15: {  	[smem:$0x3FB1] =	sst s0;
	s0 =	simm.s32 @!p2 $0x0  }
0x16: {  	s3 =	sld [smem:$0x3FDB];
	s0 =	simm.s32 @p2 $0x1  }
0x17: {  	s4 =	simm.s32 $0x1BF5;
	[smem:$0x3FB3] =	sst s0  }
0x18: {  	s0 =	sld [smem:$0x3F96];
	_ =	swait.ge [sflag:s4], $0x0  }
0x19: {  	s7 =	sld [smem:$0x3F97]  }
0x1a: {  	s8 =	sadd.s32 $0xFFFFE003, lr  }
0x1b: {  	s9 =	sadd.s32 $0xFFFFFEF7, lr;
	s5 =	simm.s32 $0xFFFFFFFF;
	p2 =	slt.u32 s8, $0xFFFFF086  }
0x1c: {  	p1 =	slt.u32 s9, $0xF7A;
	s5 =	simm.s32 @!p2 $0x0  }
0x1d: {  	s5 =	simm.s32 @p1 $0x1;
	p0 =	seq.s32 s7, s2  }
0x1e: {  	s7 =	smul.u32 @!p0 $0xF7A, s2;
	p2 =	seq.s32 @!p0 s5, $0x0  }
0x1f: {  	s9 =	smul.u32 $0xF7A, s1;
	s8 =	simm.s32 @!p0 $0x1BF5;
	p2 =	por !p2, p0  }
0x20: {  	[sflag:s8] =	ssyncset.s32 @!p0 $0xFFFFF086;
	s6 =	sadd.s32 @!p0 s3, s7;
	s7 =	simm.s32 @!p0 $0x108  }
0x21: {  	s3 =	sadd.s32 s3, s9;
	s6 =	sadd.s32 @!p0 $0x88, s6;
	s7 =	simm.s32 @p2 $0x1082  }
0x22: {  	[simem:s7], [sflag:s8] =	dma.local @!p0 [hbm:s6], $0xF7A  }
0x23: {  	s9 =	sor.u32 $0xD0000000, s2;
	s6 =	simm.s32 $0x108;
	_ =	swait.ge @!p0 [sflag:s8], $0x0  }
0x24: {  	s3 =	sadd.s32 $0x88, s3;
	s6 =	simm.s32 @!p1 $0x1082;
	[sflag:s4] =	ssyncset.s32 $0xFFFFF086  }
0x25: {  	[simem:s6], [sflag:s4] =	dma.local [hbm:s3], $0xF7A  }
0x26: {  	[smem:$0x3F97] =	sst s1;
	(tag) =	ssettag s2;
	_ =	strace s9  }
0x27: {  	s1 =	sld [smem:$0x3FA7]  }
0x28: {  	s2 =	sld [smem:$0x3FA8]  }
0x29: {  	s4 =	sld [smem:$0x3FAA]  }
0x2a: {  	p0 =	seq.s32 s5, $0x0;
	s5 =	sld [smem:$0x3FAB]  }
0x2b: {  	s6 =	sld [smem:$0x3FAC]  }
0x2c: {  	s7 =	sld [smem:$0x3FAD]  }
0x2d: {  	s3 =	simm.s32 $0x108;
	s8 =	sld [smem:$0x3FAE]  }
0x2e: {  	s3 =	simm.s32 @!p0 $0x1082;
	s9 =	sld [smem:$0x3FAF]  }
0x2f: {  	lr =	sadd.s32 s0, s3;
	s0 =	sld [smem:$0x3FA6]  }
0x30: {  	s3 =	sld [smem:$0x3FA9]  }
0x31: {  	[smem:$0x3FB2] =	sst s10  }
0x32: {  	s10 =	sld [smem:$0x3FB0];
	_ =	sdelay $0x3  }
0x33: {  	p0 =	seq.s32 s10, $0x1;
	s10 =	sld [smem:$0x3FB2];
	_ =	sdelay $0x3  }
0x34: {  	[smem:$0x3FB2] =	sst s10  }
0x35: {  	s10 =	sld [smem:$0x3FB1];
	_ =	sdelay $0x3  }
0x36: {  	p1 =	seq.s32 s10, $0x1;
	s10 =	sld [smem:$0x3FB2];
	_ =	sdelay $0x3  }
0x37: {  	[smem:$0x3FB2] =	sst s10  }
0x38: {  	s10 =	sld [smem:$0x3FB3]  }
0x39: {  	_ = 	snop;
	(pc) =	sbr.ind lr, $3  }
0x3a: {  	_ = 	snop  }
0x3b: {  	_ = 	snop  }
0x3c: {  	p2 =	seq.s32 s10, $0x1;
	s10 =	sld [smem:$0x3FB2]  }
0x3d: {  	_ =	shalt  }
0x3e: {  	_ =	shalt  }
0x3f: {  	_ =	shalt  }
0x40: {  	_ =	shalt  }
0x41: {  	_ =	shalt  }
0x42: {  	_ =	shalt  }
0x43: {  	_ =	shalt  }
0x44: {  	_ =	shalt  }
0x45: {  	_ =	shalt  }
0x46: {  	_ =	shalt  }
0x47: {  	_ =	shalt  }
0x48: {  	_ =	shalt  }
0x49: {  	_ =	shalt  }
0x4a: {  	_ =	shalt  }
0x4b: {  	_ =	shalt  }
0x4c: {  	_ =	shalt  }
0x4d: {  	_ =	shalt  }
0x4e: {  	_ =	shalt  }
0x4f: {  	_ =	shalt  }
0x50: {  	_ =	shalt  }
0x51: {  	_ =	shalt  }
0x52: {  	_ =	shalt  }
0x53: {  	_ =	shalt  }
0x54: {  	_ =	shalt  }
0x55: {  	_ =	shalt  }
0x56: {  	_ =	shalt  }
0x57: {  	_ =	shalt  }
0x58: {  	_ =	shalt  }
0x59: {  	_ =	shalt  }
0x5a: {  	_ =	shalt  }
0x5b: {  	_ =	shalt  }
0x5c: {  	_ =	shalt  }
0x5d: {  	_ =	shalt  }
0x5e: {  	_ =	shalt  }
0x5f: {  	_ =	shalt  }
0x60: {  	_ =	shalt  }
0x61: {  	_ =	shalt  }
0x62: {  	_ =	shalt  }
0x63: {  	_ =	shalt  }
0x64: {  	_ =	shalt  }
0x65: {  	_ =	shalt  }
0x66: {  	_ =	shalt  }
0x67: {  	_ =	shalt  }
0x68: {  	_ =	shalt  }
0x69: {  	_ =	shalt  }
0x6a: {  	_ =	shalt  }
0x6b: {  	_ =	shalt  }
0x6c: {  	_ =	shalt  }
0x6d: {  	_ =	shalt  }
0x6e: {  	_ =	shalt  }
0x6f: {  	_ =	shalt  }
0x70: {  	_ =	shalt  }
0x71: {  	_ =	shalt  }
0x72: {  	_ =	shalt  }
0x73: {  	_ =	shalt  }
0x74: {  	_ =	shalt  }
0x75: {  	_ =	shalt  }
0x76: {  	_ =	shalt  }
0x77: {  	_ =	shalt  }
0x78: {  	_ =	shalt  }
0x79: {  	_ =	shalt  }
0x7a: {  	_ =	shalt  }
0x7b: {  	_ =	shalt  }
0x7c: {  	_ =	shalt  }
0x7d: {  	_ =	shalt  }
0x7e: {  	_ =	shalt  }
0x7f: {  	_ =	shalt  }
0x80: {  	_ =	shalt  }
0x81: {  	_ =	shalt  }
0x82: {  	_ =	shalt  }
0x83: {  	_ =	shalt  }
0x84: {  	_ =	shalt  }
0x85: {  	_ =	shalt  }
0x86: {  	_ =	shalt  }
0x87: {  	_ =	shalt  }
.Lfunc_end0:
.L_simem_size_0:
called_computation.1_lowered:
.L_overlay_start_0:
0x88: {  	s2 =	sld [smem:$0x3FD9]  }
0x89: {  	s3 =	sld [smem:$0x3FFE];
	_ =	sdelay $0x1  }
0x8a: {  	s1 =	srdreg.scid  }
0x8b: {  	s0 =	sand.u32 $0x1, s1  }
0x8c: {  	s16 =	sshll.u32 s0, $0xA;
	s2 =	sadd.s32 s3, s2  }
0x8d: {  	s2 =	sadd.s32 s2, s16  }
0x8e: {  	[smem:$0x3FBE] =	sst s2  }
0x8f: {  	_ = 	snop  }
0x90: {  	(tm) =	ssettm $0x1  }
0x91: {  	s17 =	sld [smem:$0x3FFB];
	_ =	sdelay $0x3  }
0x92: {  	_ =	strace s17  }
0x93: {  	s2 =	sld [smem:$0x3FFC];
	_ =	sdelay $0x3  }
0x94: {  	_ =	strace s2  }
0x95: {  	s2 =	sld [smem:$0x3FFD];
	_ =	sdelay $0x3  }
0x96: {  	_ =	strace s2  }
0x97: {  	_ =	strace $0x8FFFFFFF  }
0x98: {  	s18 =	sld [smem:$0x3FDB];
	_ =	sdelay $0x1  }
0x99: {  	s19 =	simm.s32 $_scs_section_size  }
0x9a: {  	s4 =	simm.s32 $_size__tile_overlayer_lowered;
	s5 =	simm.s32 $_tile_overlayer_lowered  }
0x9b: {  	s22 =	simm.s32 $0x1BFF;
	s21 =	sshll.u32 s5, $0x1;
	s2 =	sadd.s32 s19, s18  }
0x9c: {  	s6 =	simm.s32 $0x0;
	s20 =	sshll.u32 s4, $0x1;
	s4 =	sadd.s32 s21, s2  }
0x9d: {  	[timem:s6], [sflag:s22] =	dma.local [hbm:s4], s20  }
0x9e: {  	_ =	swait.ge [sflag:s22], s20  }
0x9f: {  	s3 =	ssub.s32 $0x0, s20;
	[sflag:s22] =	ssyncset.done $0x0  }
0xa0: {  	[sflag:s22] =	ssyncadd.s32 s3;
	_ =	sdelay $0x1  }
0xa1: {  	s23 =	simm.s32 $0x1B8B  }
0xa2: {  	_ =	swait.ge [sflag:s23], $0x1  }
0xa3: {  	[sflag:s23] =	ssyncset.done $0x0  }
0xa4: {  	s25 =	simm.s32 $0x1B8E;
	s24 =	sld [smem:$0x3FFE];
	[sflag:s23] =	ssyncadd.s32 $0xFFFFFFFF  }
0xa5: {  	s26 =	simm.s32 $execute0_lowered;
	[smem:$0x3FD2] =	sst s25  }
0xa6: {  	s4 =	sshll.u32 s26, $0x1;
	_ =	strace $0x80000049;
	[dreg:$0x1] =	wrdreg $0xFFFFFFFF  }
0xa7: {  	s28 =	simm.s32 $_size_execute0_lowered;
	s2 =	sadd.s32 s2, s4;
	[dreg:$0x0] =	wrdreg $0x0  }
0xa8: {  	s4 =	sshll.u32 s28, $0x1;
	[dreg:$0x2] =	wrdreg s2  }
0xa9: {  	[dreg:$0x3] =	wrdreg s4  }
0xaa: {  	[dreg:$0x4] =	wrdreg $0xC0  }
0xab: {  	_ =	task [dreg:s6], $0x5FFFF  }
0xac: {  	[dreg:$0x1] =	wrdreg $0xFFFFFFFF  }
0xad: {  	[dreg:$0x0] =	wrdreg $0x60  }
0xae: {  	[dreg:$0x2] =	wrdreg s24  }
0xaf: {  	[dreg:$0x3] =	wrdreg $0x88000  }
0xb0: {  	[dreg:$0x4] =	wrdreg $0x9  }
0xb1: {  	_ =	task.clear_ibuf [dreg:s6], $0x5FFFF;
	_ =	strace $0x90000049  }
0xb2: {  	s29 =	simm.s32 $0x9;
	_ =	strace $0x8000004E  }
0xb3: {  	_ =	swait.ge [sflag:s29], $0x1  }
0xb4: {  	[sflag:s29] =	ssyncadd.s32 $0xFFFFFFFF  }
0xb5: {  	_ =	strace $0x9000004E  }
0xb6: {  	_ =	sfence  }
0xb7: {  	s30 =	sld [smem:$0x0];
	_ =	sdelay $0x2  }
0xb8: {  	s31 =	sshll.u32 s1, $0xD;
	s1 =	sshrl.u32 s1, $0x2  }
0xb9: {  	s3 =	sand.u32 $0x4000, s31;
	s1 =	sadd.s32 s1, s30  }
0xba: {  	s0 =	sor.u32 s3, s0;
	s1 =	sshll.u32 s1, $0x11  }
0xbb: {  	s0 =	sor.u32 s1, s0  }
0xbc: {  	s0 =	sadd.s32 $0x8F2B, s0  }
0xbd: {  	[sflag:s0] =	ssyncadd.remote.s32 $0x1  }
0xbe: {  	_ =	sfence.sel $0xFFFF  }
0xbf: {  	[dreg:$0x0] =	wrdreg $0xFFFFFFFF;
	(pc) =	sbr.abs _section_cstart, $3  }
0xc0: {  	[dreg:$0x1] =	wrdreg $0xFFFFFFFF  }
0xc1: {  	_ =	task.clear_ibuf [dreg:s6], $0x2FFFF;
	_ =	strace $0x9FFFFFFF  }
0xc2: {  	(tm) =	ssettm $0x7FFFFFFF  }
0xc3: {  	_ =	shalt  }
tec
execute0_lowered:
.L_overlay_start_1:
0x0: {  	(tag) =	ssettag $0x1  }
0x1: {  	s0 =	rddreg [dreg:$0x0]  }
0x2: {  	s2 =	rddreg [dreg:$0x1]  }
0x3: {  	s8 =	stileid.u32;
	s1 =	srdreg.scid  }
0x4: {  	s3 =	simm.s32 $0x0;
	s14 =	simm.s32 $0x800;
	s15 =	simm.s32 $0x3  }
0x5: {  	s16 =	simm.s32 $0x400;
	s17 =	simm.s32 $0x80;
	s18 =	simm.s32 $0x4800  }
0x6: {  	s28 =	simm.s32 $0x280;
	s29 =	simm.s32 $0x600;
	s4 =	smul.u32 $0x50, s8  }
0x7: {  	s30 =	simm.s32 $0x300;
	s31 =	simm.s32 $0x680;
	s6 =	smul.u32 $0x2780, s8  }
0x8: {  	s1 =	sand.u32 $0x1, s1;
	[smem:$0x7FF] =	sst s3;
	s8 =	smul.u32 $0x4F000, s8  }
0x9: {  	p0 =	seq.s32 s1, $0x0;
	s7 =	smul.u32 $0x27800, s1;
	_ =	strace $0x8000004A  }
0xa: {  	s1 =	ssub.s32 $0x2, s1;
	s5 =	sadd.s32 $0x500, s4;
	s20 =	sshrl.u32 s8, $0x2  }
0xb: {  	s21 =	sshrl.u32 s1, $0x1;
	s5 =	smov.u32 @p0 s4;
	s4 =	sadd.s32 $0x17400, s0  }
0xc: {  	s19 =	sadd.s32 s6, s7;
	s10 =	sadd.s32 s20, s2;
	s1 =	ssub.s32 s1, s21  }
0xd: {  	s20 =	simm.s32 $0x100;
	s21 =	simm.s32 $0x2;
	s6 =	simm.s32 $0x780  }
0xe: {  	s7 =	simm.s32 $0x0;
	s22 =	sadd.s32 $0x4000, s10;
	[dreg:$0x3] =	wrdreg s10  }
0xf: {  	s5 =	sshll.u32 s5, $0x4;
	s23 =	sadd.s32 $0x8000, s10;
	[dreg:$0x4] =	wrdreg s22  }
0x10: {  	s24 =	sadd.s32 $0xC000, s10;
	s25 =	sadd.s32 $0x10000, s10;
	[dreg:$0x5] =	wrdreg s23  }
0x11: {  	s26 =	smax.u32 s1, $0x1;
	s1 =	simm.s32 $0x380;
	[dreg:$0x6] =	wrdreg s24  }
0x12: {  	s9 =	sadd.s32 s5, s0;
	s0 =	sadd.s32 s19, s0;
	[dreg:$0x7] =	wrdreg s25  }
0x13: {  	[dreg:$0x9] =	wrdreg s26;
	s19 =	simm.s32 $0x1;
	s22 =	simm.s32 $0x480  }
0x14: {  	s23 =	simm.s32 $0x180;
	s24 =	simm.s32 $0x500;
	s25 =	simm.s32 $0x200  }
0x15: {  	s26 =	simm.s32 $0x580;
	s0 =	sadd.s32 $0x3E600, s0;
	s12 =	sadd.s32 $0x3400, s9  }
0x16: {  	v0 =	vimm.f32 $0.0e+00;
	s13 =	sadd.s32 $0xD400, s9;
	[dreg:$0x8] =	wrdreg s0;
	s0 =	simm.s32 $0x700  }
.LBB2_1:
0x17: {  	_ =	strace $0x8000004B;
	s8 =	simm.s32 $0x0;
	s9 =	simm.s32 $0x200  }
.LBB2_2:
0x18: {  	p0 =	sne.s32 s9, $0xFE00;
	[tilespmem:s8+$0x870] =	vst v0  }
0x19: {  	[tilespmem:s8+$0x800] =	vst v0  }
0x1a: {  	[tilespmem:s8+$0x810] =	vst v0  }
.Ltmp0:
0x1b: {  	[tilespmem:s8+$0x820] =	vst v0;
	(pc) =	sbr.rel @p0 .LBB2_2-.Ltmp0, $4  }
0x1c: {  	[tilespmem:s8+$0x830] =	vst v0  }
0x1d: {  	[tilespmem:s8+$0x840] =	vst v0  }
0x1e: {  	[tilespmem:s8+$0x850] =	vst v0  }
0x1f: {  	[tilespmem:s8+$0x860] =	vst v0;
	s8 =	sshra.s32 s9, $0x2;
	s9 =	sadd.s32 $0x200, s9  }
0x20: {  	[tilespmem:s8+$0x870] =	vst v0  }
0x21: {  	[tilespmem:s8+$0x800] =	vst v0  }
0x22: {  	[tilespmem:s8+$0x810] =	vst v0  }
0x23: {  	[tilespmem:s8+$0x820] =	vst v0  }
0x24: {  	[tilespmem:s8+$0x830] =	vst v0  }
0x25: {  	[tilespmem:s8+$0x840] =	vst v0  }
0x26: {  	[tilespmem:s8+$0x850] =	vst v0  }
0x27: {  	[tilespmem:s8+$0x860] =	vst v0  }
0x28: {  	[spmem:s10] =	stream.linear.scatter [tilespmem:s14], [sflag:$0x3], $0x4000, $0x200038;
	[tilespmem:$0x1C400] =	vst v63  }
0x29: {  	_ =	swait.ge [sflag:s15], $0x4000  }
0x2a: {  	[sflag:s15] =	ssyncset.done $0x0  }
0x2b: {  	s5 =	rddreg [dreg:$0x4];
	[sflag:s15] =	ssyncadd.s32 $0xFFFFC000  }
0x2c: {  	[spmem:s5] =	stream.linear.scatter [tilespmem:s14], [sflag:$0x3], $0x4000, $0x200038;
	[tilespmem:$0x1C400] =	vst v63  }
0x2d: {  	_ =	swait.ge [sflag:s15], $0x4000  }
0x2e: {  	[sflag:s15] =	ssyncset.done $0x0  }
0x2f: {  	s11 =	rddreg [dreg:$0x5];
	[sflag:s15] =	ssyncadd.s32 $0xFFFFC000  }
0x30: {  	[spmem:s11] =	stream.linear.scatter [tilespmem:s14], [sflag:$0x3], $0x4000, $0x200038;
	[tilespmem:$0x1C400] =	vst v63  }
0x31: {  	_ =	swait.ge [sflag:s15], $0x4000  }
0x32: {  	[sflag:s15] =	ssyncset.done $0x0  }
0x33: {  	s8 =	rddreg [dreg:$0x6];
	[sflag:s15] =	ssyncadd.s32 $0xFFFFC000  }
0x34: {  	[spmem:s8] =	stream.linear.scatter [tilespmem:s14], [sflag:$0x3], $0x4000, $0x200038;
	[tilespmem:$0x1C400] =	vst v63  }
0x35: {  	_ =	swait.ge [sflag:s15], $0x4000  }
0x36: {  	[sflag:s15] =	ssyncset.done $0x0  }
0x37: {  	s9 =	rddreg [dreg:$0x7];
	[sflag:s15] =	ssyncadd.s32 $0xFFFFC000  }
0x38: {  	[spmem:s9] =	stream.linear.scatter [tilespmem:s14], [sflag:$0x3], $0x3C00, $0x200038;
	[tilespmem:$0x1C400] =	vst v63  }
0x39: {  	_ =	swait.ge [sflag:s15], $0x3C00  }
0x3a: {  	[sflag:s15] =	ssyncset.done $0x0  }
0x3b: {  	[sflag:s15] =	ssyncadd.s32 $0xFFFFC400  }
0x3c: {  	_ =	strace $0x9000004B  }
0x3d: {  	[bflag:$0x0] =	sbarrier.arrive $0xFFFF  }
0x3e: {  	s10 =	sadd.s32 $0x0, s13;
	_ =	strace $0x8000004C  }
0x3f: {  	[tilespmem:s3], [sflag:$0x3] =	stream.linear.gather [hbm4b:s10+s3], $0x400, $0x200038;
	[tilespmem:$0x1C400] =	vst v63  }
0x40: {  	_ =	swait.ge [sflag:s15], $0x400  }
0x41: {  	[sflag:s15] =	ssyncset.done $0x0  }
0x42: {  	s11 =	sadd.s32 $0x0, s12;
	[sflag:s15] =	ssyncadd.s32 $0xFFFFFC00  }
0x43: {  	[tilespmem:s16], [sflag:$0x3] =	stream.linear.gather [hbm4b:s11+s3], $0x400, $0x200038;
	[tilespmem:$0x1C400] =	vst v63  }
0x44: {  	_ =	swait.ge [sflag:s15], $0x400  }
0x45: {  	[sflag:s15] =	ssyncset.done $0x0  }
0x46: {  	[sflag:s15] =	ssyncadd.s32 $0xFFFFFC00  }
0x47: {  	[tilespmem:s14], [sflag:$0x1] =	stream.indirect.gather [hbm4b:s4+s17], $0x80, s3, s17, $0x2000b8;
	[tilespmem:$0x1C400] =	vst v63  }
0x48: {  	_ = 	snop  }
0x49: {  	[tilespmem:s18], [sflag:$0x2] =	stream.indirect.gather [hbm4b:s4+s17], $0x80, s17, s17, $0x2000b8;
	[tilespmem:$0x1C400] =	vst v63  }
0x4a: {  	_ =	swait.ge [sflag:s19], $0x4000  }
0x4b: {  	[sflag:s19] =	ssyncset.done $0x0  }
0x4c: {  	[sflag:s19] =	ssyncadd.s32 $0xFFFFC000  }
0x4d: {  	[spmem:s2] =	stream.indirect.scatter.add.f32 [tilespmem:s14], [sflag:$0x3], $0x80, s16, s17, $0x2000b8;
	[tilespmem:$0x1C400] =	vst v63  }
0x4e: {  	_ =	swait.ge [sflag:s15], $0x4000  }
0x4f: {  	[sflag:s15] =	ssyncset.done $0x0  }
0x50: {  	[sflag:s15] =	ssyncadd.s32 $0xFFFFC000  }
0x51: {  	[tilespmem:s14], [sflag:$0x1] =	stream.indirect.gather [hbm4b:s4+s17], $0x80, s20, s17, $0x2000b8;
	[tilespmem:$0x1C400] =	vst v63  }
0x52: {  	_ =	swait.ge [sflag:s21], $0x4000  }
0x53: {  	[sflag:s21] =	ssyncset.done $0x0  }
0x54: {  	[sflag:s21] =	ssyncadd.s32 $0xFFFFC000  }
0x55: {  	[spmem:s2] =	stream.indirect.scatter.add.f32 [tilespmem:s18], [sflag:$0x3], $0x80, s22, s17, $0x2000b8;
	[tilespmem:$0x1C400] =	vst v63  }
0x56: {  	_ =	swait.ge [sflag:s15], $0x4000  }
0x57: {  	[sflag:s15] =	ssyncset.done $0x0  }
0x58: {  	[sflag:s15] =	ssyncadd.s32 $0xFFFFC000  }
0x59: {  	[tilespmem:s18], [sflag:$0x2] =	stream.indirect.gather [hbm4b:s4+s17], $0x80, s23, s17, $0x2000b8;
	[tilespmem:$0x1C400] =	vst v63  }
0x5a: {  	_ =	swait.ge [sflag:s19], $0x4000  }
0x5b: {  	[sflag:s19] =	ssyncset.done $0x0  }
0x5c: {  	[sflag:s19] =	ssyncadd.s32 $0xFFFFC000  }
0x5d: {  	[spmem:s2] =	stream.indirect.scatter.add.f32 [tilespmem:s14], [sflag:$0x3], $0x80, s24, s17, $0x2000b8;
	[tilespmem:$0x1C400] =	vst v63  }
0x5e: {  	_ =	swait.ge [sflag:s15], $0x4000  }
0x5f: {  	[sflag:s15] =	ssyncset.done $0x0  }
0x60: {  	[sflag:s15] =	ssyncadd.s32 $0xFFFFC000  }
0x61: {  	[tilespmem:s14], [sflag:$0x1] =	stream.indirect.gather [hbm4b:s4+s17], $0x80, s25, s17, $0x2000b8;
	[tilespmem:$0x1C400] =	vst v63  }
0x62: {  	_ =	swait.ge [sflag:s21], $0x4000  }
0x63: {  	[sflag:s21] =	ssyncset.done $0x0  }
0x64: {  	[sflag:s21] =	ssyncadd.s32 $0xFFFFC000  }
0x65: {  	[spmem:s2] =	stream.indirect.scatter.add.f32 [tilespmem:s18], [sflag:$0x3], $0x80, s26, s17, $0x2000b8;
	[tilespmem:$0x1C400] =	vst v63  }
0x66: {  	_ =	swait.ge [sflag:s15], $0x4000  }
0x67: {  	[sflag:s15] =	ssyncset.done $0x0  }
0x68: {  	[sflag:s15] =	ssyncadd.s32 $0xFFFFC000  }
0x69: {  	[tilespmem:s18], [sflag:$0x2] =	stream.indirect.gather [hbm4b:s4+s17], $0x80, s28, s17, $0x2000b8;
	[tilespmem:$0x1C400] =	vst v63  }
0x6a: {  	_ =	swait.ge [sflag:s19], $0x4000  }
0x6b: {  	[sflag:s19] =	ssyncset.done $0x0  }
0x6c: {  	[sflag:s19] =	ssyncadd.s32 $0xFFFFC000  }
0x6d: {  	[spmem:s2] =	stream.indirect.scatter.add.f32 [tilespmem:s14], [sflag:$0x3], $0x80, s29, s17, $0x2000b8;
	[tilespmem:$0x1C400] =	vst v63  }
0x6e: {  	_ =	swait.ge [sflag:s15], $0x4000  }
0x6f: {  	[sflag:s15] =	ssyncset.done $0x0  }
0x70: {  	[sflag:s15] =	ssyncadd.s32 $0xFFFFC000  }
0x71: {  	[tilespmem:s14], [sflag:$0x1] =	stream.indirect.gather [hbm4b:s4+s17], $0x80, s30, s17, $0x2000b8;
	[tilespmem:$0x1C400] =	vst v63  }
0x72: {  	_ =	swait.ge [sflag:s21], $0x4000  }
0x73: {  	[sflag:s21] =	ssyncset.done $0x0  }
0x74: {  	[sflag:s21] =	ssyncadd.s32 $0xFFFFC000  }
0x75: {  	[spmem:s2] =	stream.indirect.scatter.add.f32 [tilespmem:s18], [sflag:$0x3], $0x80, s31, s17, $0x2000b8;
	[tilespmem:$0x1C400] =	vst v63  }
0x76: {  	_ =	swait.ge [sflag:s15], $0x4000  }
0x77: {  	[sflag:s15] =	ssyncset.done $0x0  }
0x78: {  	[sflag:s15] =	ssyncadd.s32 $0xFFFFC000  }
0x79: {  	[tilespmem:s18], [sflag:$0x2] =	stream.indirect.gather [hbm4b:s4+s17], $0x80, s1, s17, $0x2000b8;
	[tilespmem:$0x1C400] =	vst v63  }
0x7a: {  	_ =	swait.ge [sflag:s19], $0x4000  }
0x7b: {  	[sflag:s19] =	ssyncset.done $0x0  }
0x7c: {  	[sflag:s19] =	ssyncadd.s32 $0xFFFFC000  }
0x7d: {  	[spmem:s2] =	stream.indirect.scatter.add.f32 [tilespmem:s14], [sflag:$0x3], $0x80, s0, s17, $0x2000b8;
	[tilespmem:$0x1C400] =	vst v63  }
0x7e: {  	_ =	swait.ge [sflag:s15], $0x4000  }
0x7f: {  	[sflag:s15] =	ssyncset.done $0x0  }
0x80: {  	[sflag:s15] =	ssyncadd.s32 $0xFFFFC000  }
0x81: {  	_ =	swait.ge [sflag:s21], $0x4000  }
0x82: {  	[sflag:s21] =	ssyncset.done $0x0  }
0x83: {  	[sflag:s21] =	ssyncadd.s32 $0xFFFFC000  }
0x84: {  	[spmem:s2] =	stream.indirect.scatter.add.f32 [tilespmem:s18], [sflag:$0x3], $0x80, s6, s17, $0x2000b8;
	[tilespmem:$0x1C400] =	vst v63  }
0x85: {  	_ =	swait.ge [sflag:s15], $0x4000  }
0x86: {  	s8 =	simm.s32 $0x80;
	s9 =	simm.s32 $0x100;
	[sflag:s15] =	ssyncset.done $0x0  }
.LBB2_4:
0x87: {  	s11 =	sadd.s32 s8, s13  }
0x88: {  	[sflag:s15] =	ssyncadd.s32 $0xFFFFC000;
	s5 =	smov.u32 s9;
	s10 =	sadd.s32 $0x80, s9  }
0x89: {  	[tilespmem:s3], [sflag:$0x3] =	stream.linear.gather [hbm4b:s11+s3], $0x400, $0x200038;
	[tilespmem:$0x1C400] =	vst v63  }
0x8a: {  	p0 =	sne.s32 s9, $0x480;
	_ =	swait.ge [sflag:s15], $0x400  }
0x8b: {  	[sflag:s15] =	ssyncset.done $0x0  }
0x8c: {  	s9 =	sadd.s32 s8, s12;
	s8 =	smov.u32 s5;
	[sflag:s15] =	ssyncadd.s32 $0xFFFFFC00  }
0x8d: {  	[tilespmem:s16], [sflag:$0x3] =	stream.linear.gather [hbm4b:s9+s3], $0x400, $0x200038;
	[tilespmem:$0x1C400] =	vst v63  }
0x8e: {  	_ =	swait.ge [sflag:s15], $0x400  }
0x8f: {  	[sflag:s15] =	ssyncset.done $0x0  }
0x90: {  	[sflag:s15] =	ssyncadd.s32 $0xFFFFFC00  }
0x91: {  	[tilespmem:s14], [sflag:$0x1] =	stream.indirect.gather [hbm4b:s4+s17], $0x80, s3, s17, $0x2000b8;
	[tilespmem:$0x1C400] =	vst v63  }
0x92: {  	_ = 	snop  }
0x93: {  	[tilespmem:s18], [sflag:$0x2] =	stream.indirect.gather [hbm4b:s4+s17], $0x80, s17, s17, $0x2000b8;
	[tilespmem:$0x1C400] =	vst v63  }
0x94: {  	_ =	swait.ge [sflag:s19], $0x4000  }
0x95: {  	[sflag:s19] =	ssyncset.done $0x0  }
0x96: {  	[sflag:s19] =	ssyncadd.s32 $0xFFFFC000  }
0x97: {  	[spmem:s2] =	stream.indirect.scatter.add.f32 [tilespmem:s14], [sflag:$0x3], $0x80, s16, s17, $0x2000b8;
	[tilespmem:$0x1C400] =	vst v63  }
0x98: {  	_ =	swait.ge [sflag:s15], $0x4000  }
0x99: {  	[sflag:s15] =	ssyncset.done $0x0  }
0x9a: {  	[sflag:s15] =	ssyncadd.s32 $0xFFFFC000  }
0x9b: {  	[tilespmem:s14], [sflag:$0x1] =	stream.indirect.gather [hbm4b:s4+s17], $0x80, s20, s17, $0x2000b8;
	[tilespmem:$0x1C400] =	vst v63  }
0x9c: {  	_ =	swait.ge [sflag:s21], $0x4000  }
0x9d: {  	[sflag:s21] =	ssyncset.done $0x0  }
0x9e: {  	[sflag:s21] =	ssyncadd.s32 $0xFFFFC000  }
0x9f: {  	[spmem:s2] =	stream.indirect.scatter.add.f32 [tilespmem:s18], [sflag:$0x3], $0x80, s22, s17, $0x2000b8;
	[tilespmem:$0x1C400] =	vst v63  }
0xa0: {  	_ =	swait.ge [sflag:s15], $0x4000  }
0xa1: {  	[sflag:s15] =	ssyncset.done $0x0  }
0xa2: {  	[sflag:s15] =	ssyncadd.s32 $0xFFFFC000  }
0xa3: {  	[tilespmem:s18], [sflag:$0x2] =	stream.indirect.gather [hbm4b:s4+s17], $0x80, s23, s17, $0x2000b8;
	[tilespmem:$0x1C400] =	vst v63  }
0xa4: {  	_ =	swait.ge [sflag:s19], $0x4000  }
0xa5: {  	[sflag:s19] =	ssyncset.done $0x0  }
0xa6: {  	[sflag:s19] =	ssyncadd.s32 $0xFFFFC000  }
0xa7: {  	[spmem:s2] =	stream.indirect.scatter.add.f32 [tilespmem:s14], [sflag:$0x3], $0x80, s24, s17, $0x2000b8;
	[tilespmem:$0x1C400] =	vst v63  }
0xa8: {  	_ =	swait.ge [sflag:s15], $0x4000  }
0xa9: {  	[sflag:s15] =	ssyncset.done $0x0  }
0xaa: {  	[sflag:s15] =	ssyncadd.s32 $0xFFFFC000  }
0xab: {  	[tilespmem:s14], [sflag:$0x1] =	stream.indirect.gather [hbm4b:s4+s17], $0x80, s25, s17, $0x2000b8;
	[tilespmem:$0x1C400] =	vst v63  }
0xac: {  	_ =	swait.ge [sflag:s21], $0x4000  }
0xad: {  	[sflag:s21] =	ssyncset.done $0x0  }
0xae: {  	[sflag:s21] =	ssyncadd.s32 $0xFFFFC000  }
0xaf: {  	[spmem:s2] =	stream.indirect.scatter.add.f32 [tilespmem:s18], [sflag:$0x3], $0x80, s26, s17, $0x2000b8;
	[tilespmem:$0x1C400] =	vst v63  }
0xb0: {  	_ =	swait.ge [sflag:s15], $0x4000  }
0xb1: {  	[sflag:s15] =	ssyncset.done $0x0  }
0xb2: {  	[sflag:s15] =	ssyncadd.s32 $0xFFFFC000  }
0xb3: {  	[tilespmem:s18], [sflag:$0x2] =	stream.indirect.gather [hbm4b:s4+s17], $0x80, s28, s17, $0x2000b8;
	[tilespmem:$0x1C400] =	vst v63  }
0xb4: {  	_ =	swait.ge [sflag:s19], $0x4000  }
0xb5: {  	[sflag:s19] =	ssyncset.done $0x0  }
0xb6: {  	[sflag:s19] =	ssyncadd.s32 $0xFFFFC000  }
0xb7: {  	[spmem:s2] =	stream.indirect.scatter.add.f32 [tilespmem:s14], [sflag:$0x3], $0x80, s29, s17, $0x2000b8;
	[tilespmem:$0x1C400] =	vst v63  }
0xb8: {  	_ =	swait.ge [sflag:s15], $0x4000  }
0xb9: {  	[sflag:s15] =	ssyncset.done $0x0  }
0xba: {  	[sflag:s15] =	ssyncadd.s32 $0xFFFFC000  }
0xbb: {  	[tilespmem:s14], [sflag:$0x1] =	stream.indirect.gather [hbm4b:s4+s17], $0x80, s30, s17, $0x2000b8;
	[tilespmem:$0x1C400] =	vst v63  }
0xbc: {  	_ =	swait.ge [sflag:s21], $0x4000  }
0xbd: {  	[sflag:s21] =	ssyncset.done $0x0  }
0xbe: {  	[sflag:s21] =	ssyncadd.s32 $0xFFFFC000  }
0xbf: {  	[spmem:s2] =	stream.indirect.scatter.add.f32 [tilespmem:s18], [sflag:$0x3], $0x80, s31, s17, $0x2000b8;
	[tilespmem:$0x1C400] =	vst v63  }
0xc0: {  	_ =	swait.ge [sflag:s15], $0x4000  }
0xc1: {  	[sflag:s15] =	ssyncset.done $0x0  }
0xc2: {  	[sflag:s15] =	ssyncadd.s32 $0xFFFFC000  }
0xc3: {  	[tilespmem:s18], [sflag:$0x2] =	stream.indirect.gather [hbm4b:s4+s17], $0x80, s1, s17, $0x2000b8;
	[tilespmem:$0x1C400] =	vst v63  }
0xc4: {  	_ =	swait.ge [sflag:s19], $0x4000  }
0xc5: {  	[sflag:s19] =	ssyncset.done $0x0  }
0xc6: {  	[sflag:s19] =	ssyncadd.s32 $0xFFFFC000  }
0xc7: {  	[spmem:s2] =	stream.indirect.scatter.add.f32 [tilespmem:s14], [sflag:$0x3], $0x80, s0, s17, $0x2000b8;
	[tilespmem:$0x1C400] =	vst v63  }
0xc8: {  	_ =	swait.ge [sflag:s15], $0x4000  }
0xc9: {  	[sflag:s15] =	ssyncset.done $0x0  }
0xca: {  	[sflag:s15] =	ssyncadd.s32 $0xFFFFC000  }
0xcb: {  	_ =	swait.ge [sflag:s21], $0x4000  }
.Ltmp1:
0xcc: {  	[sflag:s21] =	ssyncset.done $0x0;
	(pc) =	sbr.rel @p0 .LBB2_4-.Ltmp1, $4  }
0xcd: {  	[sflag:s21] =	ssyncadd.s32 $0xFFFFC000  }
0xce: {  	[spmem:s2] =	stream.indirect.scatter.add.f32 [tilespmem:s18], [sflag:$0x3], $0x80, s6, s17, $0x2000b8;
	[tilespmem:$0x1C400] =	vst v63  }
0xcf: {  	_ =	swait.ge [sflag:s15], $0x4000  }
0xd0: {  	s9 =	smov.u32 s10;
	[sflag:s15] =	ssyncset.done $0x0  }
0xd1: {  	s5 =	sadd.s32 s8, s13;
	[sflag:s15] =	ssyncadd.s32 $0xFFFFC000  }
0xd2: {  	[tilespmem:s3], [sflag:$0x3] =	stream.linear.gather [hbm4b:s5+s3], $0x400, $0x200038;
	[tilespmem:$0x1C400] =	vst v63  }
0xd3: {  	_ =	swait.ge [sflag:s15], $0x400  }
0xd4: {  	[sflag:s15] =	ssyncset.done $0x0  }
0xd5: {  	s9 =	sadd.s32 s8, s12;
	[sflag:s15] =	ssyncadd.s32 $0xFFFFFC00  }
0xd6: {  	[tilespmem:s16], [sflag:$0x3] =	stream.linear.gather [hbm4b:s9+s3], $0x400, $0x200038;
	[tilespmem:$0x1C400] =	vst v63  }
0xd7: {  	_ =	swait.ge [sflag:s15], $0x400  }
0xd8: {  	[sflag:s15] =	ssyncset.done $0x0  }
0xd9: {  	[sflag:s15] =	ssyncadd.s32 $0xFFFFFC00  }
0xda: {  	[tilespmem:s14], [sflag:$0x1] =	stream.indirect.gather [hbm4b:s4+s17], $0x80, s3, s17, $0x2000b8;
	[tilespmem:$0x1C400] =	vst v63  }
0xdb: {  	_ = 	snop  }
0xdc: {  	[tilespmem:s18], [sflag:$0x2] =	stream.indirect.gather [hbm4b:s4+s17], $0x80, s17, s17, $0x2000b8;
	[tilespmem:$0x1C400] =	vst v63  }
0xdd: {  	_ =	swait.ge [sflag:s19], $0x4000  }
0xde: {  	[sflag:s19] =	ssyncset.done $0x0  }
0xdf: {  	[sflag:s19] =	ssyncadd.s32 $0xFFFFC000  }
0xe0: {  	[spmem:s2] =	stream.indirect.scatter.add.f32 [tilespmem:s14], [sflag:$0x3], $0x80, s16, s17, $0x2000b8;
	[tilespmem:$0x1C400] =	vst v63  }
0xe1: {  	_ =	swait.ge [sflag:s15], $0x4000  }
0xe2: {  	[sflag:s15] =	ssyncset.done $0x0  }
0xe3: {  	[sflag:s15] =	ssyncadd.s32 $0xFFFFC000  }
0xe4: {  	[tilespmem:s14], [sflag:$0x1] =	stream.indirect.gather [hbm4b:s4+s17], $0x80, s20, s17, $0x2000b8;
	[tilespmem:$0x1C400] =	vst v63  }
0xe5: {  	_ =	swait.ge [sflag:s21], $0x4000  }
0xe6: {  	[sflag:s21] =	ssyncset.done $0x0  }
0xe7: {  	[sflag:s21] =	ssyncadd.s32 $0xFFFFC000  }
0xe8: {  	[spmem:s2] =	stream.indirect.scatter.add.f32 [tilespmem:s18], [sflag:$0x3], $0x80, s22, s17, $0x2000b8;
	[tilespmem:$0x1C400] =	vst v63  }
0xe9: {  	_ =	swait.ge [sflag:s15], $0x4000  }
0xea: {  	[sflag:s15] =	ssyncset.done $0x0  }
0xeb: {  	[sflag:s15] =	ssyncadd.s32 $0xFFFFC000  }
0xec: {  	[tilespmem:s18], [sflag:$0x2] =	stream.indirect.gather [hbm4b:s4+s17], $0x80, s23, s17, $0x2000b8;
	[tilespmem:$0x1C400] =	vst v63  }
0xed: {  	_ =	swait.ge [sflag:s19], $0x4000  }
0xee: {  	[sflag:s19] =	ssyncset.done $0x0  }
0xef: {  	[sflag:s19] =	ssyncadd.s32 $0xFFFFC000  }
0xf0: {  	[spmem:s2] =	stream.indirect.scatter.add.f32 [tilespmem:s14], [sflag:$0x3], $0x80, s24, s17, $0x2000b8;
	[tilespmem:$0x1C400] =	vst v63  }
0xf1: {  	_ =	swait.ge [sflag:s15], $0x4000  }
0xf2: {  	[sflag:s15] =	ssyncset.done $0x0  }
0xf3: {  	[sflag:s15] =	ssyncadd.s32 $0xFFFFC000  }
0xf4: {  	[tilespmem:s14], [sflag:$0x1] =	stream.indirect.gather [hbm4b:s4+s17], $0x80, s25, s17, $0x2000b8;
	[tilespmem:$0x1C400] =	vst v63  }
0xf5: {  	_ =	swait.ge [sflag:s21], $0x4000  }
0xf6: {  	[sflag:s21] =	ssyncset.done $0x0  }
0xf7: {  	[sflag:s21] =	ssyncadd.s32 $0xFFFFC000  }
0xf8: {  	[spmem:s2] =	stream.indirect.scatter.add.f32 [tilespmem:s18], [sflag:$0x3], $0x80, s26, s17, $0x2000b8;
	[tilespmem:$0x1C400] =	vst v63  }
0xf9: {  	_ =	swait.ge [sflag:s15], $0x4000  }
0xfa: {  	[sflag:s15] =	ssyncset.done $0x0  }
0xfb: {  	[sflag:s15] =	ssyncadd.s32 $0xFFFFC000  }
0xfc: {  	[tilespmem:s18], [sflag:$0x2] =	stream.indirect.gather [hbm4b:s4+s17], $0x80, s28, s17, $0x2000b8;
	[tilespmem:$0x1C400] =	vst v63  }
0xfd: {  	_ =	swait.ge [sflag:s19], $0x4000  }
0xfe: {  	[sflag:s19] =	ssyncset.done $0x0  }
0xff: {  	[sflag:s19] =	ssyncadd.s32 $0xFFFFC000  }
0x100: {  	[spmem:s2] =	stream.indirect.scatter.add.f32 [tilespmem:s14], [sflag:$0x3], $0x80, s29, s17, $0x2000b8;
	[tilespmem:$0x1C400] =	vst v63  }
0x101: {  	_ =	swait.ge [sflag:s15], $0x4000  }
0x102: {  	[sflag:s15] =	ssyncset.done $0x0  }
0x103: {  	[sflag:s15] =	ssyncadd.s32 $0xFFFFC000  }
0x104: {  	[tilespmem:s14], [sflag:$0x1] =	stream.indirect.gather [hbm4b:s4+s17], $0x80, s30, s17, $0x2000b8;
	[tilespmem:$0x1C400] =	vst v63  }
0x105: {  	_ =	swait.ge [sflag:s21], $0x4000  }
0x106: {  	[sflag:s21] =	ssyncset.done $0x0  }
0x107: {  	[sflag:s21] =	ssyncadd.s32 $0xFFFFC000  }
0x108: {  	[spmem:s2] =	stream.indirect.scatter.add.f32 [tilespmem:s18], [sflag:$0x3], $0x80, s31, s17, $0x2000b8;
	[tilespmem:$0x1C400] =	vst v63  }
0x109: {  	_ =	swait.ge [sflag:s15], $0x4000  }
0x10a: {  	[sflag:s15] =	ssyncset.done $0x0  }
0x10b: {  	[sflag:s15] =	ssyncadd.s32 $0xFFFFC000  }
0x10c: {  	[tilespmem:s18], [sflag:$0x2] =	stream.indirect.gather [hbm4b:s4+s17], $0x80, s1, s17, $0x2000b8;
	[tilespmem:$0x1C400] =	vst v63  }
0x10d: {  	_ =	swait.ge [sflag:s19], $0x4000  }
0x10e: {  	[sflag:s19] =	ssyncset.done $0x0  }
0x10f: {  	[sflag:s19] =	ssyncadd.s32 $0xFFFFC000  }
0x110: {  	[spmem:s2] =	stream.indirect.scatter.add.f32 [tilespmem:s14], [sflag:$0x3], $0x80, s0, s17, $0x2000b8;
	[tilespmem:$0x1C400] =	vst v63  }
0x111: {  	_ =	swait.ge [sflag:s15], $0x4000  }
0x112: {  	[sflag:s15] =	ssyncset.done $0x0  }
0x113: {  	[sflag:s15] =	ssyncadd.s32 $0xFFFFC000  }
0x114: {  	_ =	swait.ge [sflag:s21], $0x4000  }
0x115: {  	[sflag:s21] =	ssyncset.done $0x0  }
0x116: {  	[sflag:s21] =	ssyncadd.s32 $0xFFFFC000  }
0x117: {  	[spmem:s2] =	stream.indirect.scatter.add.f32 [tilespmem:s18], [sflag:$0x3], $0x80, s6, s17, $0x2000b8;
	[tilespmem:$0x1C400] =	vst v63  }
0x118: {  	_ =	swait.ge [sflag:s15], $0x4000  }
0x119: {  	[sflag:s15] =	ssyncset.done $0x0  }
0x11a: {  	[sflag:s15] =	ssyncadd.s32 $0xFFFFC000  }
0x11b: {  	_ =	strace $0x9000004C  }
0x11c: {  	[bflag:$0x0] =	sbarrier.arrive $0xFFFF  }
0x11d: {  	s10 =	stileid.u32;
	_ =	strace $0x8000004D  }
0x11e: {  	s5 =	sshll.u32 s10, $0x6;
	s10 =	rddreg [dreg:$0x3]  }
0x11f: {  	s5 =	sor.u32 $0x1C03, s5;
	s9 =	rddreg [dreg:$0x8];
	s11 =	sshrl.u32 s10, $0x3  }
0x120: {  	[hbm:s9], [sflag:s5] =	dma.local [spmem:s11], $0x2780  }
0x121: {  	_ =	swait.ge [sflag:s15], $0x2780  }
0x122: {  	s7 =	sadd.s32 $0x1, s7;
	s11 =	rddreg [dreg:$0x9]  }
0x123: {  	p0 =	sne.s32 s7, s11  }
.Ltmp2:
0x124: {  	_ = 	snop;
	(pc) =	sbr.rel @p0 .LBB2_1-.Ltmp2, $4  }
0x125: {  	_ = 	snop  }
0x126: {  	[sflag:s15] =	ssyncset.done $0x0  }
0x127: {  	[sflag:s15] =	ssyncadd.s32 $0xFFFFD880  }
0x128: {  	_ =	strace $0x9000004D  }
0x129: {  	_ =	sfence.sel $0x180000  }
0x12a: {  	[bflag:$0x0] =	sbarrier.arrive $0xFFFF  }
0x12b: {  	_ =	strace $0x9000004A  }
0x12c: {  	s0 =	stileid.u32;
	[bflag:$0x2] =	sbarrier.arrive $0xFFFF  }
0x12d: {  	p0 =	sne.s32 s0, $0x0;
	s0 =	rddreg [dreg:$0x2]  }
0x12e: {  	s0 =	sadd.s32 @!p0 $0x100000, s0  }
0x12f: {  	[sflag:s0] =	ssyncadd.tile.s32 @!p0 $0x1;
	_ =	shalt  }
.Lfunc_end2:
_tile_overlayer_lowered:
.L_overlay_start_2:
0x130: {  	(tag) =	ssettag $0x2  }
0x131: {  	s0 =	rddreg [dreg:$0x0];
	s2 =	stileid.u32  }
0x132: {  	s1 =	rddreg [dreg:$0x1];
	p0 =	sne.s32 s2, $0x0  }
0x133: {  	s3 =	rddreg [dreg:$0x2];
	[bflag:$0x3] =	sbarrier.arrive $0xFFFF;
	s2 =	simm.s32 @!p0 $0x1C03  }
0x134: {  	[timem:s3], [sflag:s2] =	dma.local @!p0 [hbm:s0], s1  }
0x135: {  	s0 =	simm.s32 @!p0 $0x3  }
0x136: {  	_ =	swait.ge @!p0 [sflag:s0], s1  }
0x137: {  	s1 =	ssub.s32 @!p0 $0x0, s1;
	[sflag:s0] =	ssyncset.done @!p0 $0x0  }
0x138: {  	[sflag:s0] =	ssyncadd.s32 @!p0 s1  }
0x139: {  	[bflag:$0x3] =	sbarrier.arrive $0xFFFF  }
0x13a: {  	_ =	shalt  }

</sc_bundles>
